<compile_context>
chip_gen: v7x
topology: tpu7x:2x2x1
jax: 0.10.2.dev20260603
libtpu: 0.0.44.dev20260713+nightly
codegen_flags: <defaults>
</compile_context>

<pallas_src>
import functools

import jax
import jax.numpy as jnp
from jax import lax
from jax.experimental import pallas as pl
from jax.experimental.pallas import tpu as pltpu
from jax.experimental.pallas import tpu_sc as plsc

N = 10000
E = 320000
D = 128
G = 64

NC = 2
NS = 16
NW = NC * NS
K = 80
CH_TOT = E // K
CH_PER_W = CH_TOT // NW
NB = 5
NB_A = 4
N_PAD = 10240
ROWS_PT = N_PAD // NS

_mesh = plsc.VectorSubcoreMesh(core_axis_name="c", subcore_axis_name="s")



@functools.partial(
    pl.kernel,
    out_type=jax.ShapeDtypeStruct((NC, N_PAD), jnp.float32),
    mesh=_mesh,
    scratch_types=[
        pltpu.VMEM((NB, K), jnp.int32),
        pltpu.VMEM((1, K), jnp.float32),
        pltpu.VMEM_SHARED((N_PAD,), jnp.float32),
    ] + [pltpu.SemaphoreType.DMA] * (2 * NB),
)
def _deg_kernel(eidx_hbm, z1_hbm, deg_hbm, ij, ones, dacc, *sems):
    cid = lax.axis_index("c")
    sid = lax.axis_index("s")
    wid = sid * NC + cid
    isem = sems[:NB]
    ssem = sems[NB:]
    cbase = wid * CH_PER_W
    for i in range(K // 16):
        ones[0, pl.ds(i * 16, 16)] = jnp.full((16,), 1.0, jnp.float32)

    def idx_start(cc, j):
        pltpu.async_copy(eidx_hbm.at[cbase + cc, 1], ij.at[j], isem[j])

    def idx_wait(cc, j):
        pltpu.make_async_copy(eidx_hbm.at[cbase + cc, 1], ij.at[j],
                              isem[j]).wait()

    def sc_start(j):
        pltpu.async_copy(ones.at[0], dacc.at[ij.at[j]], ssem[j], add=True)

    def sc_wait(j):
        pltpu.make_async_copy(ones.at[0], dacc.at[ij.at[j]],
                              ssem[j]).wait()

    for j in range(NB - 1):
        idx_start(j, j)
    pltpu.sync_copy(z1_hbm, dacc.at[pl.ds(sid * ROWS_PT, ROWS_PT)])
    plsc.subcore_barrier()

    def block(i, _):
        for j in range(NB):
            cc = NB * i + j
            jm1 = (j - 1) % NB
            idx_wait(cc, j)
            sc_start(j)

            @pl.when(cc >= 1)
            def _():
                sc_wait(jm1)

            @pl.when(cc + NB - 1 < CH_PER_W)
            def _():
                idx_start(cc + NB - 1, jm1)
        return _

    lax.fori_loop(0, CH_PER_W // NB, block, None)
    sc_wait(NB - 1)
    plsc.subcore_barrier()
    pltpu.sync_copy(dacc.at[pl.ds(sid * ROWS_PT, ROWS_PT)],
                    deg_hbm.at[cid, pl.ds(sid * ROWS_PT, ROWS_PT)])


@functools.partial(
    pl.kernel,
    out_type=jax.ShapeDtypeStruct((NC, N_PAD, D), jnp.float32),
    mesh=_mesh,
    scratch_types=[
        pltpu.VMEM((NB_A, 2, K), jnp.int32),
        pltpu.VMEM((NB_A, K, D), jnp.float32),
        pltpu.VMEM_SHARED((N_PAD, D), jnp.float32),
    ] + [pltpu.SemaphoreType.DMA] * (3 * NB_A),
)
def _agg_kernel(g_hbm, eidx_hbm, z2_hbm, out_hbm, ij, rows, acc, *sems):
    cid = lax.axis_index("c")
    sid = lax.axis_index("s")
    wid = sid * NC + cid
    isem = sems[:NB_A]
    gsem = sems[NB_A:2 * NB_A]
    ssem = sems[2 * NB_A:]
    cbase = wid * CH_PER_W

    def idx_start(cc, j):
        pltpu.async_copy(eidx_hbm.at[cbase + cc], ij.at[j], isem[j])

    def idx_wait(cc, j):
        pltpu.make_async_copy(eidx_hbm.at[cbase + cc], ij.at[j],
                              isem[j]).wait()

    def g_start(j):
        pltpu.async_copy(g_hbm.at[ij.at[j, 0]], rows.at[j], gsem[j])

    def g_wait(j):
        pltpu.make_async_copy(g_hbm.at[ij.at[j, 0]], rows.at[j],
                              gsem[j]).wait()

    def sc_start(j):
        pltpu.async_copy(rows.at[j], acc.at[ij.at[j, 1]], ssem[j], add=True)

    def sc_wait(j):
        pltpu.make_async_copy(rows.at[j], acc.at[ij.at[j, 1]],
                              ssem[j]).wait()

    for j in range(NB_A - 1):
        idx_start(j, j)
    for j in range(NB_A - 2):
        idx_wait(j, j)
        g_start(j)
    pltpu.sync_copy(z2_hbm, acc.at[pl.ds(sid * ROWS_PT, ROWS_PT)])
    plsc.subcore_barrier()

    NFULL = CH_PER_W - 1

    def block(i, _):
        for j in range(NB_A):
            cc = NB_A * i + j
            jm1 = (j - 1) % NB_A
            jm2 = (j - 2) % NB_A
            g_wait(j)
            sc_start(j)

            @pl.when(cc >= 1)
            def _():
                sc_wait(jm1)

            @pl.when(cc + NB_A - 1 < CH_PER_W)
            def _():
                idx_start(cc + NB_A - 1, jm1)

            @pl.when(cc + NB_A - 2 < CH_PER_W)
            def _():
                idx_wait(cc + NB_A - 2, jm2)
                g_start(jm2)
        return _

    lax.fori_loop(0, NFULL // NB_A, block, None)
    g_wait(0)
    sc_start(0)
    sc_wait(NB_A - 1)
    sc_wait(0)
    plsc.subcore_barrier()
    pltpu.sync_copy(acc.at[pl.ds(sid * ROWS_PT, ROWS_PT)],
                    out_hbm.at[cid].at[pl.ds(sid * ROWS_PT, ROWS_PT)])



def _prep_body(x_ref, deg_ref, w1_ref, g1_ref, dinv_ref):
    x = x_ref[...]
    mean = jnp.sum(x, axis=0, keepdims=True) / N
    msq = jnp.sum(x * x, axis=0, keepdims=True) / N
    var = jnp.maximum(msq - mean * mean, 0.0)
    std = jnp.sqrt(var)
    std = jnp.where(std == 0.0, 1.0, std)
    xs = (x - mean) / std
    xs = jnp.concatenate(
        [xs, jnp.zeros((N_PAD - N, D), jnp.float32)], axis=0)
    deg = deg_ref[0] + deg_ref[1] + 1.0
    dinv = lax.rsqrt(deg)
    g1_ref[...] = jnp.dot(xs.astype(jnp.bfloat16),
                          w1_ref[...].astype(jnp.bfloat16),
                          preferred_element_type=jnp.float32) * dinv
    dinv_ref[...] = dinv


_prep = pl.pallas_call(
    _prep_body,
    out_shape=[jax.ShapeDtypeStruct((N_PAD, D), jnp.float32),
               jax.ShapeDtypeStruct((N_PAD, 1), jnp.float32)],
)


def _mid_body(agg_ref, g1_ref, dinv_ref, b1_ref, w2_ref, g2_ref):
    t = agg_ref[0] + agg_ref[1] + g1_ref[...]
    x1 = jnp.maximum(t * dinv_ref[...] + b1_ref[...], 0.0)
    g2_ref[...] = jnp.dot(x1.astype(jnp.bfloat16),
                          w2_ref[...].astype(jnp.bfloat16),
                          preferred_element_type=jnp.float32) * dinv_ref[...]


_mid = pl.pallas_call(
    _mid_body,
    out_shape=jax.ShapeDtypeStruct((N_PAD, D), jnp.float32),
)


def _fin_body(agg_ref, g2_ref, dinv_ref, b2_ref, batch_ref, wlin_ref,
              blin_ref, out_ref):
    x2 = (agg_ref[0] + agg_ref[1] + g2_ref[...]) * dinv_ref[...] + b2_ref[...]
    oh = (batch_ref[...] ==
          lax.broadcasted_iota(jnp.int32, (N_PAD, G), 1)).astype(jnp.bfloat16)
    summed = lax.dot_general(oh, x2.astype(jnp.bfloat16),
                             (((0,), (0,)), ((), ())),
                             preferred_element_type=jnp.float32)
    counts = lax.dot_general(oh, jnp.ones((N_PAD, 1), jnp.bfloat16),
                             (((0,), (0,)), ((), ())),
                             preferred_element_type=jnp.float32)
    pooled = summed / jnp.maximum(counts, 1.0)
    out_ref[...] = jnp.dot(pooled, wlin_ref[...],
                           preferred_element_type=jnp.float32) + blin_ref[...]


_fin = pl.pallas_call(
    _fin_body,
    out_shape=jax.ShapeDtypeStruct((G, D), jnp.float32),
)



def kernel(x, edge_index, batch, W1, b1, W2, b2, Wlin, blin):
    eidx = jnp.transpose(edge_index.reshape(2, CH_TOT, K), (1, 0, 2))
    batchp = jnp.pad(batch, (0, N_PAD - N),
                     constant_values=G).reshape(N_PAD, 1)
    z1 = jnp.zeros((ROWS_PT,), jnp.float32)
    z2 = jnp.zeros((ROWS_PT, D), jnp.float32)

    deg = _deg_kernel(eidx, z1)
    g1, dinv = _prep(x, deg.reshape(NC, N_PAD, 1), W1)
    agg1 = _agg_kernel(g1, eidx, z2)
    g2 = _mid(agg1, g1, dinv, b1.reshape(1, D), W2)
    agg2 = _agg_kernel(g2, eidx, z2)
    out = _fin(agg2, g2, dinv, b2.reshape(1, D), batchp, Wlin,
               blin.reshape(1, D))
    return out

# --- scband reference (transcript-rebuilt; emitter-appended) ---
"""Pipeline reference for scband-gcn-60413009985908 (READ-ONLY COPY).

The authoritative reference and input builder live on the scoring server;
editing this copy changes nothing except your own understanding.
"""

import jax, jax.numpy as jnp
import numpy as np

N = 10000
E = 320000
IN = 128
HID = 128
OUT = 128
G = 64


def _glorot(key, fan_in, fan_out):
    limit = jnp.sqrt(6.0 / (fan_in + fan_out))
    return jax.random.uniform(key, (fan_in, fan_out), dtype=jnp.float32, minval=-limit, maxval=limit)


def setup_inputs(seed: int = 0) -> dict:
    key = jax.random.key(seed)
    ks = jax.random.split(key, 10)
    x = jax.random.normal(ks[0], (N, IN), dtype=jnp.float32)
    edge_index = jax.random.randint(ks[1], (2, E), 0, N, dtype=jnp.int32)
    batch = jnp.sort(jax.random.randint(ks[2], (N,), 0, G, dtype=jnp.int32))
    W1 = _glorot(ks[3], IN, HID)
    b1 = jnp.zeros((HID,), dtype=jnp.float32)
    W2 = _glorot(ks[4], HID, OUT)
    b2 = jnp.zeros((OUT,), dtype=jnp.float32)
    Wlin = _glorot(ks[5], HID, OUT)
    blin = jnp.zeros((OUT,), dtype=jnp.float32)
    return {"x": x, "edge_index": edge_index, "batch": batch,
            "W1": W1, "b1": b1, "W2": W2, "b2": b2, "Wlin": Wlin, "blin": blin}


def _gcn_conv(x, W, b, src, dst, norm):
    h = x @ W
    msg = h[src] * norm[:, None]
    out = jnp.zeros((N, h.shape[1]), dtype=h.dtype).at[dst].add(msg)
    return out + b


def reference(x, edge_index, batch, W1, b1, W2, b2, Wlin, blin):
    # StandardScaler().fit_transform(x): per-feature standardization (ddof=0)
    mean = jnp.mean(x, axis=0)
    std = jnp.std(x, axis=0)
    std = jnp.where(std == 0.0, 1.0, std)
    xs = ((x - mean) / std).astype(jnp.float32)

    # GCN normalization with added self-loops (PyG gcn_norm)
    loop = jnp.arange(N, dtype=edge_index.dtype)
    src = jnp.concatenate([edge_index[0], loop])
    dst = jnp.concatenate([edge_index[1], loop])
    deg = jnp.zeros((N,), dtype=jnp.float32).at[dst].add(1.0)
    dinv = jnp.where(deg > 0.0, 1.0 / jnp.sqrt(deg), 0.0)
    norm = dinv[src] * dinv[dst]

    x1 = _gcn_conv(xs, W1, b1, src, dst, norm)
    x1 = jax.nn.relu(x1)
    # F.dropout(training=self.training): eval mode -> identity
    x2 = _gcn_conv(x1, W2, b2, src, dst, norm)

    # global_mean_pool over batch assignment
    summed = jax.ops.segment_sum(x2, batch, num_segments=G)
    counts = jax.ops.segment_sum(jnp.ones((N,), dtype=jnp.float32), batch, num_segments=G)
    pooled = summed / jnp.maximum(counts, 1.0)[:, None]
    # dropout p=0.5 eval -> identity
    x3 = pooled @ Wlin + blin
    return x3

if __name__ == "__main__":
    import jax
    _d = setup_inputs()
    print(jax.jit(kernel)(*tuple(_d.values())))

</pallas_src>

<mosaic_0001>
#map = affine_map<(d0, d1) -> (0, 0)>
#map1 = affine_map<(d0, d1) -> (0, 0, 0)>
module attributes {stable_mosaic.version = 14 : i64} {
  func.func @_agg_kernel(%arg0: i32, %arg1: i32, %arg2: memref<10240x128xf32, #tpu.memory_space<hbm>>, %arg3: memref<4000x2x80xi32, #tpu.memory_space<hbm>>, %arg4: memref<640x128xf32, #tpu.memory_space<hbm>>, %arg5: memref<2x10240x128xf32, #tpu.memory_space<hbm>>, %arg6: memref<4x2x80xi32, #tpu.memory_space<vmem>>, %arg7: memref<4x80x128xf32, #tpu.memory_space<vmem>>, %arg8: memref<10240x128xf32, #tpu.memory_space<vmem_shared>>, %arg9: memref<!tpu.dma_semaphore, #tpu.memory_space<semaphore_mem>>, %arg10: memref<!tpu.dma_semaphore, #tpu.memory_space<semaphore_mem>>, %arg11: memref<!tpu.dma_semaphore, #tpu.memory_space<semaphore_mem>>, %arg12: memref<!tpu.dma_semaphore, #tpu.memory_space<semaphore_mem>>, %arg13: memref<!tpu.dma_semaphore, #tpu.memory_space<semaphore_mem>>, %arg14: memref<!tpu.dma_semaphore, #tpu.memory_space<semaphore_mem>>, %arg15: memref<!tpu.dma_semaphore, #tpu.memory_space<semaphore_mem>>, %arg16: memref<!tpu.dma_semaphore, #tpu.memory_space<semaphore_mem>>, %arg17: memref<!tpu.dma_semaphore, #tpu.memory_space<semaphore_mem>>, %arg18: memref<!tpu.dma_semaphore, #tpu.memory_space<semaphore_mem>>, %arg19: memref<!tpu.dma_semaphore, #tpu.memory_space<semaphore_mem>>, %arg20: memref<!tpu.dma_semaphore, #tpu.memory_space<semaphore_mem>>) attributes {dimension_semantics = [#tpu.dimension_semantics<core_parallel>, #tpu.dimension_semantics<subcore_parallel>], iteration_bounds = array<i64: 2, 16>, scalar_prefetch = 0 : i64, scratch_operands = 15 : i64, tpu.core_type = #tpu.core_type<sc_vector_subcore>, window_params = [{transform_indices = #map}, {transform_indices = #map1}, {transform_indices = #map}, {transform_indices = #map1}]} {
    %mul3A = arith.constant 2 : i32
    %mul3A_0 = arith.muli %arg1, %mul3A : i32
    %add3A = arith.addi %mul3A_0, %arg0 : i32
    %mul3A_1 = arith.constant 125 : i32
    %mul3A_2 = arith.muli %add3A, %mul3A_1 : i32
    %add3A_3 = arith.constant 0 : i32
    %add3A_4 = arith.addi %mul3A_2, %add3A_3 : i32
    %dma_start3A = arith.constant 0 : i32
    %dma_start3A_5 = arith.constant 0 : i32
    %dma_start3A_6 = arith.constant 0 : i32
    %dma_start3A_7 = tpu.memref_slice %arg6[%dma_start3A, %dma_start3A_5, %dma_start3A_6] : memref<4x2x80xi32, #tpu.memory_space<vmem>> -> memref<1x2x80xi32, #tpu.memory_space<vmem>>
    %dma_start3A_8 = tpu.memref_squeeze %dma_start3A_7 : memref<1x2x80xi32, #tpu.memory_space<vmem>> -> memref<2x80xi32, #tpu.memory_space<vmem>>
    %dma_start3A_9 = arith.constant 0 : i32
    %dma_start3A_10 = arith.constant 0 : i32
    %dma_start3A_11 = tpu.memref_slice %arg3[%add3A_4, %dma_start3A_9, %dma_start3A_10] : memref<4000x2x80xi32, #tpu.memory_space<hbm>> -> memref<1x2x80xi32, #tpu.memory_space<hbm>>
    %dma_start3A_12 = tpu.memref_squeeze %dma_start3A_11 : memref<1x2x80xi32, #tpu.memory_space<hbm>> -> memref<2x80xi32, #tpu.memory_space<hbm>>
    %dma_start3A_13 = arith.constant 0 : i32
    %dma_start3A_14 = arith.constant 0 : i32
    %dma_start3A_15 = tpu.memref_slice %arg6[%dma_start3A, %dma_start3A_13, %dma_start3A_14] : memref<4x2x80xi32, #tpu.memory_space<vmem>> -> memref<1x2x80xi32, #tpu.memory_space<vmem>>
    %dma_start3A_16 = tpu.memref_squeeze %dma_start3A_15 : memref<1x2x80xi32, #tpu.memory_space<vmem>> -> memref<2x80xi32, #tpu.memory_space<vmem>>
    %dma_start3A_17 = arith.constant 0 : i32
    %dma_start3A_18 = arith.constant 0 : i32
    %dma_start3A_19 = tpu.memref_slice %arg3[%add3A_4, %dma_start3A_17, %dma_start3A_18] : memref<4000x2x80xi32, #tpu.memory_space<hbm>> -> memref<1x2x80xi32, #tpu.memory_space<hbm>>
    %dma_start3A_20 = tpu.memref_squeeze %dma_start3A_19 : memref<1x2x80xi32, #tpu.memory_space<hbm>> -> memref<2x80xi32, #tpu.memory_space<hbm>>
    tpu.enqueue_dma source(%dma_start3A_20 : memref<2x80xi32, #tpu.memory_space<hbm>>) target(%dma_start3A_16 : memref<2x80xi32, #tpu.memory_space<vmem>>) target_semaphore(%arg9 : memref<!tpu.dma_semaphore, #tpu.memory_space<semaphore_mem>>)
    %add3A_21 = arith.constant 1 : i32
    %add3A_22 = arith.addi %mul3A_2, %add3A_21 : i32
    %dma_start3A_23 = arith.constant 1 : i32
    %dma_start3A_24 = arith.constant 0 : i32
    %dma_start3A_25 = arith.constant 0 : i32
    %dma_start3A_26 = tpu.memref_slice %arg6[%dma_start3A_23, %dma_start3A_24, %dma_start3A_25] : memref<4x2x80xi32, #tpu.memory_space<vmem>> -> memref<1x2x80xi32, #tpu.memory_space<vmem>>
    %dma_start3A_27 = tpu.memref_squeeze %dma_start3A_26 : memref<1x2x80xi32, #tpu.memory_space<vmem>> -> memref<2x80xi32, #tpu.memory_space<vmem>>
    %dma_start3A_28 = arith.constant 0 : i32
    %dma_start3A_29 = arith.constant 0 : i32
    %dma_start3A_30 = tpu.memref_slice %arg3[%add3A_22, %dma_start3A_28, %dma_start3A_29] : memref<4000x2x80xi32, #tpu.memory_space<hbm>> -> memref<1x2x80xi32, #tpu.memory_space<hbm>>
    %dma_start3A_31 = tpu.memref_squeeze %dma_start3A_30 : memref<1x2x80xi32, #tpu.memory_space<hbm>> -> memref<2x80xi32, #tpu.memory_space<hbm>>
    %dma_start3A_32 = arith.constant 0 : i32
    %dma_start3A_33 = arith.constant 0 : i32
    %dma_start3A_34 = tpu.memref_slice %arg6[%dma_start3A_23, %dma_start3A_32, %dma_start3A_33] : memref<4x2x80xi32, #tpu.memory_space<vmem>> -> memref<1x2x80xi32, #tpu.memory_space<vmem>>
    %dma_start3A_35 = tpu.memref_squeeze %dma_start3A_34 : memref<1x2x80xi32, #tpu.memory_space<vmem>> -> memref<2x80xi32, #tpu.memory_space<vmem>>
    %dma_start3A_36 = arith.constant 0 : i32
    %dma_start3A_37 = arith.constant 0 : i32
    %dma_start3A_38 = tpu.memref_slice %arg3[%add3A_22, %dma_start3A_36, %dma_start3A_37] : memref<4000x2x80xi32, #tpu.memory_space<hbm>> -> memref<1x2x80xi32, #tpu.memory_space<hbm>>
    %dma_start3A_39 = tpu.memref_squeeze %dma_start3A_38 : memref<1x2x80xi32, #tpu.memory_space<hbm>> -> memref<2x80xi32, #tpu.memory_space<hbm>>
    tpu.enqueue_dma source(%dma_start3A_39 : memref<2x80xi32, #tpu.memory_space<hbm>>) target(%dma_start3A_35 : memref<2x80xi32, #tpu.memory_space<vmem>>) target_semaphore(%arg10 : memref<!tpu.dma_semaphore, #tpu.memory_space<semaphore_mem>>)
    %add3A_40 = arith.constant 2 : i32
    %add3A_41 = arith.addi %mul3A_2, %add3A_40 : i32
    %dma_start3A_42 = arith.constant 2 : i32
    %dma_start3A_43 = arith.constant 0 : i32
    %dma_start3A_44 = arith.constant 0 : i32
    %dma_start3A_45 = tpu.memref_slice %arg6[%dma_start3A_42, %dma_start3A_43, %dma_start3A_44] : memref<4x2x80xi32, #tpu.memory_space<vmem>> -> memref<1x2x80xi32, #tpu.memory_space<vmem>>
    %dma_start3A_46 = tpu.memref_squeeze %dma_start3A_45 : memref<1x2x80xi32, #tpu.memory_space<vmem>> -> memref<2x80xi32, #tpu.memory_space<vmem>>
    %dma_start3A_47 = arith.constant 0 : i32
    %dma_start3A_48 = arith.constant 0 : i32
    %dma_start3A_49 = tpu.memref_slice %arg3[%add3A_41, %dma_start3A_47, %dma_start3A_48] : memref<4000x2x80xi32, #tpu.memory_space<hbm>> -> memref<1x2x80xi32, #tpu.memory_space<hbm>>
    %dma_start3A_50 = tpu.memref_squeeze %dma_start3A_49 : memref<1x2x80xi32, #tpu.memory_space<hbm>> -> memref<2x80xi32, #tpu.memory_space<hbm>>
    %dma_start3A_51 = arith.constant 0 : i32
    %dma_start3A_52 = arith.constant 0 : i32
    %dma_start3A_53 = tpu.memref_slice %arg6[%dma_start3A_42, %dma_start3A_51, %dma_start3A_52] : memref<4x2x80xi32, #tpu.memory_space<vmem>> -> memref<1x2x80xi32, #tpu.memory_space<vmem>>
    %dma_start3A_54 = tpu.memref_squeeze %dma_start3A_53 : memref<1x2x80xi32, #tpu.memory_space<vmem>> -> memref<2x80xi32, #tpu.memory_space<vmem>>
    %dma_start3A_55 = arith.constant 0 : i32
    %dma_start3A_56 = arith.constant 0 : i32
    %dma_start3A_57 = tpu.memref_slice %arg3[%add3A_41, %dma_start3A_55, %dma_start3A_56] : memref<4000x2x80xi32, #tpu.memory_space<hbm>> -> memref<1x2x80xi32, #tpu.memory_space<hbm>>
    %dma_start3A_58 = tpu.memref_squeeze %dma_start3A_57 : memref<1x2x80xi32, #tpu.memory_space<hbm>> -> memref<2x80xi32, #tpu.memory_space<hbm>>
    tpu.enqueue_dma source(%dma_start3A_58 : memref<2x80xi32, #tpu.memory_space<hbm>>) target(%dma_start3A_54 : memref<2x80xi32, #tpu.memory_space<vmem>>) target_semaphore(%arg11 : memref<!tpu.dma_semaphore, #tpu.memory_space<semaphore_mem>>)
    %add3A_59 = arith.constant 0 : i32
    %add3A_60 = arith.addi %mul3A_2, %add3A_59 : i32
    %dma_wait3A = arith.constant 0 : i32
    %dma_wait3A_61 = arith.constant 0 : i32
    %dma_wait3A_62 = arith.constant 0 : i32
    %dma_wait3A_63 = tpu.memref_slice %arg6[%dma_wait3A, %dma_wait3A_61, %dma_wait3A_62] : memref<4x2x80xi32, #tpu.memory_space<vmem>> -> memref<1x2x80xi32, #tpu.memory_space<vmem>>
    %dma_wait3A_64 = tpu.memref_squeeze %dma_wait3A_63 : memref<1x2x80xi32, #tpu.memory_space<vmem>> -> memref<2x80xi32, #tpu.memory_space<vmem>>
    %dma_wait3A_65 = arith.constant 0 : i32
    %dma_wait3A_66 = arith.constant 0 : i32
    %dma_wait3A_67 = tpu.memref_slice %arg3[%add3A_60, %dma_wait3A_65, %dma_wait3A_66] : memref<4000x2x80xi32, #tpu.memory_space<hbm>> -> memref<1x2x80xi32, #tpu.memory_space<hbm>>
    %dma_wait3A_68 = tpu.memref_squeeze %dma_wait3A_67 : memref<1x2x80xi32, #tpu.memory_space<hbm>> -> memref<2x80xi32, #tpu.memory_space<hbm>>
    %dma_wait3A_69 = arith.constant 0 : i32
    %dma_wait3A_70 = arith.constant 0 : i32
    %dma_wait3A_71 = tpu.memref_slice %arg6[%dma_wait3A, %dma_wait3A_69, %dma_wait3A_70] : memref<4x2x80xi32, #tpu.memory_space<vmem>> -> memref<1x2x80xi32, #tpu.memory_space<vmem>>
    %dma_wait3A_72 = tpu.memref_squeeze %dma_wait3A_71 : memref<1x2x80xi32, #tpu.memory_space<vmem>> -> memref<2x80xi32, #tpu.memory_space<vmem>>
    %dma_wait3A_73 = arith.constant 0 : i32
    %dma_wait3A_74 = arith.constant 0 : i32
    %dma_wait3A_75 = tpu.memref_slice %arg3[%add3A_60, %dma_wait3A_73, %dma_wait3A_74] : memref<4000x2x80xi32, #tpu.memory_space<hbm>> -> memref<1x2x80xi32, #tpu.memory_space<hbm>>
    %dma_wait3A_76 = tpu.memref_squeeze %dma_wait3A_75 : memref<1x2x80xi32, #tpu.memory_space<hbm>> -> memref<2x80xi32, #tpu.memory_space<hbm>>
    tpu.wait_dma2 semaphore(%arg9 : memref<!tpu.dma_semaphore, #tpu.memory_space<semaphore_mem>>) src(%dma_wait3A_76 : memref<2x80xi32, #tpu.memory_space<hbm>>) dst(%dma_wait3A_72 : memref<2x80xi32, #tpu.memory_space<vmem>>)
    %dma_start3A_77 = arith.constant 0 : i32
    %dma_start3A_78 = arith.constant 0 : i32
    %dma_start3A_79 = arith.constant 0 : i32
    %dma_start3A_80 = arith.constant 0 : i32
    %dma_start3A_81 = arith.constant 0 : i32
    %dma_start3A_82 = tpu.memref_slice %arg7[%dma_start3A_79, %dma_start3A_80, %dma_start3A_81] : memref<4x80x128xf32, #tpu.memory_space<vmem>> -> memref<1x80x128xf32, #tpu.memory_space<vmem>>
    %dma_start3A_83 = tpu.memref_squeeze %dma_start3A_82 : memref<1x80x128xf32, #tpu.memory_space<vmem>> -> memref<80x128xf32, #tpu.memory_space<vmem>>
    %dma_start3A_84 = arith.constant 0 : i32
    %dma_start3A_85 = tpu.memref_slice %arg6[%dma_start3A_77, %dma_start3A_78, %dma_start3A_84] : memref<4x2x80xi32, #tpu.memory_space<vmem>> -> memref<1x1x80xi32, #tpu.memory_space<vmem>>
    %dma_start3A_86 = tpu.memref_squeeze %dma_start3A_85 : memref<1x1x80xi32, #tpu.memory_space<vmem>> -> memref<80xi32, #tpu.memory_space<vmem>>
    %dma_start3A_87 = arith.constant 0 : i32
    %dma_start3A_88 = arith.constant 0 : i32
    %dma_start3A_89 = tpu.memref_slice %arg2[%dma_start3A_87, %dma_start3A_88] : memref<10240x128xf32, #tpu.memory_space<hbm>> -> memref<10240x128xf32, #tpu.memory_space<hbm>>
    tpu.enqueue_indirect_dma source(%dma_start3A_89 : memref<10240x128xf32, #tpu.memory_space<hbm>>) target(%dma_start3A_83 : memref<80x128xf32, #tpu.memory_space<vmem>>) offsets(%dma_start3A_86 : memref<80xi32, #tpu.memory_space<vmem>>) semaphore(%arg13 : memref<!tpu.dma_semaphore, #tpu.memory_space<semaphore_mem>>)
    %add3A_90 = arith.constant 1 : i32
    %add3A_91 = arith.addi %mul3A_2, %add3A_90 : i32
    %dma_wait3A_92 = arith.constant 1 : i32
    %dma_wait3A_93 = arith.constant 0 : i32
    %dma_wait3A_94 = arith.constant 0 : i32
    %dma_wait3A_95 = tpu.memref_slice %arg6[%dma_wait3A_92, %dma_wait3A_93, %dma_wait3A_94] : memref<4x2x80xi32, #tpu.memory_space<vmem>> -> memref<1x2x80xi32, #tpu.memory_space<vmem>>
    %dma_wait3A_96 = tpu.memref_squeeze %dma_wait3A_95 : memref<1x2x80xi32, #tpu.memory_space<vmem>> -> memref<2x80xi32, #tpu.memory_space<vmem>>
    %dma_wait3A_97 = arith.constant 0 : i32
    %dma_wait3A_98 = arith.constant 0 : i32
    %dma_wait3A_99 = tpu.memref_slice %arg3[%add3A_91, %dma_wait3A_97, %dma_wait3A_98] : memref<4000x2x80xi32, #tpu.memory_space<hbm>> -> memref<1x2x80xi32, #tpu.memory_space<hbm>>
    %dma_wait3A_100 = tpu.memref_squeeze %dma_wait3A_99 : memref<1x2x80xi32, #tpu.memory_space<hbm>> -> memref<2x80xi32, #tpu.memory_space<hbm>>
    %dma_wait3A_101 = arith.constant 0 : i32
    %dma_wait3A_102 = arith.constant 0 : i32
    %dma_wait3A_103 = tpu.memref_slice %arg6[%dma_wait3A_92, %dma_wait3A_101, %dma_wait3A_102] : memref<4x2x80xi32, #tpu.memory_space<vmem>> -> memref<1x2x80xi32, #tpu.memory_space<vmem>>
    %dma_wait3A_104 = tpu.memref_squeeze %dma_wait3A_103 : memref<1x2x80xi32, #tpu.memory_space<vmem>> -> memref<2x80xi32, #tpu.memory_space<vmem>>
    %dma_wait3A_105 = arith.constant 0 : i32
    %dma_wait3A_106 = arith.constant 0 : i32
    %dma_wait3A_107 = tpu.memref_slice %arg3[%add3A_91, %dma_wait3A_105, %dma_wait3A_106] : memref<4000x2x80xi32, #tpu.memory_space<hbm>> -> memref<1x2x80xi32, #tpu.memory_space<hbm>>
    %dma_wait3A_108 = tpu.memref_squeeze %dma_wait3A_107 : memref<1x2x80xi32, #tpu.memory_space<hbm>> -> memref<2x80xi32, #tpu.memory_space<hbm>>
    tpu.wait_dma2 semaphore(%arg10 : memref<!tpu.dma_semaphore, #tpu.memory_space<semaphore_mem>>) src(%dma_wait3A_108 : memref<2x80xi32, #tpu.memory_space<hbm>>) dst(%dma_wait3A_104 : memref<2x80xi32, #tpu.memory_space<vmem>>)
    %dma_start3A_109 = arith.constant 1 : i32
    %dma_start3A_110 = arith.constant 0 : i32
    %dma_start3A_111 = arith.constant 1 : i32
    %dma_start3A_112 = arith.constant 0 : i32
    %dma_start3A_113 = arith.constant 0 : i32
    %dma_start3A_114 = tpu.memref_slice %arg7[%dma_start3A_111, %dma_start3A_112, %dma_start3A_113] : memref<4x80x128xf32, #tpu.memory_space<vmem>> -> memref<1x80x128xf32, #tpu.memory_space<vmem>>
    %dma_start3A_115 = tpu.memref_squeeze %dma_start3A_114 : memref<1x80x128xf32, #tpu.memory_space<vmem>> -> memref<80x128xf32, #tpu.memory_space<vmem>>
    %dma_start3A_116 = arith.constant 0 : i32
    %dma_start3A_117 = tpu.memref_slice %arg6[%dma_start3A_109, %dma_start3A_110, %dma_start3A_116] : memref<4x2x80xi32, #tpu.memory_space<vmem>> -> memref<1x1x80xi32, #tpu.memory_space<vmem>>
    %dma_start3A_118 = tpu.memref_squeeze %dma_start3A_117 : memref<1x1x80xi32, #tpu.memory_space<vmem>> -> memref<80xi32, #tpu.memory_space<vmem>>
    %dma_start3A_119 = arith.constant 0 : i32
    %dma_start3A_120 = arith.constant 0 : i32
    %dma_start3A_121 = tpu.memref_slice %arg2[%dma_start3A_119, %dma_start3A_120] : memref<10240x128xf32, #tpu.memory_space<hbm>> -> memref<10240x128xf32, #tpu.memory_space<hbm>>
    tpu.enqueue_indirect_dma source(%dma_start3A_121 : memref<10240x128xf32, #tpu.memory_space<hbm>>) target(%dma_start3A_115 : memref<80x128xf32, #tpu.memory_space<vmem>>) offsets(%dma_start3A_118 : memref<80xi32, #tpu.memory_space<vmem>>) semaphore(%arg14 : memref<!tpu.dma_semaphore, #tpu.memory_space<semaphore_mem>>)
    %mul3A_122 = arith.constant 640 : i32
    %mul3A_123 = arith.muli %arg1, %mul3A_122 : i32
    "tpu.region"() ({
      %run_scoped3A = tpu.sem_alloc : memref<!tpu.dma_semaphore, #tpu.memory_space<semaphore_mem>>
      %dma_start3A_185 = arith.constant 0 : i32
      %dma_start3A_186 = tpu.memref_slice %arg8[%mul3A_123, %dma_start3A_185] : memref<10240x128xf32, #tpu.memory_space<vmem_shared>> -> memref<640x128xf32, #tpu.memory_space<vmem_shared>>
      tpu.enqueue_dma source(%arg4 : memref<640x128xf32, #tpu.memory_space<hbm>>) target(%dma_start3A_186 : memref<640x128xf32, #tpu.memory_space<vmem_shared>>) target_semaphore(%run_scoped3A : memref<!tpu.dma_semaphore, #tpu.memory_space<semaphore_mem>>)
      %dma_wait3A_187 = arith.constant 0 : i32
      %dma_wait3A_188 = tpu.memref_slice %arg8[%mul3A_123, %dma_wait3A_187] : memref<10240x128xf32, #tpu.memory_space<vmem_shared>> -> memref<640x128xf32, #tpu.memory_space<vmem_shared>>
      tpu.wait_dma2 semaphore(%run_scoped3A : memref<!tpu.dma_semaphore, #tpu.memory_space<semaphore_mem>>) src(%arg4 : memref<640x128xf32, #tpu.memory_space<hbm>>) dst(%dma_wait3A_188 : memref<640x128xf32, #tpu.memory_space<vmem_shared>>)
      tpu.yield
    }) : () -> ()
    %barrier3A = arith.constant 0 : index
    tpu.barrier barrier_id(%barrier3A)
    %scan3A = arith.constant 0 : i32
    %scan3A_124 = arith.constant 31 : i32
    %scan3A_125 = arith.addi %scan3A, %scan3A_124 : i32
    %scan3A_126 = arith.constant 1 : i32
    scf.for %scan3A_185 = %scan3A to %scan3A_125 step %scan3A_126  : i32 {
      %mul3A_186 = arith.constant 4 : i32
      %mul3A_187 = arith.muli %mul3A_186, %scan3A_185 : i32
      %add3A_188 = arith.constant 0 : i32
      %add3A_189 = arith.addi %mul3A_187, %add3A_188 : i32
      %dma_wait3A_190 = arith.constant 0 : i32
      %dma_wait3A_191 = arith.constant 0 : i32
      %dma_wait3A_192 = arith.constant 0 : i32
      %dma_wait3A_193 = arith.constant 0 : i32
      %dma_wait3A_194 = arith.constant 0 : i32
      %dma_wait3A_195 = tpu.memref_slice %arg7[%dma_wait3A_192, %dma_wait3A_193, %dma_wait3A_194] : memref<4x80x128xf32, #tpu.memory_space<vmem>> -> memref<1x80x128xf32, #tpu.memory_space<vmem>>
      %dma_wait3A_196 = tpu.memref_squeeze %dma_wait3A_195 : memref<1x80x128xf32, #tpu.memory_space<vmem>> -> memref<80x128xf32, #tpu.memory_space<vmem>>
      %dma_wait3A_197 = arith.constant 0 : i32
      %dma_wait3A_198 = tpu.memref_slice %arg6[%dma_wait3A_190, %dma_wait3A_191, %dma_wait3A_197] : memref<4x2x80xi32, #tpu.memory_space<vmem>> -> memref<1x1x80xi32, #tpu.memory_space<vmem>>
      %dma_wait3A_199 = tpu.memref_squeeze %dma_wait3A_198 : memref<1x1x80xi32, #tpu.memory_space<vmem>> -> memref<80xi32, #tpu.memory_space<vmem>>
      %dma_wait3A_200 = arith.constant 0 : i32
      %dma_wait3A_201 = arith.constant 0 : i32
      %dma_wait3A_202 = tpu.memref_slice %arg2[%dma_wait3A_200, %dma_wait3A_201] : memref<10240x128xf32, #tpu.memory_space<hbm>> -> memref<10240x128xf32, #tpu.memory_space<hbm>>
      tpu.wait_indirect_dma semaphore(%arg13 : memref<!tpu.dma_semaphore, #tpu.memory_space<semaphore_mem>>) src(%dma_wait3A_202 : memref<10240x128xf32, #tpu.memory_space<hbm>>) dst(%dma_wait3A_196 : memref<80x128xf32, #tpu.memory_space<vmem>>)
      %dma_start3A_203 = arith.constant 0 : i32
      %dma_start3A_204 = arith.constant 0 : i32
      %dma_start3A_205 = arith.constant 1 : i32
      %dma_start3A_206 = arith.constant 0 : i32
      %dma_start3A_207 = arith.constant 0 : i32
      %dma_start3A_208 = tpu.memref_slice %arg7[%dma_start3A_203, %dma_start3A_206, %dma_start3A_207] : memref<4x80x128xf32, #tpu.memory_space<vmem>> -> memref<1x80x128xf32, #tpu.memory_space<vmem>>
      %dma_start3A_209 = tpu.memref_squeeze %dma_start3A_208 : memref<1x80x128xf32, #tpu.memory_space<vmem>> -> memref<80x128xf32, #tpu.memory_space<vmem>>
      %dma_start3A_210 = arith.constant 0 : i32
      %dma_start3A_211 = tpu.memref_slice %arg6[%dma_start3A_204, %dma_start3A_205, %dma_start3A_210] : memref<4x2x80xi32, #tpu.memory_space<vmem>> -> memref<1x1x80xi32, #tpu.memory_space<vmem>>
      %dma_start3A_212 = tpu.memref_squeeze %dma_start3A_211 : memref<1x1x80xi32, #tpu.memory_space<vmem>> -> memref<80xi32, #tpu.memory_space<vmem>>
      %dma_start3A_213 = arith.constant 0 : i32
      %dma_start3A_214 = arith.constant 0 : i32
      %dma_start3A_215 = tpu.memref_slice %arg8[%dma_start3A_213, %dma_start3A_214] : memref<10240x128xf32, #tpu.memory_space<vmem_shared>> -> memref<10240x128xf32, #tpu.memory_space<vmem_shared>>
      tpu.enqueue_indirect_dma source(%dma_start3A_209 : memref<80x128xf32, #tpu.memory_space<vmem>>) target(%dma_start3A_215 : memref<10240x128xf32, #tpu.memory_space<vmem_shared>>) offsets(%dma_start3A_212 : memref<80xi32, #tpu.memory_space<vmem>>) semaphore(%arg17 : memref<!tpu.dma_semaphore, #tpu.memory_space<semaphore_mem>>) {add = true}
      %ge3A = arith.constant 1 : i32
      %ge3A_216 = arith.cmpi sge, %add3A_189, %ge3A : i32
      %convert_element_type3A = arith.extui %ge3A_216 : i1 to i32
      %cond3A = arith.constant 0 : i32
      %cond3A_217 = arith.cmpi ne, %convert_element_type3A, %cond3A : i32
      scf.if %cond3A_217 {
        %dma_wait3A_393 = arith.constant 3 : i32
        %dma_wait3A_394 = arith.constant 3 : i32
        %dma_wait3A_395 = arith.constant 1 : i32
        %dma_wait3A_396 = arith.constant 0 : i32
        %dma_wait3A_397 = arith.constant 0 : i32
        %dma_wait3A_398 = tpu.memref_slice %arg7[%dma_wait3A_393, %dma_wait3A_396, %dma_wait3A_397] : memref<4x80x128xf32, #tpu.memory_space<vmem>> -> memref<1x80x128xf32, #tpu.memory_space<vmem>>
        %dma_wait3A_399 = tpu.memref_squeeze %dma_wait3A_398 : memref<1x80x128xf32, #tpu.memory_space<vmem>> -> memref<80x128xf32, #tpu.memory_space<vmem>>
        %dma_wait3A_400 = arith.constant 0 : i32
        %dma_wait3A_401 = tpu.memref_slice %arg6[%dma_wait3A_394, %dma_wait3A_395, %dma_wait3A_400] : memref<4x2x80xi32, #tpu.memory_space<vmem>> -> memref<1x1x80xi32, #tpu.memory_space<vmem>>
        %dma_wait3A_402 = tpu.memref_squeeze %dma_wait3A_401 : memref<1x1x80xi32, #tpu.memory_space<vmem>> -> memref<80xi32, #tpu.memory_space<vmem>>
        %dma_wait3A_403 = arith.constant 0 : i32
        %dma_wait3A_404 = arith.constant 0 : i32
        %dma_wait3A_405 = tpu.memref_slice %arg8[%dma_wait3A_403, %dma_wait3A_404] : memref<10240x128xf32, #tpu.memory_space<vmem_shared>> -> memref<10240x128xf32, #tpu.memory_space<vmem_shared>>
        tpu.wait_indirect_dma semaphore(%arg20 : memref<!tpu.dma_semaphore, #tpu.memory_space<semaphore_mem>>) src(%dma_wait3A_399 : memref<80x128xf32, #tpu.memory_space<vmem>>) dst(%dma_wait3A_405 : memref<10240x128xf32, #tpu.memory_space<vmem_shared>>)
      } else {
      }
      %add3A_218 = arith.constant 4 : i32
      %add3A_219 = arith.addi %add3A_189, %add3A_218 : i32
      %sub3A = arith.constant 1 : i32
      %sub3A_220 = arith.subi %add3A_219, %sub3A : i32
      %lt3A = arith.constant 125 : i32
      %lt3A_221 = arith.cmpi slt, %sub3A_220, %lt3A : i32
      %convert_element_type3A_222 = arith.extui %lt3A_221 : i1 to i32
      %cond3A_223 = arith.constant 0 : i32
      %cond3A_224 = arith.cmpi ne, %convert_element_type3A_222, %cond3A_223 : i32
      scf.if %cond3A_224 {
        %add3A_393 = arith.constant 4 : i32
        %add3A_394 = arith.addi %add3A_189, %add3A_393 : i32
        %sub3A_395 = arith.constant 1 : i32
        %sub3A_396 = arith.subi %add3A_394, %sub3A_395 : i32
        %add3A_397 = arith.addi %mul3A_2, %sub3A_396 : i32
        %dma_start3A_398 = arith.constant 3 : i32
        %dma_start3A_399 = arith.constant 0 : i32
        %dma_start3A_400 = arith.constant 0 : i32
        %dma_start3A_401 = tpu.memref_slice %arg6[%dma_start3A_398, %dma_start3A_399, %dma_start3A_400] : memref<4x2x80xi32, #tpu.memory_space<vmem>> -> memref<1x2x80xi32, #tpu.memory_space<vmem>>
        %dma_start3A_402 = tpu.memref_squeeze %dma_start3A_401 : memref<1x2x80xi32, #tpu.memory_space<vmem>> -> memref<2x80xi32, #tpu.memory_space<vmem>>
        %dma_start3A_403 = arith.constant 0 : i32
        %dma_start3A_404 = arith.constant 0 : i32
        %dma_start3A_405 = tpu.memref_slice %arg3[%add3A_397, %dma_start3A_403, %dma_start3A_404] : memref<4000x2x80xi32, #tpu.memory_space<hbm>> -> memref<1x2x80xi32, #tpu.memory_space<hbm>>
        %dma_start3A_406 = tpu.memref_squeeze %dma_start3A_405 : memref<1x2x80xi32, #tpu.memory_space<hbm>> -> memref<2x80xi32, #tpu.memory_space<hbm>>
        %dma_start3A_407 = arith.constant 0 : i32
        %dma_start3A_408 = arith.constant 0 : i32
        %dma_start3A_409 = tpu.memref_slice %arg6[%dma_start3A_398, %dma_start3A_407, %dma_start3A_408] : memref<4x2x80xi32, #tpu.memory_space<vmem>> -> memref<1x2x80xi32, #tpu.memory_space<vmem>>
        %dma_start3A_410 = tpu.memref_squeeze %dma_start3A_409 : memref<1x2x80xi32, #tpu.memory_space<vmem>> -> memref<2x80xi32, #tpu.memory_space<vmem>>
        %dma_start3A_411 = arith.constant 0 : i32
        %dma_start3A_412 = arith.constant 0 : i32
        %dma_start3A_413 = tpu.memref_slice %arg3[%add3A_397, %dma_start3A_411, %dma_start3A_412] : memref<4000x2x80xi32, #tpu.memory_space<hbm>> -> memref<1x2x80xi32, #tpu.memory_space<hbm>>
        %dma_start3A_414 = tpu.memref_squeeze %dma_start3A_413 : memref<1x2x80xi32, #tpu.memory_space<hbm>> -> memref<2x80xi32, #tpu.memory_space<hbm>>
        tpu.enqueue_dma source(%dma_start3A_414 : memref<2x80xi32, #tpu.memory_space<hbm>>) target(%dma_start3A_410 : memref<2x80xi32, #tpu.memory_space<vmem>>) target_semaphore(%arg12 : memref<!tpu.dma_semaphore, #tpu.memory_space<semaphore_mem>>)
      } else {
      }
      %add3A_225 = arith.constant 4 : i32
      %add3A_226 = arith.addi %add3A_189, %add3A_225 : i32
      %sub3A_227 = arith.constant 2 : i32
      %sub3A_228 = arith.subi %add3A_226, %sub3A_227 : i32
      %lt3A_229 = arith.constant 125 : i32
      %lt3A_230 = arith.cmpi slt, %sub3A_228, %lt3A_229 : i32
      %convert_element_type3A_231 = arith.extui %lt3A_230 : i1 to i32
      %cond3A_232 = arith.constant 0 : i32
      %cond3A_233 = arith.cmpi ne, %convert_element_type3A_231, %cond3A_232 : i32
      scf.if %cond3A_233 {
        %add3A_393 = arith.constant 4 : i32
        %add3A_394 = arith.addi %add3A_189, %add3A_393 : i32
        %sub3A_395 = arith.constant 2 : i32
        %sub3A_396 = arith.subi %add3A_394, %sub3A_395 : i32
        %add3A_397 = arith.addi %mul3A_2, %sub3A_396 : i32
        %dma_wait3A_398 = arith.constant 2 : i32
        %dma_wait3A_399 = arith.constant 0 : i32
        %dma_wait3A_400 = arith.constant 0 : i32
        %dma_wait3A_401 = tpu.memref_slice %arg6[%dma_wait3A_398, %dma_wait3A_399, %dma_wait3A_400] : memref<4x2x80xi32, #tpu.memory_space<vmem>> -> memref<1x2x80xi32, #tpu.memory_space<vmem>>
        %dma_wait3A_402 = tpu.memref_squeeze %dma_wait3A_401 : memref<1x2x80xi32, #tpu.memory_space<vmem>> -> memref<2x80xi32, #tpu.memory_space<vmem>>
        %dma_wait3A_403 = arith.constant 0 : i32
        %dma_wait3A_404 = arith.constant 0 : i32
        %dma_wait3A_405 = tpu.memref_slice %arg3[%add3A_397, %dma_wait3A_403, %dma_wait3A_404] : memref<4000x2x80xi32, #tpu.memory_space<hbm>> -> memref<1x2x80xi32, #tpu.memory_space<hbm>>
        %dma_wait3A_406 = tpu.memref_squeeze %dma_wait3A_405 : memref<1x2x80xi32, #tpu.memory_space<hbm>> -> memref<2x80xi32, #tpu.memory_space<hbm>>
        %dma_wait3A_407 = arith.constant 0 : i32
        %dma_wait3A_408 = arith.constant 0 : i32
        %dma_wait3A_409 = tpu.memref_slice %arg6[%dma_wait3A_398, %dma_wait3A_407, %dma_wait3A_408] : memref<4x2x80xi32, #tpu.memory_space<vmem>> -> memref<1x2x80xi32, #tpu.memory_space<vmem>>
        %dma_wait3A_410 = tpu.memref_squeeze %dma_wait3A_409 : memref<1x2x80xi32, #tpu.memory_space<vmem>> -> memref<2x80xi32, #tpu.memory_space<vmem>>
        %dma_wait3A_411 = arith.constant 0 : i32
        %dma_wait3A_412 = arith.constant 0 : i32
        %dma_wait3A_413 = tpu.memref_slice %arg3[%add3A_397, %dma_wait3A_411, %dma_wait3A_412] : memref<4000x2x80xi32, #tpu.memory_space<hbm>> -> memref<1x2x80xi32, #tpu.memory_space<hbm>>
        %dma_wait3A_414 = tpu.memref_squeeze %dma_wait3A_413 : memref<1x2x80xi32, #tpu.memory_space<hbm>> -> memref<2x80xi32, #tpu.memory_space<hbm>>
        tpu.wait_dma2 semaphore(%arg11 : memref<!tpu.dma_semaphore, #tpu.memory_space<semaphore_mem>>) src(%dma_wait3A_414 : memref<2x80xi32, #tpu.memory_space<hbm>>) dst(%dma_wait3A_410 : memref<2x80xi32, #tpu.memory_space<vmem>>)
        %dma_start3A_415 = arith.constant 2 : i32
        %dma_start3A_416 = arith.constant 0 : i32
        %dma_start3A_417 = arith.constant 2 : i32
        %dma_start3A_418 = arith.constant 0 : i32
        %dma_start3A_419 = arith.constant 0 : i32
        %dma_start3A_420 = tpu.memref_slice %arg7[%dma_start3A_417, %dma_start3A_418, %dma_start3A_419] : memref<4x80x128xf32, #tpu.memory_space<vmem>> -> memref<1x80x128xf32, #tpu.memory_space<vmem>>
        %dma_start3A_421 = tpu.memref_squeeze %dma_start3A_420 : memref<1x80x128xf32, #tpu.memory_space<vmem>> -> memref<80x128xf32, #tpu.memory_space<vmem>>
        %dma_start3A_422 = arith.constant 0 : i32
        %dma_start3A_423 = tpu.memref_slice %arg6[%dma_start3A_415, %dma_start3A_416, %dma_start3A_422] : memref<4x2x80xi32, #tpu.memory_space<vmem>> -> memref<1x1x80xi32, #tpu.memory_space<vmem>>
        %dma_start3A_424 = tpu.memref_squeeze %dma_start3A_423 : memref<1x1x80xi32, #tpu.memory_space<vmem>> -> memref<80xi32, #tpu.memory_space<vmem>>
        %dma_start3A_425 = arith.constant 0 : i32
        %dma_start3A_426 = arith.constant 0 : i32
        %dma_start3A_427 = tpu.memref_slice %arg2[%dma_start3A_425, %dma_start3A_426] : memref<10240x128xf32, #tpu.memory_space<hbm>> -> memref<10240x128xf32, #tpu.memory_space<hbm>>
        tpu.enqueue_indirect_dma source(%dma_start3A_427 : memref<10240x128xf32, #tpu.memory_space<hbm>>) target(%dma_start3A_421 : memref<80x128xf32, #tpu.memory_space<vmem>>) offsets(%dma_start3A_424 : memref<80xi32, #tpu.memory_space<vmem>>) semaphore(%arg15 : memref<!tpu.dma_semaphore, #tpu.memory_space<semaphore_mem>>)
      } else {
      }
      %mul3A_234 = arith.constant 4 : i32
      %mul3A_235 = arith.muli %mul3A_234, %scan3A_185 : i32
      %add3A_236 = arith.constant 1 : i32
      %add3A_237 = arith.addi %mul3A_235, %add3A_236 : i32
      %dma_wait3A_238 = arith.constant 1 : i32
      %dma_wait3A_239 = arith.constant 0 : i32
      %dma_wait3A_240 = arith.constant 1 : i32
      %dma_wait3A_241 = arith.constant 0 : i32
      %dma_wait3A_242 = arith.constant 0 : i32
      %dma_wait3A_243 = tpu.memref_slice %arg7[%dma_wait3A_240, %dma_wait3A_241, %dma_wait3A_242] : memref<4x80x128xf32, #tpu.memory_space<vmem>> -> memref<1x80x128xf32, #tpu.memory_space<vmem>>
      %dma_wait3A_244 = tpu.memref_squeeze %dma_wait3A_243 : memref<1x80x128xf32, #tpu.memory_space<vmem>> -> memref<80x128xf32, #tpu.memory_space<vmem>>
      %dma_wait3A_245 = arith.constant 0 : i32
      %dma_wait3A_246 = tpu.memref_slice %arg6[%dma_wait3A_238, %dma_wait3A_239, %dma_wait3A_245] : memref<4x2x80xi32, #tpu.memory_space<vmem>> -> memref<1x1x80xi32, #tpu.memory_space<vmem>>
      %dma_wait3A_247 = tpu.memref_squeeze %dma_wait3A_246 : memref<1x1x80xi32, #tpu.memory_space<vmem>> -> memref<80xi32, #tpu.memory_space<vmem>>
      %dma_wait3A_248 = arith.constant 0 : i32
      %dma_wait3A_249 = arith.constant 0 : i32
      %dma_wait3A_250 = tpu.memref_slice %arg2[%dma_wait3A_248, %dma_wait3A_249] : memref<10240x128xf32, #tpu.memory_space<hbm>> -> memref<10240x128xf32, #tpu.memory_space<hbm>>
      tpu.wait_indirect_dma semaphore(%arg14 : memref<!tpu.dma_semaphore, #tpu.memory_space<semaphore_mem>>) src(%dma_wait3A_250 : memref<10240x128xf32, #tpu.memory_space<hbm>>) dst(%dma_wait3A_244 : memref<80x128xf32, #tpu.memory_space<vmem>>)
      %dma_start3A_251 = arith.constant 1 : i32
      %dma_start3A_252 = arith.constant 1 : i32
      %dma_start3A_253 = arith.constant 1 : i32
      %dma_start3A_254 = arith.constant 0 : i32
      %dma_start3A_255 = arith.constant 0 : i32
      %dma_start3A_256 = tpu.memref_slice %arg7[%dma_start3A_251, %dma_start3A_254, %dma_start3A_255] : memref<4x80x128xf32, #tpu.memory_space<vmem>> -> memref<1x80x128xf32, #tpu.memory_space<vmem>>
      %dma_start3A_257 = tpu.memref_squeeze %dma_start3A_256 : memref<1x80x128xf32, #tpu.memory_space<vmem>> -> memref<80x128xf32, #tpu.memory_space<vmem>>
      %dma_start3A_258 = arith.constant 0 : i32
      %dma_start3A_259 = tpu.memref_slice %arg6[%dma_start3A_252, %dma_start3A_253, %dma_start3A_258] : memref<4x2x80xi32, #tpu.memory_space<vmem>> -> memref<1x1x80xi32, #tpu.memory_space<vmem>>
      %dma_start3A_260 = tpu.memref_squeeze %dma_start3A_259 : memref<1x1x80xi32, #tpu.memory_space<vmem>> -> memref<80xi32, #tpu.memory_space<vmem>>
      %dma_start3A_261 = arith.constant 0 : i32
      %dma_start3A_262 = arith.constant 0 : i32
      %dma_start3A_263 = tpu.memref_slice %arg8[%dma_start3A_261, %dma_start3A_262] : memref<10240x128xf32, #tpu.memory_space<vmem_shared>> -> memref<10240x128xf32, #tpu.memory_space<vmem_shared>>
      tpu.enqueue_indirect_dma source(%dma_start3A_257 : memref<80x128xf32, #tpu.memory_space<vmem>>) target(%dma_start3A_263 : memref<10240x128xf32, #tpu.memory_space<vmem_shared>>) offsets(%dma_start3A_260 : memref<80xi32, #tpu.memory_space<vmem>>) semaphore(%arg18 : memref<!tpu.dma_semaphore, #tpu.memory_space<semaphore_mem>>) {add = true}
      %ge3A_264 = arith.constant 1 : i32
      %ge3A_265 = arith.cmpi sge, %add3A_237, %ge3A_264 : i32
      %convert_element_type3A_266 = arith.extui %ge3A_265 : i1 to i32
      %cond3A_267 = arith.constant 0 : i32
      %cond3A_268 = arith.cmpi ne, %convert_element_type3A_266, %cond3A_267 : i32
      scf.if %cond3A_268 {
        %dma_wait3A_393 = arith.constant 0 : i32
        %dma_wait3A_394 = arith.constant 0 : i32
        %dma_wait3A_395 = arith.constant 1 : i32
        %dma_wait3A_396 = arith.constant 0 : i32
        %dma_wait3A_397 = arith.constant 0 : i32
        %dma_wait3A_398 = tpu.memref_slice %arg7[%dma_wait3A_393, %dma_wait3A_396, %dma_wait3A_397] : memref<4x80x128xf32, #tpu.memory_space<vmem>> -> memref<1x80x128xf32, #tpu.memory_space<vmem>>
        %dma_wait3A_399 = tpu.memref_squeeze %dma_wait3A_398 : memref<1x80x128xf32, #tpu.memory_space<vmem>> -> memref<80x128xf32, #tpu.memory_space<vmem>>
        %dma_wait3A_400 = arith.constant 0 : i32
        %dma_wait3A_401 = tpu.memref_slice %arg6[%dma_wait3A_394, %dma_wait3A_395, %dma_wait3A_400] : memref<4x2x80xi32, #tpu.memory_space<vmem>> -> memref<1x1x80xi32, #tpu.memory_space<vmem>>
        %dma_wait3A_402 = tpu.memref_squeeze %dma_wait3A_401 : memref<1x1x80xi32, #tpu.memory_space<vmem>> -> memref<80xi32, #tpu.memory_space<vmem>>
        %dma_wait3A_403 = arith.constant 0 : i32
        %dma_wait3A_404 = arith.constant 0 : i32
        %dma_wait3A_405 = tpu.memref_slice %arg8[%dma_wait3A_403, %dma_wait3A_404] : memref<10240x128xf32, #tpu.memory_space<vmem_shared>> -> memref<10240x128xf32, #tpu.memory_space<vmem_shared>>
        tpu.wait_indirect_dma semaphore(%arg17 : memref<!tpu.dma_semaphore, #tpu.memory_space<semaphore_mem>>) src(%dma_wait3A_399 : memref<80x128xf32, #tpu.memory_space<vmem>>) dst(%dma_wait3A_405 : memref<10240x128xf32, #tpu.memory_space<vmem_shared>>)
      } else {
      }
      %add3A_269 = arith.constant 4 : i32
      %add3A_270 = arith.addi %add3A_237, %add3A_269 : i32
      %sub3A_271 = arith.constant 1 : i32
      %sub3A_272 = arith.subi %add3A_270, %sub3A_271 : i32
      %lt3A_273 = arith.constant 125 : i32
      %lt3A_274 = arith.cmpi slt, %sub3A_272, %lt3A_273 : i32
      %convert_element_type3A_275 = arith.extui %lt3A_274 : i1 to i32
      %cond3A_276 = arith.constant 0 : i32
      %cond3A_277 = arith.cmpi ne, %convert_element_type3A_275, %cond3A_276 : i32
      scf.if %cond3A_277 {
        %add3A_393 = arith.constant 4 : i32
        %add3A_394 = arith.addi %add3A_237, %add3A_393 : i32
        %sub3A_395 = arith.constant 1 : i32
        %sub3A_396 = arith.subi %add3A_394, %sub3A_395 : i32
        %add3A_397 = arith.addi %mul3A_2, %sub3A_396 : i32
        %dma_start3A_398 = arith.constant 0 : i32
        %dma_start3A_399 = arith.constant 0 : i32
        %dma_start3A_400 = arith.constant 0 : i32
        %dma_start3A_401 = tpu.memref_slice %arg6[%dma_start3A_398, %dma_start3A_399, %dma_start3A_400] : memref<4x2x80xi32, #tpu.memory_space<vmem>> -> memref<1x2x80xi32, #tpu.memory_space<vmem>>
        %dma_start3A_402 = tpu.memref_squeeze %dma_start3A_401 : memref<1x2x80xi32, #tpu.memory_space<vmem>> -> memref<2x80xi32, #tpu.memory_space<vmem>>
        %dma_start3A_403 = arith.constant 0 : i32
        %dma_start3A_404 = arith.constant 0 : i32
        %dma_start3A_405 = tpu.memref_slice %arg3[%add3A_397, %dma_start3A_403, %dma_start3A_404] : memref<4000x2x80xi32, #tpu.memory_space<hbm>> -> memref<1x2x80xi32, #tpu.memory_space<hbm>>
        %dma_start3A_406 = tpu.memref_squeeze %dma_start3A_405 : memref<1x2x80xi32, #tpu.memory_space<hbm>> -> memref<2x80xi32, #tpu.memory_space<hbm>>
        %dma_start3A_407 = arith.constant 0 : i32
        %dma_start3A_408 = arith.constant 0 : i32
        %dma_start3A_409 = tpu.memref_slice %arg6[%dma_start3A_398, %dma_start3A_407, %dma_start3A_408] : memref<4x2x80xi32, #tpu.memory_space<vmem>> -> memref<1x2x80xi32, #tpu.memory_space<vmem>>
        %dma_start3A_410 = tpu.memref_squeeze %dma_start3A_409 : memref<1x2x80xi32, #tpu.memory_space<vmem>> -> memref<2x80xi32, #tpu.memory_space<vmem>>
        %dma_start3A_411 = arith.constant 0 : i32
        %dma_start3A_412 = arith.constant 0 : i32
        %dma_start3A_413 = tpu.memref_slice %arg3[%add3A_397, %dma_start3A_411, %dma_start3A_412] : memref<4000x2x80xi32, #tpu.memory_space<hbm>> -> memref<1x2x80xi32, #tpu.memory_space<hbm>>
        %dma_start3A_414 = tpu.memref_squeeze %dma_start3A_413 : memref<1x2x80xi32, #tpu.memory_space<hbm>> -> memref<2x80xi32, #tpu.memory_space<hbm>>
        tpu.enqueue_dma source(%dma_start3A_414 : memref<2x80xi32, #tpu.memory_space<hbm>>) target(%dma_start3A_410 : memref<2x80xi32, #tpu.memory_space<vmem>>) target_semaphore(%arg9 : memref<!tpu.dma_semaphore, #tpu.memory_space<semaphore_mem>>)
      } else {
      }
      %add3A_278 = arith.constant 4 : i32
      %add3A_279 = arith.addi %add3A_237, %add3A_278 : i32
      %sub3A_280 = arith.constant 2 : i32
      %sub3A_281 = arith.subi %add3A_279, %sub3A_280 : i32
      %lt3A_282 = arith.constant 125 : i32
      %lt3A_283 = arith.cmpi slt, %sub3A_281, %lt3A_282 : i32
      %convert_element_type3A_284 = arith.extui %lt3A_283 : i1 to i32
      %cond3A_285 = arith.constant 0 : i32
      %cond3A_286 = arith.cmpi ne, %convert_element_type3A_284, %cond3A_285 : i32
      scf.if %cond3A_286 {
        %add3A_393 = arith.constant 4 : i32
        %add3A_394 = arith.addi %add3A_237, %add3A_393 : i32
        %sub3A_395 = arith.constant 2 : i32
        %sub3A_396 = arith.subi %add3A_394, %sub3A_395 : i32
        %add3A_397 = arith.addi %mul3A_2, %sub3A_396 : i32
        %dma_wait3A_398 = arith.constant 3 : i32
        %dma_wait3A_399 = arith.constant 0 : i32
        %dma_wait3A_400 = arith.constant 0 : i32
        %dma_wait3A_401 = tpu.memref_slice %arg6[%dma_wait3A_398, %dma_wait3A_399, %dma_wait3A_400] : memref<4x2x80xi32, #tpu.memory_space<vmem>> -> memref<1x2x80xi32, #tpu.memory_space<vmem>>
        %dma_wait3A_402 = tpu.memref_squeeze %dma_wait3A_401 : memref<1x2x80xi32, #tpu.memory_space<vmem>> -> memref<2x80xi32, #tpu.memory_space<vmem>>
        %dma_wait3A_403 = arith.constant 0 : i32
        %dma_wait3A_404 = arith.constant 0 : i32
        %dma_wait3A_405 = tpu.memref_slice %arg3[%add3A_397, %dma_wait3A_403, %dma_wait3A_404] : memref<4000x2x80xi32, #tpu.memory_space<hbm>> -> memref<1x2x80xi32, #tpu.memory_space<hbm>>
        %dma_wait3A_406 = tpu.memref_squeeze %dma_wait3A_405 : memref<1x2x80xi32, #tpu.memory_space<hbm>> -> memref<2x80xi32, #tpu.memory_space<hbm>>
        %dma_wait3A_407 = arith.constant 0 : i32
        %dma_wait3A_408 = arith.constant 0 : i32
        %dma_wait3A_409 = tpu.memref_slice %arg6[%dma_wait3A_398, %dma_wait3A_407, %dma_wait3A_408] : memref<4x2x80xi32, #tpu.memory_space<vmem>> -> memref<1x2x80xi32, #tpu.memory_space<vmem>>
        %dma_wait3A_410 = tpu.memref_squeeze %dma_wait3A_409 : memref<1x2x80xi32, #tpu.memory_space<vmem>> -> memref<2x80xi32, #tpu.memory_space<vmem>>
        %dma_wait3A_411 = arith.constant 0 : i32
        %dma_wait3A_412 = arith.constant 0 : i32
        %dma_wait3A_413 = tpu.memref_slice %arg3[%add3A_397, %dma_wait3A_411, %dma_wait3A_412] : memref<4000x2x80xi32, #tpu.memory_space<hbm>> -> memref<1x2x80xi32, #tpu.memory_space<hbm>>
        %dma_wait3A_414 = tpu.memref_squeeze %dma_wait3A_413 : memref<1x2x80xi32, #tpu.memory_space<hbm>> -> memref<2x80xi32, #tpu.memory_space<hbm>>
        tpu.wait_dma2 semaphore(%arg12 : memref<!tpu.dma_semaphore, #tpu.memory_space<semaphore_mem>>) src(%dma_wait3A_414 : memref<2x80xi32, #tpu.memory_space<hbm>>) dst(%dma_wait3A_410 : memref<2x80xi32, #tpu.memory_space<vmem>>)
        %dma_start3A_415 = arith.constant 3 : i32
        %dma_start3A_416 = arith.constant 0 : i32
        %dma_start3A_417 = arith.constant 3 : i32
        %dma_start3A_418 = arith.constant 0 : i32
        %dma_start3A_419 = arith.constant 0 : i32
        %dma_start3A_420 = tpu.memref_slice %arg7[%dma_start3A_417, %dma_start3A_418, %dma_start3A_419] : memref<4x80x128xf32, #tpu.memory_space<vmem>> -> memref<1x80x128xf32, #tpu.memory_space<vmem>>
        %dma_start3A_421 = tpu.memref_squeeze %dma_start3A_420 : memref<1x80x128xf32, #tpu.memory_space<vmem>> -> memref<80x128xf32, #tpu.memory_space<vmem>>
        %dma_start3A_422 = arith.constant 0 : i32
        %dma_start3A_423 = tpu.memref_slice %arg6[%dma_start3A_415, %dma_start3A_416, %dma_start3A_422] : memref<4x2x80xi32, #tpu.memory_space<vmem>> -> memref<1x1x80xi32, #tpu.memory_space<vmem>>
        %dma_start3A_424 = tpu.memref_squeeze %dma_start3A_423 : memref<1x1x80xi32, #tpu.memory_space<vmem>> -> memref<80xi32, #tpu.memory_space<vmem>>
        %dma_start3A_425 = arith.constant 0 : i32
        %dma_start3A_426 = arith.constant 0 : i32
        %dma_start3A_427 = tpu.memref_slice %arg2[%dma_start3A_425, %dma_start3A_426] : memref<10240x128xf32, #tpu.memory_space<hbm>> -> memref<10240x128xf32, #tpu.memory_space<hbm>>
        tpu.enqueue_indirect_dma source(%dma_start3A_427 : memref<10240x128xf32, #tpu.memory_space<hbm>>) target(%dma_start3A_421 : memref<80x128xf32, #tpu.memory_space<vmem>>) offsets(%dma_start3A_424 : memref<80xi32, #tpu.memory_space<vmem>>) semaphore(%arg16 : memref<!tpu.dma_semaphore, #tpu.memory_space<semaphore_mem>>)
      } else {
      }
      %mul3A_287 = arith.constant 4 : i32
      %mul3A_288 = arith.muli %mul3A_287, %scan3A_185 : i32
      %add3A_289 = arith.constant 2 : i32
      %add3A_290 = arith.addi %mul3A_288, %add3A_289 : i32
      %dma_wait3A_291 = arith.constant 2 : i32
      %dma_wait3A_292 = arith.constant 0 : i32
      %dma_wait3A_293 = arith.constant 2 : i32
      %dma_wait3A_294 = arith.constant 0 : i32
      %dma_wait3A_295 = arith.constant 0 : i32
      %dma_wait3A_296 = tpu.memref_slice %arg7[%dma_wait3A_293, %dma_wait3A_294, %dma_wait3A_295] : memref<4x80x128xf32, #tpu.memory_space<vmem>> -> memref<1x80x128xf32, #tpu.memory_space<vmem>>
      %dma_wait3A_297 = tpu.memref_squeeze %dma_wait3A_296 : memref<1x80x128xf32, #tpu.memory_space<vmem>> -> memref<80x128xf32, #tpu.memory_space<vmem>>
      %dma_wait3A_298 = arith.constant 0 : i32
      %dma_wait3A_299 = tpu.memref_slice %arg6[%dma_wait3A_291, %dma_wait3A_292, %dma_wait3A_298] : memref<4x2x80xi32, #tpu.memory_space<vmem>> -> memref<1x1x80xi32, #tpu.memory_space<vmem>>
      %dma_wait3A_300 = tpu.memref_squeeze %dma_wait3A_299 : memref<1x1x80xi32, #tpu.memory_space<vmem>> -> memref<80xi32, #tpu.memory_space<vmem>>
      %dma_wait3A_301 = arith.constant 0 : i32
      %dma_wait3A_302 = arith.constant 0 : i32
      %dma_wait3A_303 = tpu.memref_slice %arg2[%dma_wait3A_301, %dma_wait3A_302] : memref<10240x128xf32, #tpu.memory_space<hbm>> -> memref<10240x128xf32, #tpu.memory_space<hbm>>
      tpu.wait_indirect_dma semaphore(%arg15 : memref<!tpu.dma_semaphore, #tpu.memory_space<semaphore_mem>>) src(%dma_wait3A_303 : memref<10240x128xf32, #tpu.memory_space<hbm>>) dst(%dma_wait3A_297 : memref<80x128xf32, #tpu.memory_space<vmem>>)
      %dma_start3A_304 = arith.constant 2 : i32
      %dma_start3A_305 = arith.constant 2 : i32
      %dma_start3A_306 = arith.constant 1 : i32
      %dma_start3A_307 = arith.constant 0 : i32
      %dma_start3A_308 = arith.constant 0 : i32
      %dma_start3A_309 = tpu.memref_slice %arg7[%dma_start3A_304, %dma_start3A_307, %dma_start3A_308] : memref<4x80x128xf32, #tpu.memory_space<vmem>> -> memref<1x80x128xf32, #tpu.memory_space<vmem>>
      %dma_start3A_310 = tpu.memref_squeeze %dma_start3A_309 : memref<1x80x128xf32, #tpu.memory_space<vmem>> -> memref<80x128xf32, #tpu.memory_space<vmem>>
      %dma_start3A_311 = arith.constant 0 : i32
      %dma_start3A_312 = tpu.memref_slice %arg6[%dma_start3A_305, %dma_start3A_306, %dma_start3A_311] : memref<4x2x80xi32, #tpu.memory_space<vmem>> -> memref<1x1x80xi32, #tpu.memory_space<vmem>>
      %dma_start3A_313 = tpu.memref_squeeze %dma_start3A_312 : memref<1x1x80xi32, #tpu.memory_space<vmem>> -> memref<80xi32, #tpu.memory_space<vmem>>
      %dma_start3A_314 = arith.constant 0 : i32
      %dma_start3A_315 = arith.constant 0 : i32
      %dma_start3A_316 = tpu.memref_slice %arg8[%dma_start3A_314, %dma_start3A_315] : memref<10240x128xf32, #tpu.memory_space<vmem_shared>> -> memref<10240x128xf32, #tpu.memory_space<vmem_shared>>
      tpu.enqueue_indirect_dma source(%dma_start3A_310 : memref<80x128xf32, #tpu.memory_space<vmem>>) target(%dma_start3A_316 : memref<10240x128xf32, #tpu.memory_space<vmem_shared>>) offsets(%dma_start3A_313 : memref<80xi32, #tpu.memory_space<vmem>>) semaphore(%arg19 : memref<!tpu.dma_semaphore, #tpu.memory_space<semaphore_mem>>) {add = true}
      %ge3A_317 = arith.constant 1 : i32
      %ge3A_318 = arith.cmpi sge, %add3A_290, %ge3A_317 : i32
      %convert_element_type3A_319 = arith.extui %ge3A_318 : i1 to i32
      %cond3A_320 = arith.constant 0 : i32
      %cond3A_321 = arith.cmpi ne, %convert_element_type3A_319, %cond3A_320 : i32
      scf.if %cond3A_321 {
        %dma_wait3A_393 = arith.constant 1 : i32
        %dma_wait3A_394 = arith.constant 1 : i32
        %dma_wait3A_395 = arith.constant 1 : i32
        %dma_wait3A_396 = arith.constant 0 : i32
        %dma_wait3A_397 = arith.constant 0 : i32
        %dma_wait3A_398 = tpu.memref_slice %arg7[%dma_wait3A_393, %dma_wait3A_396, %dma_wait3A_397] : memref<4x80x128xf32, #tpu.memory_space<vmem>> -> memref<1x80x128xf32, #tpu.memory_space<vmem>>
        %dma_wait3A_399 = tpu.memref_squeeze %dma_wait3A_398 : memref<1x80x128xf32, #tpu.memory_space<vmem>> -> memref<80x128xf32, #tpu.memory_space<vmem>>
        %dma_wait3A_400 = arith.constant 0 : i32
        %dma_wait3A_401 = tpu.memref_slice %arg6[%dma_wait3A_394, %dma_wait3A_395, %dma_wait3A_400] : memref<4x2x80xi32, #tpu.memory_space<vmem>> -> memref<1x1x80xi32, #tpu.memory_space<vmem>>
        %dma_wait3A_402 = tpu.memref_squeeze %dma_wait3A_401 : memref<1x1x80xi32, #tpu.memory_space<vmem>> -> memref<80xi32, #tpu.memory_space<vmem>>
        %dma_wait3A_403 = arith.constant 0 : i32
        %dma_wait3A_404 = arith.constant 0 : i32
        %dma_wait3A_405 = tpu.memref_slice %arg8[%dma_wait3A_403, %dma_wait3A_404] : memref<10240x128xf32, #tpu.memory_space<vmem_shared>> -> memref<10240x128xf32, #tpu.memory_space<vmem_shared>>
        tpu.wait_indirect_dma semaphore(%arg18 : memref<!tpu.dma_semaphore, #tpu.memory_space<semaphore_mem>>) src(%dma_wait3A_399 : memref<80x128xf32, #tpu.memory_space<vmem>>) dst(%dma_wait3A_405 : memref<10240x128xf32, #tpu.memory_space<vmem_shared>>)
      } else {
      }
      %add3A_322 = arith.constant 4 : i32
      %add3A_323 = arith.addi %add3A_290, %add3A_322 : i32
      %sub3A_324 = arith.constant 1 : i32
      %sub3A_325 = arith.subi %add3A_323, %sub3A_324 : i32
      %lt3A_326 = arith.constant 125 : i32
      %lt3A_327 = arith.cmpi slt, %sub3A_325, %lt3A_326 : i32
      %convert_element_type3A_328 = arith.extui %lt3A_327 : i1 to i32
      %cond3A_329 = arith.constant 0 : i32
      %cond3A_330 = arith.cmpi ne, %convert_element_type3A_328, %cond3A_329 : i32
      scf.if %cond3A_330 {
        %add3A_393 = arith.constant 4 : i32
        %add3A_394 = arith.addi %add3A_290, %add3A_393 : i32
        %sub3A_395 = arith.constant 1 : i32
        %sub3A_396 = arith.subi %add3A_394, %sub3A_395 : i32
        %add3A_397 = arith.addi %mul3A_2, %sub3A_396 : i32
        %dma_start3A_398 = arith.constant 1 : i32
        %dma_start3A_399 = arith.constant 0 : i32
        %dma_start3A_400 = arith.constant 0 : i32
        %dma_start3A_401 = tpu.memref_slice %arg6[%dma_start3A_398, %dma_start3A_399, %dma_start3A_400] : memref<4x2x80xi32, #tpu.memory_space<vmem>> -> memref<1x2x80xi32, #tpu.memory_space<vmem>>
        %dma_start3A_402 = tpu.memref_squeeze %dma_start3A_401 : memref<1x2x80xi32, #tpu.memory_space<vmem>> -> memref<2x80xi32, #tpu.memory_space<vmem>>
        %dma_start3A_403 = arith.constant 0 : i32
        %dma_start3A_404 = arith.constant 0 : i32
        %dma_start3A_405 = tpu.memref_slice %arg3[%add3A_397, %dma_start3A_403, %dma_start3A_404] : memref<4000x2x80xi32, #tpu.memory_space<hbm>> -> memref<1x2x80xi32, #tpu.memory_space<hbm>>
        %dma_start3A_406 = tpu.memref_squeeze %dma_start3A_405 : memref<1x2x80xi32, #tpu.memory_space<hbm>> -> memref<2x80xi32, #tpu.memory_space<hbm>>
        %dma_start3A_407 = arith.constant 0 : i32
        %dma_start3A_408 = arith.constant 0 : i32
        %dma_start3A_409 = tpu.memref_slice %arg6[%dma_start3A_398, %dma_start3A_407, %dma_start3A_408] : memref<4x2x80xi32, #tpu.memory_space<vmem>> -> memref<1x2x80xi32, #tpu.memory_space<vmem>>
        %dma_start3A_410 = tpu.memref_squeeze %dma_start3A_409 : memref<1x2x80xi32, #tpu.memory_space<vmem>> -> memref<2x80xi32, #tpu.memory_space<vmem>>
        %dma_start3A_411 = arith.constant 0 : i32
        %dma_start3A_412 = arith.constant 0 : i32
        %dma_start3A_413 = tpu.memref_slice %arg3[%add3A_397, %dma_start3A_411, %dma_start3A_412] : memref<4000x2x80xi32, #tpu.memory_space<hbm>> -> memref<1x2x80xi32, #tpu.memory_space<hbm>>
        %dma_start3A_414 = tpu.memref_squeeze %dma_start3A_413 : memref<1x2x80xi32, #tpu.memory_space<hbm>> -> memref<2x80xi32, #tpu.memory_space<hbm>>
        tpu.enqueue_dma source(%dma_start3A_414 : memref<2x80xi32, #tpu.memory_space<hbm>>) target(%dma_start3A_410 : memref<2x80xi32, #tpu.memory_space<vmem>>) target_semaphore(%arg10 : memref<!tpu.dma_semaphore, #tpu.memory_space<semaphore_mem>>)
      } else {
      }
      %add3A_331 = arith.constant 4 : i32
      %add3A_332 = arith.addi %add3A_290, %add3A_331 : i32
      %sub3A_333 = arith.constant 2 : i32
      %sub3A_334 = arith.subi %add3A_332, %sub3A_333 : i32
      %lt3A_335 = arith.constant 125 : i32
      %lt3A_336 = arith.cmpi slt, %sub3A_334, %lt3A_335 : i32
      %convert_element_type3A_337 = arith.extui %lt3A_336 : i1 to i32
      %cond3A_338 = arith.constant 0 : i32
      %cond3A_339 = arith.cmpi ne, %convert_element_type3A_337, %cond3A_338 : i32
      scf.if %cond3A_339 {
        %add3A_393 = arith.constant 4 : i32
        %add3A_394 = arith.addi %add3A_290, %add3A_393 : i32
        %sub3A_395 = arith.constant 2 : i32
        %sub3A_396 = arith.subi %add3A_394, %sub3A_395 : i32
        %add3A_397 = arith.addi %mul3A_2, %sub3A_396 : i32
        %dma_wait3A_398 = arith.constant 0 : i32
        %dma_wait3A_399 = arith.constant 0 : i32
        %dma_wait3A_400 = arith.constant 0 : i32
        %dma_wait3A_401 = tpu.memref_slice %arg6[%dma_wait3A_398, %dma_wait3A_399, %dma_wait3A_400] : memref<4x2x80xi32, #tpu.memory_space<vmem>> -> memref<1x2x80xi32, #tpu.memory_space<vmem>>
        %dma_wait3A_402 = tpu.memref_squeeze %dma_wait3A_401 : memref<1x2x80xi32, #tpu.memory_space<vmem>> -> memref<2x80xi32, #tpu.memory_space<vmem>>
        %dma_wait3A_403 = arith.constant 0 : i32
        %dma_wait3A_404 = arith.constant 0 : i32
        %dma_wait3A_405 = tpu.memref_slice %arg3[%add3A_397, %dma_wait3A_403, %dma_wait3A_404] : memref<4000x2x80xi32, #tpu.memory_space<hbm>> -> memref<1x2x80xi32, #tpu.memory_space<hbm>>
        %dma_wait3A_406 = tpu.memref_squeeze %dma_wait3A_405 : memref<1x2x80xi32, #tpu.memory_space<hbm>> -> memref<2x80xi32, #tpu.memory_space<hbm>>
        %dma_wait3A_407 = arith.constant 0 : i32
        %dma_wait3A_408 = arith.constant 0 : i32
        %dma_wait3A_409 = tpu.memref_slice %arg6[%dma_wait3A_398, %dma_wait3A_407, %dma_wait3A_408] : memref<4x2x80xi32, #tpu.memory_space<vmem>> -> memref<1x2x80xi32, #tpu.memory_space<vmem>>
        %dma_wait3A_410 = tpu.memref_squeeze %dma_wait3A_409 : memref<1x2x80xi32, #tpu.memory_space<vmem>> -> memref<2x80xi32, #tpu.memory_space<vmem>>
        %dma_wait3A_411 = arith.constant 0 : i32
        %dma_wait3A_412 = arith.constant 0 : i32
        %dma_wait3A_413 = tpu.memref_slice %arg3[%add3A_397, %dma_wait3A_411, %dma_wait3A_412] : memref<4000x2x80xi32, #tpu.memory_space<hbm>> -> memref<1x2x80xi32, #tpu.memory_space<hbm>>
        %dma_wait3A_414 = tpu.memref_squeeze %dma_wait3A_413 : memref<1x2x80xi32, #tpu.memory_space<hbm>> -> memref<2x80xi32, #tpu.memory_space<hbm>>
        tpu.wait_dma2 semaphore(%arg9 : memref<!tpu.dma_semaphore, #tpu.memory_space<semaphore_mem>>) src(%dma_wait3A_414 : memref<2x80xi32, #tpu.memory_space<hbm>>) dst(%dma_wait3A_410 : memref<2x80xi32, #tpu.memory_space<vmem>>)
        %dma_start3A_415 = arith.constant 0 : i32
        %dma_start3A_416 = arith.constant 0 : i32
        %dma_start3A_417 = arith.constant 0 : i32
        %dma_start3A_418 = arith.constant 0 : i32
        %dma_start3A_419 = arith.constant 0 : i32
        %dma_start3A_420 = tpu.memref_slice %arg7[%dma_start3A_417, %dma_start3A_418, %dma_start3A_419] : memref<4x80x128xf32, #tpu.memory_space<vmem>> -> memref<1x80x128xf32, #tpu.memory_space<vmem>>
        %dma_start3A_421 = tpu.memref_squeeze %dma_start3A_420 : memref<1x80x128xf32, #tpu.memory_space<vmem>> -> memref<80x128xf32, #tpu.memory_space<vmem>>
        %dma_start3A_422 = arith.constant 0 : i32
        %dma_start3A_423 = tpu.memref_slice %arg6[%dma_start3A_415, %dma_start3A_416, %dma_start3A_422] : memref<4x2x80xi32, #tpu.memory_space<vmem>> -> memref<1x1x80xi32, #tpu.memory_space<vmem>>
        %dma_start3A_424 = tpu.memref_squeeze %dma_start3A_423 : memref<1x1x80xi32, #tpu.memory_space<vmem>> -> memref<80xi32, #tpu.memory_space<vmem>>
        %dma_start3A_425 = arith.constant 0 : i32
        %dma_start3A_426 = arith.constant 0 : i32
        %dma_start3A_427 = tpu.memref_slice %arg2[%dma_start3A_425, %dma_start3A_426] : memref<10240x128xf32, #tpu.memory_space<hbm>> -> memref<10240x128xf32, #tpu.memory_space<hbm>>
        tpu.enqueue_indirect_dma source(%dma_start3A_427 : memref<10240x128xf32, #tpu.memory_space<hbm>>) target(%dma_start3A_421 : memref<80x128xf32, #tpu.memory_space<vmem>>) offsets(%dma_start3A_424 : memref<80xi32, #tpu.memory_space<vmem>>) semaphore(%arg13 : memref<!tpu.dma_semaphore, #tpu.memory_space<semaphore_mem>>)
      } else {
      }
      %mul3A_340 = arith.constant 4 : i32
      %mul3A_341 = arith.muli %mul3A_340, %scan3A_185 : i32
      %add3A_342 = arith.constant 3 : i32
      %add3A_343 = arith.addi %mul3A_341, %add3A_342 : i32
      %dma_wait3A_344 = arith.constant 3 : i32
      %dma_wait3A_345 = arith.constant 0 : i32
      %dma_wait3A_346 = arith.constant 3 : i32
      %dma_wait3A_347 = arith.constant 0 : i32
      %dma_wait3A_348 = arith.constant 0 : i32
      %dma_wait3A_349 = tpu.memref_slice %arg7[%dma_wait3A_346, %dma_wait3A_347, %dma_wait3A_348] : memref<4x80x128xf32, #tpu.memory_space<vmem>> -> memref<1x80x128xf32, #tpu.memory_space<vmem>>
      %dma_wait3A_350 = tpu.memref_squeeze %dma_wait3A_349 : memref<1x80x128xf32, #tpu.memory_space<vmem>> -> memref<80x128xf32, #tpu.memory_space<vmem>>
      %dma_wait3A_351 = arith.constant 0 : i32
      %dma_wait3A_352 = tpu.memref_slice %arg6[%dma_wait3A_344, %dma_wait3A_345, %dma_wait3A_351] : memref<4x2x80xi32, #tpu.memory_space<vmem>> -> memref<1x1x80xi32, #tpu.memory_space<vmem>>
      %dma_wait3A_353 = tpu.memref_squeeze %dma_wait3A_352 : memref<1x1x80xi32, #tpu.memory_space<vmem>> -> memref<80xi32, #tpu.memory_space<vmem>>
      %dma_wait3A_354 = arith.constant 0 : i32
      %dma_wait3A_355 = arith.constant 0 : i32
      %dma_wait3A_356 = tpu.memref_slice %arg2[%dma_wait3A_354, %dma_wait3A_355] : memref<10240x128xf32, #tpu.memory_space<hbm>> -> memref<10240x128xf32, #tpu.memory_space<hbm>>
      tpu.wait_indirect_dma semaphore(%arg16 : memref<!tpu.dma_semaphore, #tpu.memory_space<semaphore_mem>>) src(%dma_wait3A_356 : memref<10240x128xf32, #tpu.memory_space<hbm>>) dst(%dma_wait3A_350 : memref<80x128xf32, #tpu.memory_space<vmem>>)
      %dma_start3A_357 = arith.constant 3 : i32
      %dma_start3A_358 = arith.constant 3 : i32
      %dma_start3A_359 = arith.constant 1 : i32
      %dma_start3A_360 = arith.constant 0 : i32
      %dma_start3A_361 = arith.constant 0 : i32
      %dma_start3A_362 = tpu.memref_slice %arg7[%dma_start3A_357, %dma_start3A_360, %dma_start3A_361] : memref<4x80x128xf32, #tpu.memory_space<vmem>> -> memref<1x80x128xf32, #tpu.memory_space<vmem>>
      %dma_start3A_363 = tpu.memref_squeeze %dma_start3A_362 : memref<1x80x128xf32, #tpu.memory_space<vmem>> -> memref<80x128xf32, #tpu.memory_space<vmem>>
      %dma_start3A_364 = arith.constant 0 : i32
      %dma_start3A_365 = tpu.memref_slice %arg6[%dma_start3A_358, %dma_start3A_359, %dma_start3A_364] : memref<4x2x80xi32, #tpu.memory_space<vmem>> -> memref<1x1x80xi32, #tpu.memory_space<vmem>>
      %dma_start3A_366 = tpu.memref_squeeze %dma_start3A_365 : memref<1x1x80xi32, #tpu.memory_space<vmem>> -> memref<80xi32, #tpu.memory_space<vmem>>
      %dma_start3A_367 = arith.constant 0 : i32
      %dma_start3A_368 = arith.constant 0 : i32
      %dma_start3A_369 = tpu.memref_slice %arg8[%dma_start3A_367, %dma_start3A_368] : memref<10240x128xf32, #tpu.memory_space<vmem_shared>> -> memref<10240x128xf32, #tpu.memory_space<vmem_shared>>
      tpu.enqueue_indirect_dma source(%dma_start3A_363 : memref<80x128xf32, #tpu.memory_space<vmem>>) target(%dma_start3A_369 : memref<10240x128xf32, #tpu.memory_space<vmem_shared>>) offsets(%dma_start3A_366 : memref<80xi32, #tpu.memory_space<vmem>>) semaphore(%arg20 : memref<!tpu.dma_semaphore, #tpu.memory_space<semaphore_mem>>) {add = true}
      %ge3A_370 = arith.constant 1 : i32
      %ge3A_371 = arith.cmpi sge, %add3A_343, %ge3A_370 : i32
      %convert_element_type3A_372 = arith.extui %ge3A_371 : i1 to i32
      %cond3A_373 = arith.constant 0 : i32
      %cond3A_374 = arith.cmpi ne, %convert_element_type3A_372, %cond3A_373 : i32
      scf.if %cond3A_374 {
        %dma_wait3A_393 = arith.constant 2 : i32
        %dma_wait3A_394 = arith.constant 2 : i32
        %dma_wait3A_395 = arith.constant 1 : i32
        %dma_wait3A_396 = arith.constant 0 : i32
        %dma_wait3A_397 = arith.constant 0 : i32
        %dma_wait3A_398 = tpu.memref_slice %arg7[%dma_wait3A_393, %dma_wait3A_396, %dma_wait3A_397] : memref<4x80x128xf32, #tpu.memory_space<vmem>> -> memref<1x80x128xf32, #tpu.memory_space<vmem>>
        %dma_wait3A_399 = tpu.memref_squeeze %dma_wait3A_398 : memref<1x80x128xf32, #tpu.memory_space<vmem>> -> memref<80x128xf32, #tpu.memory_space<vmem>>
        %dma_wait3A_400 = arith.constant 0 : i32
        %dma_wait3A_401 = tpu.memref_slice %arg6[%dma_wait3A_394, %dma_wait3A_395, %dma_wait3A_400] : memref<4x2x80xi32, #tpu.memory_space<vmem>> -> memref<1x1x80xi32, #tpu.memory_space<vmem>>
        %dma_wait3A_402 = tpu.memref_squeeze %dma_wait3A_401 : memref<1x1x80xi32, #tpu.memory_space<vmem>> -> memref<80xi32, #tpu.memory_space<vmem>>
        %dma_wait3A_403 = arith.constant 0 : i32
        %dma_wait3A_404 = arith.constant 0 : i32
        %dma_wait3A_405 = tpu.memref_slice %arg8[%dma_wait3A_403, %dma_wait3A_404] : memref<10240x128xf32, #tpu.memory_space<vmem_shared>> -> memref<10240x128xf32, #tpu.memory_space<vmem_shared>>
        tpu.wait_indirect_dma semaphore(%arg19 : memref<!tpu.dma_semaphore, #tpu.memory_space<semaphore_mem>>) src(%dma_wait3A_399 : memref<80x128xf32, #tpu.memory_space<vmem>>) dst(%dma_wait3A_405 : memref<10240x128xf32, #tpu.memory_space<vmem_shared>>)
      } else {
      }
      %add3A_375 = arith.constant 4 : i32
      %add3A_376 = arith.addi %add3A_343, %add3A_375 : i32
      %sub3A_377 = arith.constant 1 : i32
      %sub3A_378 = arith.subi %add3A_376, %sub3A_377 : i32
      %lt3A_379 = arith.constant 125 : i32
      %lt3A_380 = arith.cmpi slt, %sub3A_378, %lt3A_379 : i32
      %convert_element_type3A_381 = arith.extui %lt3A_380 : i1 to i32
      %cond3A_382 = arith.constant 0 : i32
      %cond3A_383 = arith.cmpi ne, %convert_element_type3A_381, %cond3A_382 : i32
      scf.if %cond3A_383 {
        %add3A_393 = arith.constant 4 : i32
        %add3A_394 = arith.addi %add3A_343, %add3A_393 : i32
        %sub3A_395 = arith.constant 1 : i32
        %sub3A_396 = arith.subi %add3A_394, %sub3A_395 : i32
        %add3A_397 = arith.addi %mul3A_2, %sub3A_396 : i32
        %dma_start3A_398 = arith.constant 2 : i32
        %dma_start3A_399 = arith.constant 0 : i32
        %dma_start3A_400 = arith.constant 0 : i32
        %dma_start3A_401 = tpu.memref_slice %arg6[%dma_start3A_398, %dma_start3A_399, %dma_start3A_400] : memref<4x2x80xi32, #tpu.memory_space<vmem>> -> memref<1x2x80xi32, #tpu.memory_space<vmem>>
        %dma_start3A_402 = tpu.memref_squeeze %dma_start3A_401 : memref<1x2x80xi32, #tpu.memory_space<vmem>> -> memref<2x80xi32, #tpu.memory_space<vmem>>
        %dma_start3A_403 = arith.constant 0 : i32
        %dma_start3A_404 = arith.constant 0 : i32
        %dma_start3A_405 = tpu.memref_slice %arg3[%add3A_397, %dma_start3A_403, %dma_start3A_404] : memref<4000x2x80xi32, #tpu.memory_space<hbm>> -> memref<1x2x80xi32, #tpu.memory_space<hbm>>
        %dma_start3A_406 = tpu.memref_squeeze %dma_start3A_405 : memref<1x2x80xi32, #tpu.memory_space<hbm>> -> memref<2x80xi32, #tpu.memory_space<hbm>>
        %dma_start3A_407 = arith.constant 0 : i32
        %dma_start3A_408 = arith.constant 0 : i32
        %dma_start3A_409 = tpu.memref_slice %arg6[%dma_start3A_398, %dma_start3A_407, %dma_start3A_408] : memref<4x2x80xi32, #tpu.memory_space<vmem>> -> memref<1x2x80xi32, #tpu.memory_space<vmem>>
        %dma_start3A_410 = tpu.memref_squeeze %dma_start3A_409 : memref<1x2x80xi32, #tpu.memory_space<vmem>> -> memref<2x80xi32, #tpu.memory_space<vmem>>
        %dma_start3A_411 = arith.constant 0 : i32
        %dma_start3A_412 = arith.constant 0 : i32
        %dma_start3A_413 = tpu.memref_slice %arg3[%add3A_397, %dma_start3A_411, %dma_start3A_412] : memref<4000x2x80xi32, #tpu.memory_space<hbm>> -> memref<1x2x80xi32, #tpu.memory_space<hbm>>
        %dma_start3A_414 = tpu.memref_squeeze %dma_start3A_413 : memref<1x2x80xi32, #tpu.memory_space<hbm>> -> memref<2x80xi32, #tpu.memory_space<hbm>>
        tpu.enqueue_dma source(%dma_start3A_414 : memref<2x80xi32, #tpu.memory_space<hbm>>) target(%dma_start3A_410 : memref<2x80xi32, #tpu.memory_space<vmem>>) target_semaphore(%arg11 : memref<!tpu.dma_semaphore, #tpu.memory_space<semaphore_mem>>)
      } else {
      }
      %add3A_384 = arith.constant 4 : i32
      %add3A_385 = arith.addi %add3A_343, %add3A_384 : i32
      %sub3A_386 = arith.constant 2 : i32
      %sub3A_387 = arith.subi %add3A_385, %sub3A_386 : i32
      %lt3A_388 = arith.constant 125 : i32
      %lt3A_389 = arith.cmpi slt, %sub3A_387, %lt3A_388 : i32
      %convert_element_type3A_390 = arith.extui %lt3A_389 : i1 to i32
      %cond3A_391 = arith.constant 0 : i32
      %cond3A_392 = arith.cmpi ne, %convert_element_type3A_390, %cond3A_391 : i32
      scf.if %cond3A_392 {
        %add3A_393 = arith.constant 4 : i32
        %add3A_394 = arith.addi %add3A_343, %add3A_393 : i32
        %sub3A_395 = arith.constant 2 : i32
        %sub3A_396 = arith.subi %add3A_394, %sub3A_395 : i32
        %add3A_397 = arith.addi %mul3A_2, %sub3A_396 : i32
        %dma_wait3A_398 = arith.constant 1 : i32
        %dma_wait3A_399 = arith.constant 0 : i32
        %dma_wait3A_400 = arith.constant 0 : i32
        %dma_wait3A_401 = tpu.memref_slice %arg6[%dma_wait3A_398, %dma_wait3A_399, %dma_wait3A_400] : memref<4x2x80xi32, #tpu.memory_space<vmem>> -> memref<1x2x80xi32, #tpu.memory_space<vmem>>
        %dma_wait3A_402 = tpu.memref_squeeze %dma_wait3A_401 : memref<1x2x80xi32, #tpu.memory_space<vmem>> -> memref<2x80xi32, #tpu.memory_space<vmem>>
        %dma_wait3A_403 = arith.constant 0 : i32
        %dma_wait3A_404 = arith.constant 0 : i32
        %dma_wait3A_405 = tpu.memref_slice %arg3[%add3A_397, %dma_wait3A_403, %dma_wait3A_404] : memref<4000x2x80xi32, #tpu.memory_space<hbm>> -> memref<1x2x80xi32, #tpu.memory_space<hbm>>
        %dma_wait3A_406 = tpu.memref_squeeze %dma_wait3A_405 : memref<1x2x80xi32, #tpu.memory_space<hbm>> -> memref<2x80xi32, #tpu.memory_space<hbm>>
        %dma_wait3A_407 = arith.constant 0 : i32
        %dma_wait3A_408 = arith.constant 0 : i32
        %dma_wait3A_409 = tpu.memref_slice %arg6[%dma_wait3A_398, %dma_wait3A_407, %dma_wait3A_408] : memref<4x2x80xi32, #tpu.memory_space<vmem>> -> memref<1x2x80xi32, #tpu.memory_space<vmem>>
        %dma_wait3A_410 = tpu.memref_squeeze %dma_wait3A_409 : memref<1x2x80xi32, #tpu.memory_space<vmem>> -> memref<2x80xi32, #tpu.memory_space<vmem>>
        %dma_wait3A_411 = arith.constant 0 : i32
        %dma_wait3A_412 = arith.constant 0 : i32
        %dma_wait3A_413 = tpu.memref_slice %arg3[%add3A_397, %dma_wait3A_411, %dma_wait3A_412] : memref<4000x2x80xi32, #tpu.memory_space<hbm>> -> memref<1x2x80xi32, #tpu.memory_space<hbm>>
        %dma_wait3A_414 = tpu.memref_squeeze %dma_wait3A_413 : memref<1x2x80xi32, #tpu.memory_space<hbm>> -> memref<2x80xi32, #tpu.memory_space<hbm>>
        tpu.wait_dma2 semaphore(%arg10 : memref<!tpu.dma_semaphore, #tpu.memory_space<semaphore_mem>>) src(%dma_wait3A_414 : memref<2x80xi32, #tpu.memory_space<hbm>>) dst(%dma_wait3A_410 : memref<2x80xi32, #tpu.memory_space<vmem>>)
        %dma_start3A_415 = arith.constant 1 : i32
        %dma_start3A_416 = arith.constant 0 : i32
        %dma_start3A_417 = arith.constant 1 : i32
        %dma_start3A_418 = arith.constant 0 : i32
        %dma_start3A_419 = arith.constant 0 : i32
        %dma_start3A_420 = tpu.memref_slice %arg7[%dma_start3A_417, %dma_start3A_418, %dma_start3A_419] : memref<4x80x128xf32, #tpu.memory_space<vmem>> -> memref<1x80x128xf32, #tpu.memory_space<vmem>>
        %dma_start3A_421 = tpu.memref_squeeze %dma_start3A_420 : memref<1x80x128xf32, #tpu.memory_space<vmem>> -> memref<80x128xf32, #tpu.memory_space<vmem>>
        %dma_start3A_422 = arith.constant 0 : i32
        %dma_start3A_423 = tpu.memref_slice %arg6[%dma_start3A_415, %dma_start3A_416, %dma_start3A_422] : memref<4x2x80xi32, #tpu.memory_space<vmem>> -> memref<1x1x80xi32, #tpu.memory_space<vmem>>
        %dma_start3A_424 = tpu.memref_squeeze %dma_start3A_423 : memref<1x1x80xi32, #tpu.memory_space<vmem>> -> memref<80xi32, #tpu.memory_space<vmem>>
        %dma_start3A_425 = arith.constant 0 : i32
        %dma_start3A_426 = arith.constant 0 : i32
        %dma_start3A_427 = tpu.memref_slice %arg2[%dma_start3A_425, %dma_start3A_426] : memref<10240x128xf32, #tpu.memory_space<hbm>> -> memref<10240x128xf32, #tpu.memory_space<hbm>>
        tpu.enqueue_indirect_dma source(%dma_start3A_427 : memref<10240x128xf32, #tpu.memory_space<hbm>>) target(%dma_start3A_421 : memref<80x128xf32, #tpu.memory_space<vmem>>) offsets(%dma_start3A_424 : memref<80xi32, #tpu.memory_space<vmem>>) semaphore(%arg14 : memref<!tpu.dma_semaphore, #tpu.memory_space<semaphore_mem>>)
      } else {
      }
    }
    %scan3A_127 = arith.constant 31 : i32
    %dma_wait3A_128 = arith.constant 0 : i32
    %dma_wait3A_129 = arith.constant 0 : i32
    %dma_wait3A_130 = arith.constant 0 : i32
    %dma_wait3A_131 = arith.constant 0 : i32
    %dma_wait3A_132 = arith.constant 0 : i32
    %dma_wait3A_133 = tpu.memref_slice %arg7[%dma_wait3A_130, %dma_wait3A_131, %dma_wait3A_132] : memref<4x80x128xf32, #tpu.memory_space<vmem>> -> memref<1x80x128xf32, #tpu.memory_space<vmem>>
    %dma_wait3A_134 = tpu.memref_squeeze %dma_wait3A_133 : memref<1x80x128xf32, #tpu.memory_space<vmem>> -> memref<80x128xf32, #tpu.memory_space<vmem>>
    %dma_wait3A_135 = arith.constant 0 : i32
    %dma_wait3A_136 = tpu.memref_slice %arg6[%dma_wait3A_128, %dma_wait3A_129, %dma_wait3A_135] : memref<4x2x80xi32, #tpu.memory_space<vmem>> -> memref<1x1x80xi32, #tpu.memory_space<vmem>>
    %dma_wait3A_137 = tpu.memref_squeeze %dma_wait3A_136 : memref<1x1x80xi32, #tpu.memory_space<vmem>> -> memref<80xi32, #tpu.memory_space<vmem>>
    %dma_wait3A_138 = arith.constant 0 : i32
    %dma_wait3A_139 = arith.constant 0 : i32
    %dma_wait3A_140 = tpu.memref_slice %arg2[%dma_wait3A_138, %dma_wait3A_139] : memref<10240x128xf32, #tpu.memory_space<hbm>> -> memref<10240x128xf32, #tpu.memory_space<hbm>>
    tpu.wait_indirect_dma semaphore(%arg13 : memref<!tpu.dma_semaphore, #tpu.memory_space<semaphore_mem>>) src(%dma_wait3A_140 : memref<10240x128xf32, #tpu.memory_space<hbm>>) dst(%dma_wait3A_134 : memref<80x128xf32, #tpu.memory_space<vmem>>)
    %dma_start3A_141 = arith.constant 0 : i32
    %dma_start3A_142 = arith.constant 0 : i32
    %dma_start3A_143 = arith.constant 1 : i32
    %dma_start3A_144 = arith.constant 0 : i32
    %dma_start3A_145 = arith.constant 0 : i32
    %dma_start3A_146 = tpu.memref_slice %arg7[%dma_start3A_141, %dma_start3A_144, %dma_start3A_145] : memref<4x80x128xf32, #tpu.memory_space<vmem>> -> memref<1x80x128xf32, #tpu.memory_space<vmem>>
    %dma_start3A_147 = tpu.memref_squeeze %dma_start3A_146 : memref<1x80x128xf32, #tpu.memory_space<vmem>> -> memref<80x128xf32, #tpu.memory_space<vmem>>
    %dma_start3A_148 = arith.constant 0 : i32
    %dma_start3A_149 = tpu.memref_slice %arg6[%dma_start3A_142, %dma_start3A_143, %dma_start3A_148] : memref<4x2x80xi32, #tpu.memory_space<vmem>> -> memref<1x1x80xi32, #tpu.memory_space<vmem>>
    %dma_start3A_150 = tpu.memref_squeeze %dma_start3A_149 : memref<1x1x80xi32, #tpu.memory_space<vmem>> -> memref<80xi32, #tpu.memory_space<vmem>>
    %dma_start3A_151 = arith.constant 0 : i32
    %dma_start3A_152 = arith.constant 0 : i32
    %dma_start3A_153 = tpu.memref_slice %arg8[%dma_start3A_151, %dma_start3A_152] : memref<10240x128xf32, #tpu.memory_space<vmem_shared>> -> memref<10240x128xf32, #tpu.memory_space<vmem_shared>>
    tpu.enqueue_indirect_dma source(%dma_start3A_147 : memref<80x128xf32, #tpu.memory_space<vmem>>) target(%dma_start3A_153 : memref<10240x128xf32, #tpu.memory_space<vmem_shared>>) offsets(%dma_start3A_150 : memref<80xi32, #tpu.memory_space<vmem>>) semaphore(%arg17 : memref<!tpu.dma_semaphore, #tpu.memory_space<semaphore_mem>>) {add = true}
    %dma_wait3A_154 = arith.constant 3 : i32
    %dma_wait3A_155 = arith.constant 3 : i32
    %dma_wait3A_156 = arith.constant 1 : i32
    %dma_wait3A_157 = arith.constant 0 : i32
    %dma_wait3A_158 = arith.constant 0 : i32
    %dma_wait3A_159 = tpu.memref_slice %arg7[%dma_wait3A_154, %dma_wait3A_157, %dma_wait3A_158] : memref<4x80x128xf32, #tpu.memory_space<vmem>> -> memref<1x80x128xf32, #tpu.memory_space<vmem>>
    %dma_wait3A_160 = tpu.memref_squeeze %dma_wait3A_159 : memref<1x80x128xf32, #tpu.memory_space<vmem>> -> memref<80x128xf32, #tpu.memory_space<vmem>>
    %dma_wait3A_161 = arith.constant 0 : i32
    %dma_wait3A_162 = tpu.memref_slice %arg6[%dma_wait3A_155, %dma_wait3A_156, %dma_wait3A_161] : memref<4x2x80xi32, #tpu.memory_space<vmem>> -> memref<1x1x80xi32, #tpu.memory_space<vmem>>
    %dma_wait3A_163 = tpu.memref_squeeze %dma_wait3A_162 : memref<1x1x80xi32, #tpu.memory_space<vmem>> -> memref<80xi32, #tpu.memory_space<vmem>>
    %dma_wait3A_164 = arith.constant 0 : i32
    %dma_wait3A_165 = arith.constant 0 : i32
    %dma_wait3A_166 = tpu.memref_slice %arg8[%dma_wait3A_164, %dma_wait3A_165] : memref<10240x128xf32, #tpu.memory_space<vmem_shared>> -> memref<10240x128xf32, #tpu.memory_space<vmem_shared>>
    tpu.wait_indirect_dma semaphore(%arg20 : memref<!tpu.dma_semaphore, #tpu.memory_space<semaphore_mem>>) src(%dma_wait3A_160 : memref<80x128xf32, #tpu.memory_space<vmem>>) dst(%dma_wait3A_166 : memref<10240x128xf32, #tpu.memory_space<vmem_shared>>)
    %dma_wait3A_167 = arith.constant 0 : i32
    %dma_wait3A_168 = arith.constant 0 : i32
    %dma_wait3A_169 = arith.constant 1 : i32
    %dma_wait3A_170 = arith.constant 0 : i32
    %dma_wait3A_171 = arith.constant 0 : i32
    %dma_wait3A_172 = tpu.memref_slice %arg7[%dma_wait3A_167, %dma_wait3A_170, %dma_wait3A_171] : memref<4x80x128xf32, #tpu.memory_space<vmem>> -> memref<1x80x128xf32, #tpu.memory_space<vmem>>
    %dma_wait3A_173 = tpu.memref_squeeze %dma_wait3A_172 : memref<1x80x128xf32, #tpu.memory_space<vmem>> -> memref<80x128xf32, #tpu.memory_space<vmem>>
    %dma_wait3A_174 = arith.constant 0 : i32
    %dma_wait3A_175 = tpu.memref_slice %arg6[%dma_wait3A_168, %dma_wait3A_169, %dma_wait3A_174] : memref<4x2x80xi32, #tpu.memory_space<vmem>> -> memref<1x1x80xi32, #tpu.memory_space<vmem>>
    %dma_wait3A_176 = tpu.memref_squeeze %dma_wait3A_175 : memref<1x1x80xi32, #tpu.memory_space<vmem>> -> memref<80xi32, #tpu.memory_space<vmem>>
    %dma_wait3A_177 = arith.constant 0 : i32
    %dma_wait3A_178 = arith.constant 0 : i32
    %dma_wait3A_179 = tpu.memref_slice %arg8[%dma_wait3A_177, %dma_wait3A_178] : memref<10240x128xf32, #tpu.memory_space<vmem_shared>> -> memref<10240x128xf32, #tpu.memory_space<vmem_shared>>
    tpu.wait_indirect_dma semaphore(%arg17 : memref<!tpu.dma_semaphore, #tpu.memory_space<semaphore_mem>>) src(%dma_wait3A_173 : memref<80x128xf32, #tpu.memory_space<vmem>>) dst(%dma_wait3A_179 : memref<10240x128xf32, #tpu.memory_space<vmem_shared>>)
    %barrier3A_180 = arith.constant 0 : index
    tpu.barrier barrier_id(%barrier3A_180)
    %mul3A_181 = arith.constant 640 : i32
    %mul3A_182 = arith.muli %arg1, %mul3A_181 : i32
    %mul3A_183 = arith.constant 640 : i32
    %mul3A_184 = arith.muli %arg1, %mul3A_183 : i32
    "tpu.region"() ({
      %run_scoped3A = tpu.sem_alloc : memref<!tpu.dma_semaphore, #tpu.memory_space<semaphore_mem>>
      %dma_start3A_185 = arith.constant 0 : i32
      %dma_start3A_186 = arith.constant 0 : i32
      %dma_start3A_187 = tpu.memref_slice %arg5[%arg0, %dma_start3A_185, %dma_start3A_186] : memref<2x10240x128xf32, #tpu.memory_space<hbm>> -> memref<1x10240x128xf32, #tpu.memory_space<hbm>>
      %dma_start3A_188 = tpu.memref_squeeze %dma_start3A_187 : memref<1x10240x128xf32, #tpu.memory_space<hbm>> -> memref<10240x128xf32, #tpu.memory_space<hbm>>
      %dma_start3A_189 = arith.constant 0 : i32
      %dma_start3A_190 = tpu.memref_slice %dma_start3A_188[%mul3A_184, %dma_start3A_189] : memref<10240x128xf32, #tpu.memory_space<hbm>> -> memref<640x128xf32, #tpu.memory_space<hbm>>
      %dma_start3A_191 = arith.constant 0 : i32
      %dma_start3A_192 = tpu.memref_slice %arg8[%mul3A_182, %dma_start3A_191] : memref<10240x128xf32, #tpu.memory_space<vmem_shared>> -> memref<640x128xf32, #tpu.memory_space<vmem_shared>>
      tpu.enqueue_dma source(%dma_start3A_192 : memref<640x128xf32, #tpu.memory_space<vmem_shared>>) target(%dma_start3A_190 : memref<640x128xf32, #tpu.memory_space<hbm>>) target_semaphore(%run_scoped3A : memref<!tpu.dma_semaphore, #tpu.memory_space<semaphore_mem>>)
      %dma_wait3A_193 = arith.constant 0 : i32
      %dma_wait3A_194 = arith.constant 0 : i32
      %dma_wait3A_195 = tpu.memref_slice %arg5[%arg0, %dma_wait3A_193, %dma_wait3A_194] : memref<2x10240x128xf32, #tpu.memory_space<hbm>> -> memref<1x10240x128xf32, #tpu.memory_space<hbm>>
      %dma_wait3A_196 = tpu.memref_squeeze %dma_wait3A_195 : memref<1x10240x128xf32, #tpu.memory_space<hbm>> -> memref<10240x128xf32, #tpu.memory_space<hbm>>
      %dma_wait3A_197 = arith.constant 0 : i32
      %dma_wait3A_198 = tpu.memref_slice %dma_wait3A_196[%mul3A_184, %dma_wait3A_197] : memref<10240x128xf32, #tpu.memory_space<hbm>> -> memref<640x128xf32, #tpu.memory_space<hbm>>
      %dma_wait3A_199 = arith.constant 0 : i32
      %dma_wait3A_200 = tpu.memref_slice %arg8[%mul3A_182, %dma_wait3A_199] : memref<10240x128xf32, #tpu.memory_space<vmem_shared>> -> memref<640x128xf32, #tpu.memory_space<vmem_shared>>
      tpu.wait_dma2 semaphore(%run_scoped3A : memref<!tpu.dma_semaphore, #tpu.memory_space<semaphore_mem>>) src(%dma_wait3A_200 : memref<640x128xf32, #tpu.memory_space<vmem_shared>>) dst(%dma_wait3A_198 : memref<640x128xf32, #tpu.memory_space<hbm>>)
      tpu.yield
    }) : () -> ()
    return
  }
}

#map = affine_map<(d0, d1) -> (0, 0)>
#map1 = affine_map<(d0, d1) -> (0, 0, 0)>
module attributes {stable_mosaic.version = 14 : i64} {
  func.func @_agg_kernel(%arg0: i32, %arg1: i32, %arg2: memref<10240x128xf32, #tpu.memory_space<hbm>>, %arg3: memref<4000x2x80xi32, #tpu.memory_space<hbm>>, %arg4: memref<640x128xf32, #tpu.memory_space<hbm>>, %arg5: memref<2x10240x128xf32, #tpu.memory_space<hbm>>, %arg6: memref<4x2x80xi32, #tpu.memory_space<vmem>>, %arg7: memref<4x80x128xf32, #tpu.memory_space<vmem>>, %arg8: memref<10240x128xf32, #tpu.memory_space<vmem_shared>>, %arg9: memref<!tpu.dma_semaphore, #tpu.memory_space<semaphore_mem>>, %arg10: memref<!tpu.dma_semaphore, #tpu.memory_space<semaphore_mem>>, %arg11: memref<!tpu.dma_semaphore, #tpu.memory_space<semaphore_mem>>, %arg12: memref<!tpu.dma_semaphore, #tpu.memory_space<semaphore_mem>>, %arg13: memref<!tpu.dma_semaphore, #tpu.memory_space<semaphore_mem>>, %arg14: memref<!tpu.dma_semaphore, #tpu.memory_space<semaphore_mem>>, %arg15: memref<!tpu.dma_semaphore, #tpu.memory_space<semaphore_mem>>, %arg16: memref<!tpu.dma_semaphore, #tpu.memory_space<semaphore_mem>>, %arg17: memref<!tpu.dma_semaphore, #tpu.memory_space<semaphore_mem>>, %arg18: memref<!tpu.dma_semaphore, #tpu.memory_space<semaphore_mem>>, %arg19: memref<!tpu.dma_semaphore, #tpu.memory_space<semaphore_mem>>, %arg20: memref<!tpu.dma_semaphore, #tpu.memory_space<semaphore_mem>>) attributes {dimension_semantics = [#tpu.dimension_semantics<core_parallel>, #tpu.dimension_semantics<subcore_parallel>], iteration_bounds = array<i64: 2, 16>, scalar_prefetch = 0 : i64, scratch_operands = 15 : i64, tpu.core_type = #tpu.core_type<sc_vector_subcore>, window_params = [{transform_indices = #map}, {transform_indices = #map1}, {transform_indices = #map}, {transform_indices = #map1}]} {
    %mul3A = arith.constant 2 : i32
    %mul3A_0 = arith.muli %arg1, %mul3A : i32
    %add3A = arith.addi %mul3A_0, %arg0 : i32
    %mul3A_1 = arith.constant 125 : i32
    %mul3A_2 = arith.muli %add3A, %mul3A_1 : i32
    %add3A_3 = arith.constant 0 : i32
    %add3A_4 = arith.addi %mul3A_2, %add3A_3 : i32
    %dma_start3A = arith.constant 0 : i32
    %dma_start3A_5 = arith.constant 0 : i32
    %dma_start3A_6 = arith.constant 0 : i32
    %dma_start3A_7 = tpu.memref_slice %arg6[%dma_start3A, %dma_start3A_5, %dma_start3A_6] : memref<4x2x80xi32, #tpu.memory_space<vmem>> -> memref<1x2x80xi32, #tpu.memory_space<vmem>>
    %dma_start3A_8 = tpu.memref_squeeze %dma_start3A_7 : memref<1x2x80xi32, #tpu.memory_space<vmem>> -> memref<2x80xi32, #tpu.memory_space<vmem>>
    %dma_start3A_9 = arith.constant 0 : i32
    %dma_start3A_10 = arith.constant 0 : i32
    %dma_start3A_11 = tpu.memref_slice %arg3[%add3A_4, %dma_start3A_9, %dma_start3A_10] : memref<4000x2x80xi32, #tpu.memory_space<hbm>> -> memref<1x2x80xi32, #tpu.memory_space<hbm>>
    %dma_start3A_12 = tpu.memref_squeeze %dma_start3A_11 : memref<1x2x80xi32, #tpu.memory_space<hbm>> -> memref<2x80xi32, #tpu.memory_space<hbm>>
    %dma_start3A_13 = arith.constant 0 : i32
    %dma_start3A_14 = arith.constant 0 : i32
    %dma_start3A_15 = tpu.memref_slice %arg6[%dma_start3A, %dma_start3A_13, %dma_start3A_14] : memref<4x2x80xi32, #tpu.memory_space<vmem>> -> memref<1x2x80xi32, #tpu.memory_space<vmem>>
    %dma_start3A_16 = tpu.memref_squeeze %dma_start3A_15 : memref<1x2x80xi32, #tpu.memory_space<vmem>> -> memref<2x80xi32, #tpu.memory_space<vmem>>
    %dma_start3A_17 = arith.constant 0 : i32
    %dma_start3A_18 = arith.constant 0 : i32
    %dma_start3A_19 = tpu.memref_slice %arg3[%add3A_4, %dma_start3A_17, %dma_start3A_18] : memref<4000x2x80xi32, #tpu.memory_space<hbm>> -> memref<1x2x80xi32, #tpu.memory_space<hbm>>
    %dma_start3A_20 = tpu.memref_squeeze %dma_start3A_19 : memref<1x2x80xi32, #tpu.memory_space<hbm>> -> memref<2x80xi32, #tpu.memory_space<hbm>>
    tpu.enqueue_dma source(%dma_start3A_20 : memref<2x80xi32, #tpu.memory_space<hbm>>) target(%dma_start3A_16 : memref<2x80xi32, #tpu.memory_space<vmem>>) target_semaphore(%arg9 : memref<!tpu.dma_semaphore, #tpu.memory_space<semaphore_mem>>)
    %add3A_21 = arith.constant 1 : i32
    %add3A_22 = arith.addi %mul3A_2, %add3A_21 : i32
    %dma_start3A_23 = arith.constant 1 : i32
    %dma_start3A_24 = arith.constant 0 : i32
    %dma_start3A_25 = arith.constant 0 : i32
    %dma_start3A_26 = tpu.memref_slice %arg6[%dma_start3A_23, %dma_start3A_24, %dma_start3A_25] : memref<4x2x80xi32, #tpu.memory_space<vmem>> -> memref<1x2x80xi32, #tpu.memory_space<vmem>>
    %dma_start3A_27 = tpu.memref_squeeze %dma_start3A_26 : memref<1x2x80xi32, #tpu.memory_space<vmem>> -> memref<2x80xi32, #tpu.memory_space<vmem>>
    %dma_start3A_28 = arith.constant 0 : i32
    %dma_start3A_29 = arith.constant 0 : i32
    %dma_start3A_30 = tpu.memref_slice %arg3[%add3A_22, %dma_start3A_28, %dma_start3A_29] : memref<4000x2x80xi32, #tpu.memory_space<hbm>> -> memref<1x2x80xi32, #tpu.memory_space<hbm>>
    %dma_start3A_31 = tpu.memref_squeeze %dma_start3A_30 : memref<1x2x80xi32, #tpu.memory_space<hbm>> -> memref<2x80xi32, #tpu.memory_space<hbm>>
    %dma_start3A_32 = arith.constant 0 : i32
    %dma_start3A_33 = arith.constant 0 : i32
    %dma_start3A_34 = tpu.memref_slice %arg6[%dma_start3A_23, %dma_start3A_32, %dma_start3A_33] : memref<4x2x80xi32, #tpu.memory_space<vmem>> -> memref<1x2x80xi32, #tpu.memory_space<vmem>>
    %dma_start3A_35 = tpu.memref_squeeze %dma_start3A_34 : memref<1x2x80xi32, #tpu.memory_space<vmem>> -> memref<2x80xi32, #tpu.memory_space<vmem>>
    %dma_start3A_36 = arith.constant 0 : i32
    %dma_start3A_37 = arith.constant 0 : i32
    %dma_start3A_38 = tpu.memref_slice %arg3[%add3A_22, %dma_start3A_36, %dma_start3A_37] : memref<4000x2x80xi32, #tpu.memory_space<hbm>> -> memref<1x2x80xi32, #tpu.memory_space<hbm>>
    %dma_start3A_39 = tpu.memref_squeeze %dma_start3A_38 : memref<1x2x80xi32, #tpu.memory_space<hbm>> -> memref<2x80xi32, #tpu.memory_space<hbm>>
    tpu.enqueue_dma source(%dma_start3A_39 : memref<2x80xi32, #tpu.memory_space<hbm>>) target(%dma_start3A_35 : memref<2x80xi32, #tpu.memory_space<vmem>>) target_semaphore(%arg10 : memref<!tpu.dma_semaphore, #tpu.memory_space<semaphore_mem>>)
    %add3A_40 = arith.constant 2 : i32
    %add3A_41 = arith.addi %mul3A_2, %add3A_40 : i32
    %dma_start3A_42 = arith.constant 2 : i32
    %dma_start3A_43 = arith.constant 0 : i32
    %dma_start3A_44 = arith.constant 0 : i32
    %dma_start3A_45 = tpu.memref_slice %arg6[%dma_start3A_42, %dma_start3A_43, %dma_start3A_44] : memref<4x2x80xi32, #tpu.memory_space<vmem>> -> memref<1x2x80xi32, #tpu.memory_space<vmem>>
    %dma_start3A_46 = tpu.memref_squeeze %dma_start3A_45 : memref<1x2x80xi32, #tpu.memory_space<vmem>> -> memref<2x80xi32, #tpu.memory_space<vmem>>
    %dma_start3A_47 = arith.constant 0 : i32
    %dma_start3A_48 = arith.constant 0 : i32
    %dma_start3A_49 = tpu.memref_slice %arg3[%add3A_41, %dma_start3A_47, %dma_start3A_48] : memref<4000x2x80xi32, #tpu.memory_space<hbm>> -> memref<1x2x80xi32, #tpu.memory_space<hbm>>
    %dma_start3A_50 = tpu.memref_squeeze %dma_start3A_49 : memref<1x2x80xi32, #tpu.memory_space<hbm>> -> memref<2x80xi32, #tpu.memory_space<hbm>>
    %dma_start3A_51 = arith.constant 0 : i32
    %dma_start3A_52 = arith.constant 0 : i32
    %dma_start3A_53 = tpu.memref_slice %arg6[%dma_start3A_42, %dma_start3A_51, %dma_start3A_52] : memref<4x2x80xi32, #tpu.memory_space<vmem>> -> memref<1x2x80xi32, #tpu.memory_space<vmem>>
    %dma_start3A_54 = tpu.memref_squeeze %dma_start3A_53 : memref<1x2x80xi32, #tpu.memory_space<vmem>> -> memref<2x80xi32, #tpu.memory_space<vmem>>
    %dma_start3A_55 = arith.constant 0 : i32
    %dma_start3A_56 = arith.constant 0 : i32
    %dma_start3A_57 = tpu.memref_slice %arg3[%add3A_41, %dma_start3A_55, %dma_start3A_56] : memref<4000x2x80xi32, #tpu.memory_space<hbm>> -> memref<1x2x80xi32, #tpu.memory_space<hbm>>
    %dma_start3A_58 = tpu.memref_squeeze %dma_start3A_57 : memref<1x2x80xi32, #tpu.memory_space<hbm>> -> memref<2x80xi32, #tpu.memory_space<hbm>>
    tpu.enqueue_dma source(%dma_start3A_58 : memref<2x80xi32, #tpu.memory_space<hbm>>) target(%dma_start3A_54 : memref<2x80xi32, #tpu.memory_space<vmem>>) target_semaphore(%arg11 : memref<!tpu.dma_semaphore, #tpu.memory_space<semaphore_mem>>)
    %add3A_59 = arith.constant 0 : i32
    %add3A_60 = arith.addi %mul3A_2, %add3A_59 : i32
    %dma_wait3A = arith.constant 0 : i32
    %dma_wait3A_61 = arith.constant 0 : i32
    %dma_wait3A_62 = arith.constant 0 : i32
    %dma_wait3A_63 = tpu.memref_slice %arg6[%dma_wait3A, %dma_wait3A_61, %dma_wait3A_62] : memref<4x2x80xi32, #tpu.memory_space<vmem>> -> memref<1x2x80xi32, #tpu.memory_space<vmem>>
    %dma_wait3A_64 = tpu.memref_squeeze %dma_wait3A_63 : memref<1x2x80xi32, #tpu.memory_space<vmem>> -> memref<2x80xi32, #tpu.memory_space<vmem>>
    %dma_wait3A_65 = arith.constant 0 : i32
    %dma_wait3A_66 = arith.constant 0 : i32
    %dma_wait3A_67 = tpu.memref_slice %arg3[%add3A_60, %dma_wait3A_65, %dma_wait3A_66] : memref<4000x2x80xi32, #tpu.memory_space<hbm>> -> memref<1x2x80xi32, #tpu.memory_space<hbm>>
    %dma_wait3A_68 = tpu.memref_squeeze %dma_wait3A_67 : memref<1x2x80xi32, #tpu.memory_space<hbm>> -> memref<2x80xi32, #tpu.memory_space<hbm>>
    %dma_wait3A_69 = arith.constant 0 : i32
    %dma_wait3A_70 = arith.constant 0 : i32
    %dma_wait3A_71 = tpu.memref_slice %arg6[%dma_wait3A, %dma_wait3A_69, %dma_wait3A_70] : memref<4x2x80xi32, #tpu.memory_space<vmem>> -> memref<1x2x80xi32, #tpu.memory_space<vmem>>
    %dma_wait3A_72 = tpu.memref_squeeze %dma_wait3A_71 : memref<1x2x80xi32, #tpu.memory_space<vmem>> -> memref<2x80xi32, #tpu.memory_space<vmem>>
    %dma_wait3A_73 = arith.constant 0 : i32
    %dma_wait3A_74 = arith.constant 0 : i32
    %dma_wait3A_75 = tpu.memref_slice %arg3[%add3A_60, %dma_wait3A_73, %dma_wait3A_74] : memref<4000x2x80xi32, #tpu.memory_space<hbm>> -> memref<1x2x80xi32, #tpu.memory_space<hbm>>
    %dma_wait3A_76 = tpu.memref_squeeze %dma_wait3A_75 : memref<1x2x80xi32, #tpu.memory_space<hbm>> -> memref<2x80xi32, #tpu.memory_space<hbm>>
    tpu.wait_dma2 semaphore(%arg9 : memref<!tpu.dma_semaphore, #tpu.memory_space<semaphore_mem>>) src(%dma_wait3A_76 : memref<2x80xi32, #tpu.memory_space<hbm>>) dst(%dma_wait3A_72 : memref<2x80xi32, #tpu.memory_space<vmem>>)
    %dma_start3A_77 = arith.constant 0 : i32
    %dma_start3A_78 = arith.constant 0 : i32
    %dma_start3A_79 = arith.constant 0 : i32
    %dma_start3A_80 = arith.constant 0 : i32
    %dma_start3A_81 = arith.constant 0 : i32
    %dma_start3A_82 = tpu.memref_slice %arg7[%dma_start3A_79, %dma_start3A_80, %dma_start3A_81] : memref<4x80x128xf32, #tpu.memory_space<vmem>> -> memref<1x80x128xf32, #tpu.memory_space<vmem>>
    %dma_start3A_83 = tpu.memref_squeeze %dma_start3A_82 : memref<1x80x128xf32, #tpu.memory_space<vmem>> -> memref<80x128xf32, #tpu.memory_space<vmem>>
    %dma_start3A_84 = arith.constant 0 : i32
    %dma_start3A_85 = tpu.memref_slice %arg6[%dma_start3A_77, %dma_start3A_78, %dma_start3A_84] : memref<4x2x80xi32, #tpu.memory_space<vmem>> -> memref<1x1x80xi32, #tpu.memory_space<vmem>>
    %dma_start3A_86 = tpu.memref_squeeze %dma_start3A_85 : memref<1x1x80xi32, #tpu.memory_space<vmem>> -> memref<80xi32, #tpu.memory_space<vmem>>
    %dma_start3A_87 = arith.constant 0 : i32
    %dma_start3A_88 = arith.constant 0 : i32
    %dma_start3A_89 = tpu.memref_slice %arg2[%dma_start3A_87, %dma_start3A_88] : memref<10240x128xf32, #tpu.memory_space<hbm>> -> memref<10240x128xf32, #tpu.memory_space<hbm>>
    tpu.enqueue_indirect_dma source(%dma_start3A_89 : memref<10240x128xf32, #tpu.memory_space<hbm>>) target(%dma_start3A_83 : memref<80x128xf32, #tpu.memory_space<vmem>>) offsets(%dma_start3A_86 : memref<80xi32, #tpu.memory_space<vmem>>) semaphore(%arg13 : memref<!tpu.dma_semaphore, #tpu.memory_space<semaphore_mem>>)
    %add3A_90 = arith.constant 1 : i32
    %add3A_91 = arith.addi %mul3A_2, %add3A_90 : i32
    %dma_wait3A_92 = arith.constant 1 : i32
    %dma_wait3A_93 = arith.constant 0 : i32
    %dma_wait3A_94 = arith.constant 0 : i32
    %dma_wait3A_95 = tpu.memref_slice %arg6[%dma_wait3A_92, %dma_wait3A_93, %dma_wait3A_94] : memref<4x2x80xi32, #tpu.memory_space<vmem>> -> memref<1x2x80xi32, #tpu.memory_space<vmem>>
    %dma_wait3A_96 = tpu.memref_squeeze %dma_wait3A_95 : memref<1x2x80xi32, #tpu.memory_space<vmem>> -> memref<2x80xi32, #tpu.memory_space<vmem>>
    %dma_wait3A_97 = arith.constant 0 : i32
    %dma_wait3A_98 = arith.constant 0 : i32
    %dma_wait3A_99 = tpu.memref_slice %arg3[%add3A_91, %dma_wait3A_97, %dma_wait3A_98] : memref<4000x2x80xi32, #tpu.memory_space<hbm>> -> memref<1x2x80xi32, #tpu.memory_space<hbm>>
    %dma_wait3A_100 = tpu.memref_squeeze %dma_wait3A_99 : memref<1x2x80xi32, #tpu.memory_space<hbm>> -> memref<2x80xi32, #tpu.memory_space<hbm>>
    %dma_wait3A_101 = arith.constant 0 : i32
    %dma_wait3A_102 = arith.constant 0 : i32
    %dma_wait3A_103 = tpu.memref_slice %arg6[%dma_wait3A_92, %dma_wait3A_101, %dma_wait3A_102] : memref<4x2x80xi32, #tpu.memory_space<vmem>> -> memref<1x2x80xi32, #tpu.memory_space<vmem>>
    %dma_wait3A_104 = tpu.memref_squeeze %dma_wait3A_103 : memref<1x2x80xi32, #tpu.memory_space<vmem>> -> memref<2x80xi32, #tpu.memory_space<vmem>>
    %dma_wait3A_105 = arith.constant 0 : i32
    %dma_wait3A_106 = arith.constant 0 : i32
    %dma_wait3A_107 = tpu.memref_slice %arg3[%add3A_91, %dma_wait3A_105, %dma_wait3A_106] : memref<4000x2x80xi32, #tpu.memory_space<hbm>> -> memref<1x2x80xi32, #tpu.memory_space<hbm>>
    %dma_wait3A_108 = tpu.memref_squeeze %dma_wait3A_107 : memref<1x2x80xi32, #tpu.memory_space<hbm>> -> memref<2x80xi32, #tpu.memory_space<hbm>>
    tpu.wait_dma2 semaphore(%arg10 : memref<!tpu.dma_semaphore, #tpu.memory_space<semaphore_mem>>) src(%dma_wait3A_108 : memref<2x80xi32, #tpu.memory_space<hbm>>) dst(%dma_wait3A_104 : memref<2x80xi32, #tpu.memory_space<vmem>>)
    %dma_start3A_109 = arith.constant 1 : i32
    %dma_start3A_110 = arith.constant 0 : i32
    %dma_start3A_111 = arith.constant 1 : i32
    %dma_start3A_112 = arith.constant 0 : i32
    %dma_start3A_113 = arith.constant 0 : i32
    %dma_start3A_114 = tpu.memref_slice %arg7[%dma_start3A_111, %dma_start3A_112, %dma_start3A_113] : memref<4x80x128xf32, #tpu.memory_space<vmem>> -> memref<1x80x128xf32, #tpu.memory_space<vmem>>
    %dma_start3A_115 = tpu.memref_squeeze %dma_start3A_114 : memref<1x80x128xf32, #tpu.memory_space<vmem>> -> memref<80x128xf32, #tpu.memory_space<vmem>>
    %dma_start3A_116 = arith.constant 0 : i32
    %dma_start3A_117 = tpu.memref_slice %arg6[%dma_start3A_109, %dma_start3A_110, %dma_start3A_116] : memref<4x2x80xi32, #tpu.memory_space<vmem>> -> memref<1x1x80xi32, #tpu.memory_space<vmem>>
    %dma_start3A_118 = tpu.memref_squeeze %dma_start3A_117 : memref<1x1x80xi32, #tpu.memory_space<vmem>> -> memref<80xi32, #tpu.memory_space<vmem>>
    %dma_start3A_119 = arith.constant 0 : i32
    %dma_start3A_120 = arith.constant 0 : i32
    %dma_start3A_121 = tpu.memref_slice %arg2[%dma_start3A_119, %dma_start3A_120] : memref<10240x128xf32, #tpu.memory_space<hbm>> -> memref<10240x128xf32, #tpu.memory_space<hbm>>
    tpu.enqueue_indirect_dma source(%dma_start3A_121 : memref<10240x128xf32, #tpu.memory_space<hbm>>) target(%dma_start3A_115 : memref<80x128xf32, #tpu.memory_space<vmem>>) offsets(%dma_start3A_118 : memref<80xi32, #tpu.memory_space<vmem>>) semaphore(%arg14 : memref<!tpu.dma_semaphore, #tpu.memory_space<semaphore_mem>>)
    %mul3A_122 = arith.constant 640 : i32
    %mul3A_123 = arith.muli %arg1, %mul3A_122 : i32
    "tpu.region"() ({
      %run_scoped3A = tpu.sem_alloc : memref<!tpu.dma_semaphore, #tpu.memory_space<semaphore_mem>>
      %dma_start3A_185 = arith.constant 0 : i32
      %dma_start3A_186 = tpu.memref_slice %arg8[%mul3A_123, %dma_start3A_185] : memref<10240x128xf32, #tpu.memory_space<vmem_shared>> -> memref<640x128xf32, #tpu.memory_space<vmem_shared>>
      tpu.enqueue_dma source(%arg4 : memref<640x128xf32, #tpu.memory_space<hbm>>) target(%dma_start3A_186 : memref<640x128xf32, #tpu.memory_space<vmem_shared>>) target_semaphore(%run_scoped3A : memref<!tpu.dma_semaphore, #tpu.memory_space<semaphore_mem>>)
      %dma_wait3A_187 = arith.constant 0 : i32
      %dma_wait3A_188 = tpu.memref_slice %arg8[%mul3A_123, %dma_wait3A_187] : memref<10240x128xf32, #tpu.memory_space<vmem_shared>> -> memref<640x128xf32, #tpu.memory_space<vmem_shared>>
      tpu.wait_dma2 semaphore(%run_scoped3A : memref<!tpu.dma_semaphore, #tpu.memory_space<semaphore_mem>>) src(%arg4 : memref<640x128xf32, #tpu.memory_space<hbm>>) dst(%dma_wait3A_188 : memref<640x128xf32, #tpu.memory_space<vmem_shared>>)
      tpu.yield
    }) : () -> ()
    %barrier3A = arith.constant 0 : index
    tpu.barrier barrier_id(%barrier3A)
    %scan3A = arith.constant 0 : i32
    %scan3A_124 = arith.constant 31 : i32
    %scan3A_125 = arith.addi %scan3A, %scan3A_124 : i32
    %scan3A_126 = arith.constant 1 : i32
    scf.for %scan3A_185 = %scan3A to %scan3A_125 step %scan3A_126  : i32 {
      %mul3A_186 = arith.constant 4 : i32
      %mul3A_187 = arith.muli %mul3A_186, %scan3A_185 : i32
      %add3A_188 = arith.constant 0 : i32
      %add3A_189 = arith.addi %mul3A_187, %add3A_188 : i32
      %dma_wait3A_190 = arith.constant 0 : i32
      %dma_wait3A_191 = arith.constant 0 : i32
      %dma_wait3A_192 = arith.constant 0 : i32
      %dma_wait3A_193 = arith.constant 0 : i32
      %dma_wait3A_194 = arith.constant 0 : i32
      %dma_wait3A_195 = tpu.memref_slice %arg7[%dma_wait3A_192, %dma_wait3A_193, %dma_wait3A_194] : memref<4x80x128xf32, #tpu.memory_space<vmem>> -> memref<1x80x128xf32, #tpu.memory_space<vmem>>
      %dma_wait3A_196 = tpu.memref_squeeze %dma_wait3A_195 : memref<1x80x128xf32, #tpu.memory_space<vmem>> -> memref<80x128xf32, #tpu.memory_space<vmem>>
      %dma_wait3A_197 = arith.constant 0 : i32
      %dma_wait3A_198 = tpu.memref_slice %arg6[%dma_wait3A_190, %dma_wait3A_191, %dma_wait3A_197] : memref<4x2x80xi32, #tpu.memory_space<vmem>> -> memref<1x1x80xi32, #tpu.memory_space<vmem>>
      %dma_wait3A_199 = tpu.memref_squeeze %dma_wait3A_198 : memref<1x1x80xi32, #tpu.memory_space<vmem>> -> memref<80xi32, #tpu.memory_space<vmem>>
      %dma_wait3A_200 = arith.constant 0 : i32
      %dma_wait3A_201 = arith.constant 0 : i32
      %dma_wait3A_202 = tpu.memref_slice %arg2[%dma_wait3A_200, %dma_wait3A_201] : memref<10240x128xf32, #tpu.memory_space<hbm>> -> memref<10240x128xf32, #tpu.memory_space<hbm>>
      tpu.wait_indirect_dma semaphore(%arg13 : memref<!tpu.dma_semaphore, #tpu.memory_space<semaphore_mem>>) src(%dma_wait3A_202 : memref<10240x128xf32, #tpu.memory_space<hbm>>) dst(%dma_wait3A_196 : memref<80x128xf32, #tpu.memory_space<vmem>>)
      %dma_start3A_203 = arith.constant 0 : i32
      %dma_start3A_204 = arith.constant 0 : i32
      %dma_start3A_205 = arith.constant 1 : i32
      %dma_start3A_206 = arith.constant 0 : i32
      %dma_start3A_207 = arith.constant 0 : i32
      %dma_start3A_208 = tpu.memref_slice %arg7[%dma_start3A_203, %dma_start3A_206, %dma_start3A_207] : memref<4x80x128xf32, #tpu.memory_space<vmem>> -> memref<1x80x128xf32, #tpu.memory_space<vmem>>
      %dma_start3A_209 = tpu.memref_squeeze %dma_start3A_208 : memref<1x80x128xf32, #tpu.memory_space<vmem>> -> memref<80x128xf32, #tpu.memory_space<vmem>>
      %dma_start3A_210 = arith.constant 0 : i32
      %dma_start3A_211 = tpu.memref_slice %arg6[%dma_start3A_204, %dma_start3A_205, %dma_start3A_210] : memref<4x2x80xi32, #tpu.memory_space<vmem>> -> memref<1x1x80xi32, #tpu.memory_space<vmem>>
      %dma_start3A_212 = tpu.memref_squeeze %dma_start3A_211 : memref<1x1x80xi32, #tpu.memory_space<vmem>> -> memref<80xi32, #tpu.memory_space<vmem>>
      %dma_start3A_213 = arith.constant 0 : i32
      %dma_start3A_214 = arith.constant 0 : i32
      %dma_start3A_215 = tpu.memref_slice %arg8[%dma_start3A_213, %dma_start3A_214] : memref<10240x128xf32, #tpu.memory_space<vmem_shared>> -> memref<10240x128xf32, #tpu.memory_space<vmem_shared>>
      tpu.enqueue_indirect_dma source(%dma_start3A_209 : memref<80x128xf32, #tpu.memory_space<vmem>>) target(%dma_start3A_215 : memref<10240x128xf32, #tpu.memory_space<vmem_shared>>) offsets(%dma_start3A_212 : memref<80xi32, #tpu.memory_space<vmem>>) semaphore(%arg17 : memref<!tpu.dma_semaphore, #tpu.memory_space<semaphore_mem>>) {add = true}
      %ge3A = arith.constant 1 : i32
      %ge3A_216 = arith.cmpi sge, %add3A_189, %ge3A : i32
      %convert_element_type3A = arith.extui %ge3A_216 : i1 to i32
      %cond3A = arith.constant 0 : i32
      %cond3A_217 = arith.cmpi ne, %convert_element_type3A, %cond3A : i32
      scf.if %cond3A_217 {
        %dma_wait3A_393 = arith.constant 3 : i32
        %dma_wait3A_394 = arith.constant 3 : i32
        %dma_wait3A_395 = arith.constant 1 : i32
        %dma_wait3A_396 = arith.constant 0 : i32
        %dma_wait3A_397 = arith.constant 0 : i32
        %dma_wait3A_398 = tpu.memref_slice %arg7[%dma_wait3A_393, %dma_wait3A_396, %dma_wait3A_397] : memref<4x80x128xf32, #tpu.memory_space<vmem>> -> memref<1x80x128xf32, #tpu.memory_space<vmem>>
        %dma_wait3A_399 = tpu.memref_squeeze %dma_wait3A_398 : memref<1x80x128xf32, #tpu.memory_space<vmem>> -> memref<80x128xf32, #tpu.memory_space<vmem>>
        %dma_wait3A_400 = arith.constant 0 : i32
        %dma_wait3A_401 = tpu.memref_slice %arg6[%dma_wait3A_394, %dma_wait3A_395, %dma_wait3A_400] : memref<4x2x80xi32, #tpu.memory_space<vmem>> -> memref<1x1x80xi32, #tpu.memory_space<vmem>>
        %dma_wait3A_402 = tpu.memref_squeeze %dma_wait3A_401 : memref<1x1x80xi32, #tpu.memory_space<vmem>> -> memref<80xi32, #tpu.memory_space<vmem>>
        %dma_wait3A_403 = arith.constant 0 : i32
        %dma_wait3A_404 = arith.constant 0 : i32
        %dma_wait3A_405 = tpu.memref_slice %arg8[%dma_wait3A_403, %dma_wait3A_404] : memref<10240x128xf32, #tpu.memory_space<vmem_shared>> -> memref<10240x128xf32, #tpu.memory_space<vmem_shared>>
        tpu.wait_indirect_dma semaphore(%arg20 : memref<!tpu.dma_semaphore, #tpu.memory_space<semaphore_mem>>) src(%dma_wait3A_399 : memref<80x128xf32, #tpu.memory_space<vmem>>) dst(%dma_wait3A_405 : memref<10240x128xf32, #tpu.memory_space<vmem_shared>>)
      } else {
      }
      %add3A_218 = arith.constant 4 : i32
      %add3A_219 = arith.addi %add3A_189, %add3A_218 : i32
      %sub3A = arith.constant 1 : i32
      %sub3A_220 = arith.subi %add3A_219, %sub3A : i32
      %lt3A = arith.constant 125 : i32
      %lt3A_221 = arith.cmpi slt, %sub3A_220, %lt3A : i32
      %convert_element_type3A_222 = arith.extui %lt3A_221 : i1 to i32
      %cond3A_223 = arith.constant 0 : i32
      %cond3A_224 = arith.cmpi ne, %convert_element_type3A_222, %cond3A_223 : i32
      scf.if %cond3A_224 {
        %add3A_393 = arith.constant 4 : i32
        %add3A_394 = arith.addi %add3A_189, %add3A_393 : i32
        %sub3A_395 = arith.constant 1 : i32
        %sub3A_396 = arith.subi %add3A_394, %sub3A_395 : i32
        %add3A_397 = arith.addi %mul3A_2, %sub3A_396 : i32
        %dma_start3A_398 = arith.constant 3 : i32
        %dma_start3A_399 = arith.constant 0 : i32
        %dma_start3A_400 = arith.constant 0 : i32
        %dma_start3A_401 = tpu.memref_slice %arg6[%dma_start3A_398, %dma_start3A_399, %dma_start3A_400] : memref<4x2x80xi32, #tpu.memory_space<vmem>> -> memref<1x2x80xi32, #tpu.memory_space<vmem>>
        %dma_start3A_402 = tpu.memref_squeeze %dma_start3A_401 : memref<1x2x80xi32, #tpu.memory_space<vmem>> -> memref<2x80xi32, #tpu.memory_space<vmem>>
        %dma_start3A_403 = arith.constant 0 : i32
        %dma_start3A_404 = arith.constant 0 : i32
        %dma_start3A_405 = tpu.memref_slice %arg3[%add3A_397, %dma_start3A_403, %dma_start3A_404] : memref<4000x2x80xi32, #tpu.memory_space<hbm>> -> memref<1x2x80xi32, #tpu.memory_space<hbm>>
        %dma_start3A_406 = tpu.memref_squeeze %dma_start3A_405 : memref<1x2x80xi32, #tpu.memory_space<hbm>> -> memref<2x80xi32, #tpu.memory_space<hbm>>
        %dma_start3A_407 = arith.constant 0 : i32
        %dma_start3A_408 = arith.constant 0 : i32
        %dma_start3A_409 = tpu.memref_slice %arg6[%dma_start3A_398, %dma_start3A_407, %dma_start3A_408] : memref<4x2x80xi32, #tpu.memory_space<vmem>> -> memref<1x2x80xi32, #tpu.memory_space<vmem>>
        %dma_start3A_410 = tpu.memref_squeeze %dma_start3A_409 : memref<1x2x80xi32, #tpu.memory_space<vmem>> -> memref<2x80xi32, #tpu.memory_space<vmem>>
        %dma_start3A_411 = arith.constant 0 : i32
        %dma_start3A_412 = arith.constant 0 : i32
        %dma_start3A_413 = tpu.memref_slice %arg3[%add3A_397, %dma_start3A_411, %dma_start3A_412] : memref<4000x2x80xi32, #tpu.memory_space<hbm>> -> memref<1x2x80xi32, #tpu.memory_space<hbm>>
        %dma_start3A_414 = tpu.memref_squeeze %dma_start3A_413 : memref<1x2x80xi32, #tpu.memory_space<hbm>> -> memref<2x80xi32, #tpu.memory_space<hbm>>
        tpu.enqueue_dma source(%dma_start3A_414 : memref<2x80xi32, #tpu.memory_space<hbm>>) target(%dma_start3A_410 : memref<2x80xi32, #tpu.memory_space<vmem>>) target_semaphore(%arg12 : memref<!tpu.dma_semaphore, #tpu.memory_space<semaphore_mem>>)
      } else {
      }
      %add3A_225 = arith.constant 4 : i32
      %add3A_226 = arith.addi %add3A_189, %add3A_225 : i32
      %sub3A_227 = arith.constant 2 : i32
      %sub3A_228 = arith.subi %add3A_226, %sub3A_227 : i32
      %lt3A_229 = arith.constant 125 : i32
      %lt3A_230 = arith.cmpi slt, %sub3A_228, %lt3A_229 : i32
      %convert_element_type3A_231 = arith.extui %lt3A_230 : i1 to i32
      %cond3A_232 = arith.constant 0 : i32
      %cond3A_233 = arith.cmpi ne, %convert_element_type3A_231, %cond3A_232 : i32
      scf.if %cond3A_233 {
        %add3A_393 = arith.constant 4 : i32
        %add3A_394 = arith.addi %add3A_189, %add3A_393 : i32
        %sub3A_395 = arith.constant 2 : i32
        %sub3A_396 = arith.subi %add3A_394, %sub3A_395 : i32
        %add3A_397 = arith.addi %mul3A_2, %sub3A_396 : i32
        %dma_wait3A_398 = arith.constant 2 : i32
        %dma_wait3A_399 = arith.constant 0 : i32
        %dma_wait3A_400 = arith.constant 0 : i32
        %dma_wait3A_401 = tpu.memref_slice %arg6[%dma_wait3A_398, %dma_wait3A_399, %dma_wait3A_400] : memref<4x2x80xi32, #tpu.memory_space<vmem>> -> memref<1x2x80xi32, #tpu.memory_space<vmem>>
        %dma_wait3A_402 = tpu.memref_squeeze %dma_wait3A_401 : memref<1x2x80xi32, #tpu.memory_space<vmem>> -> memref<2x80xi32, #tpu.memory_space<vmem>>
        %dma_wait3A_403 = arith.constant 0 : i32
        %dma_wait3A_404 = arith.constant 0 : i32
        %dma_wait3A_405 = tpu.memref_slice %arg3[%add3A_397, %dma_wait3A_403, %dma_wait3A_404] : memref<4000x2x80xi32, #tpu.memory_space<hbm>> -> memref<1x2x80xi32, #tpu.memory_space<hbm>>
        %dma_wait3A_406 = tpu.memref_squeeze %dma_wait3A_405 : memref<1x2x80xi32, #tpu.memory_space<hbm>> -> memref<2x80xi32, #tpu.memory_space<hbm>>
        %dma_wait3A_407 = arith.constant 0 : i32
        %dma_wait3A_408 = arith.constant 0 : i32
        %dma_wait3A_409 = tpu.memref_slice %arg6[%dma_wait3A_398, %dma_wait3A_407, %dma_wait3A_408] : memref<4x2x80xi32, #tpu.memory_space<vmem>> -> memref<1x2x80xi32, #tpu.memory_space<vmem>>
        %dma_wait3A_410 = tpu.memref_squeeze %dma_wait3A_409 : memref<1x2x80xi32, #tpu.memory_space<vmem>> -> memref<2x80xi32, #tpu.memory_space<vmem>>
        %dma_wait3A_411 = arith.constant 0 : i32
        %dma_wait3A_412 = arith.constant 0 : i32
        %dma_wait3A_413 = tpu.memref_slice %arg3[%add3A_397, %dma_wait3A_411, %dma_wait3A_412] : memref<4000x2x80xi32, #tpu.memory_space<hbm>> -> memref<1x2x80xi32, #tpu.memory_space<hbm>>
        %dma_wait3A_414 = tpu.memref_squeeze %dma_wait3A_413 : memref<1x2x80xi32, #tpu.memory_space<hbm>> -> memref<2x80xi32, #tpu.memory_space<hbm>>
        tpu.wait_dma2 semaphore(%arg11 : memref<!tpu.dma_semaphore, #tpu.memory_space<semaphore_mem>>) src(%dma_wait3A_414 : memref<2x80xi32, #tpu.memory_space<hbm>>) dst(%dma_wait3A_410 : memref<2x80xi32, #tpu.memory_space<vmem>>)
        %dma_start3A_415 = arith.constant 2 : i32
        %dma_start3A_416 = arith.constant 0 : i32
        %dma_start3A_417 = arith.constant 2 : i32
        %dma_start3A_418 = arith.constant 0 : i32
        %dma_start3A_419 = arith.constant 0 : i32
        %dma_start3A_420 = tpu.memref_slice %arg7[%dma_start3A_417, %dma_start3A_418, %dma_start3A_419] : memref<4x80x128xf32, #tpu.memory_space<vmem>> -> memref<1x80x128xf32, #tpu.memory_space<vmem>>
        %dma_start3A_421 = tpu.memref_squeeze %dma_start3A_420 : memref<1x80x128xf32, #tpu.memory_space<vmem>> -> memref<80x128xf32, #tpu.memory_space<vmem>>
        %dma_start3A_422 = arith.constant 0 : i32
        %dma_start3A_423 = tpu.memref_slice %arg6[%dma_start3A_415, %dma_start3A_416, %dma_start3A_422] : memref<4x2x80xi32, #tpu.memory_space<vmem>> -> memref<1x1x80xi32, #tpu.memory_space<vmem>>
        %dma_start3A_424 = tpu.memref_squeeze %dma_start3A_423 : memref<1x1x80xi32, #tpu.memory_space<vmem>> -> memref<80xi32, #tpu.memory_space<vmem>>
        %dma_start3A_425 = arith.constant 0 : i32
        %dma_start3A_426 = arith.constant 0 : i32
        %dma_start3A_427 = tpu.memref_slice %arg2[%dma_start3A_425, %dma_start3A_426] : memref<10240x128xf32, #tpu.memory_space<hbm>> -> memref<10240x128xf32, #tpu.memory_space<hbm>>
        tpu.enqueue_indirect_dma source(%dma_start3A_427 : memref<10240x128xf32, #tpu.memory_space<hbm>>) target(%dma_start3A_421 : memref<80x128xf32, #tpu.memory_space<vmem>>) offsets(%dma_start3A_424 : memref<80xi32, #tpu.memory_space<vmem>>) semaphore(%arg15 : memref<!tpu.dma_semaphore, #tpu.memory_space<semaphore_mem>>)
      } else {
      }
      %mul3A_234 = arith.constant 4 : i32
      %mul3A_235 = arith.muli %mul3A_234, %scan3A_185 : i32
      %add3A_236 = arith.constant 1 : i32
      %add3A_237 = arith.addi %mul3A_235, %add3A_236 : i32
      %dma_wait3A_238 = arith.constant 1 : i32
      %dma_wait3A_239 = arith.constant 0 : i32
      %dma_wait3A_240 = arith.constant 1 : i32
      %dma_wait3A_241 = arith.constant 0 : i32
      %dma_wait3A_242 = arith.constant 0 : i32
      %dma_wait3A_243 = tpu.memref_slice %arg7[%dma_wait3A_240, %dma_wait3A_241, %dma_wait3A_242] : memref<4x80x128xf32, #tpu.memory_space<vmem>> -> memref<1x80x128xf32, #tpu.memory_space<vmem>>
      %dma_wait3A_244 = tpu.memref_squeeze %dma_wait3A_243 : memref<1x80x128xf32, #tpu.memory_space<vmem>> -> memref<80x128xf32, #tpu.memory_space<vmem>>
      %dma_wait3A_245 = arith.constant 0 : i32
      %dma_wait3A_246 = tpu.memref_slice %arg6[%dma_wait3A_238, %dma_wait3A_239, %dma_wait3A_245] : memref<4x2x80xi32, #tpu.memory_space<vmem>> -> memref<1x1x80xi32, #tpu.memory_space<vmem>>
      %dma_wait3A_247 = tpu.memref_squeeze %dma_wait3A_246 : memref<1x1x80xi32, #tpu.memory_space<vmem>> -> memref<80xi32, #tpu.memory_space<vmem>>
      %dma_wait3A_248 = arith.constant 0 : i32
      %dma_wait3A_249 = arith.constant 0 : i32
      %dma_wait3A_250 = tpu.memref_slice %arg2[%dma_wait3A_248, %dma_wait3A_249] : memref<10240x128xf32, #tpu.memory_space<hbm>> -> memref<10240x128xf32, #tpu.memory_space<hbm>>
      tpu.wait_indirect_dma semaphore(%arg14 : memref<!tpu.dma_semaphore, #tpu.memory_space<semaphore_mem>>) src(%dma_wait3A_250 : memref<10240x128xf32, #tpu.memory_space<hbm>>) dst(%dma_wait3A_244 : memref<80x128xf32, #tpu.memory_space<vmem>>)
      %dma_start3A_251 = arith.constant 1 : i32
      %dma_start3A_252 = arith.constant 1 : i32
      %dma_start3A_253 = arith.constant 1 : i32
      %dma_start3A_254 = arith.constant 0 : i32
      %dma_start3A_255 = arith.constant 0 : i32
      %dma_start3A_256 = tpu.memref_slice %arg7[%dma_start3A_251, %dma_start3A_254, %dma_start3A_255] : memref<4x80x128xf32, #tpu.memory_space<vmem>> -> memref<1x80x128xf32, #tpu.memory_space<vmem>>
      %dma_start3A_257 = tpu.memref_squeeze %dma_start3A_256 : memref<1x80x128xf32, #tpu.memory_space<vmem>> -> memref<80x128xf32, #tpu.memory_space<vmem>>
      %dma_start3A_258 = arith.constant 0 : i32
      %dma_start3A_259 = tpu.memref_slice %arg6[%dma_start3A_252, %dma_start3A_253, %dma_start3A_258] : memref<4x2x80xi32, #tpu.memory_space<vmem>> -> memref<1x1x80xi32, #tpu.memory_space<vmem>>
      %dma_start3A_260 = tpu.memref_squeeze %dma_start3A_259 : memref<1x1x80xi32, #tpu.memory_space<vmem>> -> memref<80xi32, #tpu.memory_space<vmem>>
      %dma_start3A_261 = arith.constant 0 : i32
      %dma_start3A_262 = arith.constant 0 : i32
      %dma_start3A_263 = tpu.memref_slice %arg8[%dma_start3A_261, %dma_start3A_262] : memref<10240x128xf32, #tpu.memory_space<vmem_shared>> -> memref<10240x128xf32, #tpu.memory_space<vmem_shared>>
      tpu.enqueue_indirect_dma source(%dma_start3A_257 : memref<80x128xf32, #tpu.memory_space<vmem>>) target(%dma_start3A_263 : memref<10240x128xf32, #tpu.memory_space<vmem_shared>>) offsets(%dma_start3A_260 : memref<80xi32, #tpu.memory_space<vmem>>) semaphore(%arg18 : memref<!tpu.dma_semaphore, #tpu.memory_space<semaphore_mem>>) {add = true}
      %ge3A_264 = arith.constant 1 : i32
      %ge3A_265 = arith.cmpi sge, %add3A_237, %ge3A_264 : i32
      %convert_element_type3A_266 = arith.extui %ge3A_265 : i1 to i32
      %cond3A_267 = arith.constant 0 : i32
      %cond3A_268 = arith.cmpi ne, %convert_element_type3A_266, %cond3A_267 : i32
      scf.if %cond3A_268 {
        %dma_wait3A_393 = arith.constant 0 : i32
        %dma_wait3A_394 = arith.constant 0 : i32
        %dma_wait3A_395 = arith.constant 1 : i32
        %dma_wait3A_396 = arith.constant 0 : i32
        %dma_wait3A_397 = arith.constant 0 : i32
        %dma_wait3A_398 = tpu.memref_slice %arg7[%dma_wait3A_393, %dma_wait3A_396, %dma_wait3A_397] : memref<4x80x128xf32, #tpu.memory_space<vmem>> -> memref<1x80x128xf32, #tpu.memory_space<vmem>>
        %dma_wait3A_399 = tpu.memref_squeeze %dma_wait3A_398 : memref<1x80x128xf32, #tpu.memory_space<vmem>> -> memref<80x128xf32, #tpu.memory_space<vmem>>
        %dma_wait3A_400 = arith.constant 0 : i32
        %dma_wait3A_401 = tpu.memref_slice %arg6[%dma_wait3A_394, %dma_wait3A_395, %dma_wait3A_400] : memref<4x2x80xi32, #tpu.memory_space<vmem>> -> memref<1x1x80xi32, #tpu.memory_space<vmem>>
        %dma_wait3A_402 = tpu.memref_squeeze %dma_wait3A_401 : memref<1x1x80xi32, #tpu.memory_space<vmem>> -> memref<80xi32, #tpu.memory_space<vmem>>
        %dma_wait3A_403 = arith.constant 0 : i32
        %dma_wait3A_404 = arith.constant 0 : i32
        %dma_wait3A_405 = tpu.memref_slice %arg8[%dma_wait3A_403, %dma_wait3A_404] : memref<10240x128xf32, #tpu.memory_space<vmem_shared>> -> memref<10240x128xf32, #tpu.memory_space<vmem_shared>>
        tpu.wait_indirect_dma semaphore(%arg17 : memref<!tpu.dma_semaphore, #tpu.memory_space<semaphore_mem>>) src(%dma_wait3A_399 : memref<80x128xf32, #tpu.memory_space<vmem>>) dst(%dma_wait3A_405 : memref<10240x128xf32, #tpu.memory_space<vmem_shared>>)
      } else {
      }
      %add3A_269 = arith.constant 4 : i32
      %add3A_270 = arith.addi %add3A_237, %add3A_269 : i32
      %sub3A_271 = arith.constant 1 : i32
      %sub3A_272 = arith.subi %add3A_270, %sub3A_271 : i32
      %lt3A_273 = arith.constant 125 : i32
      %lt3A_274 = arith.cmpi slt, %sub3A_272, %lt3A_273 : i32
      %convert_element_type3A_275 = arith.extui %lt3A_274 : i1 to i32
      %cond3A_276 = arith.constant 0 : i32
      %cond3A_277 = arith.cmpi ne, %convert_element_type3A_275, %cond3A_276 : i32
      scf.if %cond3A_277 {
        %add3A_393 = arith.constant 4 : i32
        %add3A_394 = arith.addi %add3A_237, %add3A_393 : i32
        %sub3A_395 = arith.constant 1 : i32
        %sub3A_396 = arith.subi %add3A_394, %sub3A_395 : i32
        %add3A_397 = arith.addi %mul3A_2, %sub3A_396 : i32
        %dma_start3A_398 = arith.constant 0 : i32
        %dma_start3A_399 = arith.constant 0 : i32
        %dma_start3A_400 = arith.constant 0 : i32
        %dma_start3A_401 = tpu.memref_slice %arg6[%dma_start3A_398, %dma_start3A_399, %dma_start3A_400] : memref<4x2x80xi32, #tpu.memory_space<vmem>> -> memref<1x2x80xi32, #tpu.memory_space<vmem>>
        %dma_start3A_402 = tpu.memref_squeeze %dma_start3A_401 : memref<1x2x80xi32, #tpu.memory_space<vmem>> -> memref<2x80xi32, #tpu.memory_space<vmem>>
        %dma_start3A_403 = arith.constant 0 : i32
        %dma_start3A_404 = arith.constant 0 : i32
        %dma_start3A_405 = tpu.memref_slice %arg3[%add3A_397, %dma_start3A_403, %dma_start3A_404] : memref<4000x2x80xi32, #tpu.memory_space<hbm>> -> memref<1x2x80xi32, #tpu.memory_space<hbm>>
        %dma_start3A_406 = tpu.memref_squeeze %dma_start3A_405 : memref<1x2x80xi32, #tpu.memory_space<hbm>> -> memref<2x80xi32, #tpu.memory_space<hbm>>
        %dma_start3A_407 = arith.constant 0 : i32
        %dma_start3A_408 = arith.constant 0 : i32
        %dma_start3A_409 = tpu.memref_slice %arg6[%dma_start3A_398, %dma_start3A_407, %dma_start3A_408] : memref<4x2x80xi32, #tpu.memory_space<vmem>> -> memref<1x2x80xi32, #tpu.memory_space<vmem>>
        %dma_start3A_410 = tpu.memref_squeeze %dma_start3A_409 : memref<1x2x80xi32, #tpu.memory_space<vmem>> -> memref<2x80xi32, #tpu.memory_space<vmem>>
        %dma_start3A_411 = arith.constant 0 : i32
        %dma_start3A_412 = arith.constant 0 : i32
        %dma_start3A_413 = tpu.memref_slice %arg3[%add3A_397, %dma_start3A_411, %dma_start3A_412] : memref<4000x2x80xi32, #tpu.memory_space<hbm>> -> memref<1x2x80xi32, #tpu.memory_space<hbm>>
        %dma_start3A_414 = tpu.memref_squeeze %dma_start3A_413 : memref<1x2x80xi32, #tpu.memory_space<hbm>> -> memref<2x80xi32, #tpu.memory_space<hbm>>
        tpu.enqueue_dma source(%dma_start3A_414 : memref<2x80xi32, #tpu.memory_space<hbm>>) target(%dma_start3A_410 : memref<2x80xi32, #tpu.memory_space<vmem>>) target_semaphore(%arg9 : memref<!tpu.dma_semaphore, #tpu.memory_space<semaphore_mem>>)
      } else {
      }
      %add3A_278 = arith.constant 4 : i32
      %add3A_279 = arith.addi %add3A_237, %add3A_278 : i32
      %sub3A_280 = arith.constant 2 : i32
      %sub3A_281 = arith.subi %add3A_279, %sub3A_280 : i32
      %lt3A_282 = arith.constant 125 : i32
      %lt3A_283 = arith.cmpi slt, %sub3A_281, %lt3A_282 : i32
      %convert_element_type3A_284 = arith.extui %lt3A_283 : i1 to i32
      %cond3A_285 = arith.constant 0 : i32
      %cond3A_286 = arith.cmpi ne, %convert_element_type3A_284, %cond3A_285 : i32
      scf.if %cond3A_286 {
        %add3A_393 = arith.constant 4 : i32
        %add3A_394 = arith.addi %add3A_237, %add3A_393 : i32
        %sub3A_395 = arith.constant 2 : i32
        %sub3A_396 = arith.subi %add3A_394, %sub3A_395 : i32
        %add3A_397 = arith.addi %mul3A_2, %sub3A_396 : i32
        %dma_wait3A_398 = arith.constant 3 : i32
        %dma_wait3A_399 = arith.constant 0 : i32
        %dma_wait3A_400 = arith.constant 0 : i32
        %dma_wait3A_401 = tpu.memref_slice %arg6[%dma_wait3A_398, %dma_wait3A_399, %dma_wait3A_400] : memref<4x2x80xi32, #tpu.memory_space<vmem>> -> memref<1x2x80xi32, #tpu.memory_space<vmem>>
        %dma_wait3A_402 = tpu.memref_squeeze %dma_wait3A_401 : memref<1x2x80xi32, #tpu.memory_space<vmem>> -> memref<2x80xi32, #tpu.memory_space<vmem>>
        %dma_wait3A_403 = arith.constant 0 : i32
        %dma_wait3A_404 = arith.constant 0 : i32
        %dma_wait3A_405 = tpu.memref_slice %arg3[%add3A_397, %dma_wait3A_403, %dma_wait3A_404] : memref<4000x2x80xi32, #tpu.memory_space<hbm>> -> memref<1x2x80xi32, #tpu.memory_space<hbm>>
        %dma_wait3A_406 = tpu.memref_squeeze %dma_wait3A_405 : memref<1x2x80xi32, #tpu.memory_space<hbm>> -> memref<2x80xi32, #tpu.memory_space<hbm>>
        %dma_wait3A_407 = arith.constant 0 : i32
        %dma_wait3A_408 = arith.constant 0 : i32
        %dma_wait3A_409 = tpu.memref_slice %arg6[%dma_wait3A_398, %dma_wait3A_407, %dma_wait3A_408] : memref<4x2x80xi32, #tpu.memory_space<vmem>> -> memref<1x2x80xi32, #tpu.memory_space<vmem>>
        %dma_wait3A_410 = tpu.memref_squeeze %dma_wait3A_409 : memref<1x2x80xi32, #tpu.memory_space<vmem>> -> memref<2x80xi32, #tpu.memory_space<vmem>>
        %dma_wait3A_411 = arith.constant 0 : i32
        %dma_wait3A_412 = arith.constant 0 : i32
        %dma_wait3A_413 = tpu.memref_slice %arg3[%add3A_397, %dma_wait3A_411, %dma_wait3A_412] : memref<4000x2x80xi32, #tpu.memory_space<hbm>> -> memref<1x2x80xi32, #tpu.memory_space<hbm>>
        %dma_wait3A_414 = tpu.memref_squeeze %dma_wait3A_413 : memref<1x2x80xi32, #tpu.memory_space<hbm>> -> memref<2x80xi32, #tpu.memory_space<hbm>>
        tpu.wait_dma2 semaphore(%arg12 : memref<!tpu.dma_semaphore, #tpu.memory_space<semaphore_mem>>) src(%dma_wait3A_414 : memref<2x80xi32, #tpu.memory_space<hbm>>) dst(%dma_wait3A_410 : memref<2x80xi32, #tpu.memory_space<vmem>>)
        %dma_start3A_415 = arith.constant 3 : i32
        %dma_start3A_416 = arith.constant 0 : i32
        %dma_start3A_417 = arith.constant 3 : i32
        %dma_start3A_418 = arith.constant 0 : i32
        %dma_start3A_419 = arith.constant 0 : i32
        %dma_start3A_420 = tpu.memref_slice %arg7[%dma_start3A_417, %dma_start3A_418, %dma_start3A_419] : memref<4x80x128xf32, #tpu.memory_space<vmem>> -> memref<1x80x128xf32, #tpu.memory_space<vmem>>
        %dma_start3A_421 = tpu.memref_squeeze %dma_start3A_420 : memref<1x80x128xf32, #tpu.memory_space<vmem>> -> memref<80x128xf32, #tpu.memory_space<vmem>>
        %dma_start3A_422 = arith.constant 0 : i32
        %dma_start3A_423 = tpu.memref_slice %arg6[%dma_start3A_415, %dma_start3A_416, %dma_start3A_422] : memref<4x2x80xi32, #tpu.memory_space<vmem>> -> memref<1x1x80xi32, #tpu.memory_space<vmem>>
        %dma_start3A_424 = tpu.memref_squeeze %dma_start3A_423 : memref<1x1x80xi32, #tpu.memory_space<vmem>> -> memref<80xi32, #tpu.memory_space<vmem>>
        %dma_start3A_425 = arith.constant 0 : i32
        %dma_start3A_426 = arith.constant 0 : i32
        %dma_start3A_427 = tpu.memref_slice %arg2[%dma_start3A_425, %dma_start3A_426] : memref<10240x128xf32, #tpu.memory_space<hbm>> -> memref<10240x128xf32, #tpu.memory_space<hbm>>
        tpu.enqueue_indirect_dma source(%dma_start3A_427 : memref<10240x128xf32, #tpu.memory_space<hbm>>) target(%dma_start3A_421 : memref<80x128xf32, #tpu.memory_space<vmem>>) offsets(%dma_start3A_424 : memref<80xi32, #tpu.memory_space<vmem>>) semaphore(%arg16 : memref<!tpu.dma_semaphore, #tpu.memory_space<semaphore_mem>>)
      } else {
      }
      %mul3A_287 = arith.constant 4 : i32
      %mul3A_288 = arith.muli %mul3A_287, %scan3A_185 : i32
      %add3A_289 = arith.constant 2 : i32
      %add3A_290 = arith.addi %mul3A_288, %add3A_289 : i32
      %dma_wait3A_291 = arith.constant 2 : i32
      %dma_wait3A_292 = arith.constant 0 : i32
      %dma_wait3A_293 = arith.constant 2 : i32
      %dma_wait3A_294 = arith.constant 0 : i32
      %dma_wait3A_295 = arith.constant 0 : i32
      %dma_wait3A_296 = tpu.memref_slice %arg7[%dma_wait3A_293, %dma_wait3A_294, %dma_wait3A_295] : memref<4x80x128xf32, #tpu.memory_space<vmem>> -> memref<1x80x128xf32, #tpu.memory_space<vmem>>
      %dma_wait3A_297 = tpu.memref_squeeze %dma_wait3A_296 : memref<1x80x128xf32, #tpu.memory_space<vmem>> -> memref<80x128xf32, #tpu.memory_space<vmem>>
      %dma_wait3A_298 = arith.constant 0 : i32
      %dma_wait3A_299 = tpu.memref_slice %arg6[%dma_wait3A_291, %dma_wait3A_292, %dma_wait3A_298] : memref<4x2x80xi32, #tpu.memory_space<vmem>> -> memref<1x1x80xi32, #tpu.memory_space<vmem>>
      %dma_wait3A_300 = tpu.memref_squeeze %dma_wait3A_299 : memref<1x1x80xi32, #tpu.memory_space<vmem>> -> memref<80xi32, #tpu.memory_space<vmem>>
      %dma_wait3A_301 = arith.constant 0 : i32
      %dma_wait3A_302 = arith.constant 0 : i32
      %dma_wait3A_303 = tpu.memref_slice %arg2[%dma_wait3A_301, %dma_wait3A_302] : memref<10240x128xf32, #tpu.memory_space<hbm>> -> memref<10240x128xf32, #tpu.memory_space<hbm>>
      tpu.wait_indirect_dma semaphore(%arg15 : memref<!tpu.dma_semaphore, #tpu.memory_space<semaphore_mem>>) src(%dma_wait3A_303 : memref<10240x128xf32, #tpu.memory_space<hbm>>) dst(%dma_wait3A_297 : memref<80x128xf32, #tpu.memory_space<vmem>>)
      %dma_start3A_304 = arith.constant 2 : i32
      %dma_start3A_305 = arith.constant 2 : i32
      %dma_start3A_306 = arith.constant 1 : i32
      %dma_start3A_307 = arith.constant 0 : i32
      %dma_start3A_308 = arith.constant 0 : i32
      %dma_start3A_309 = tpu.memref_slice %arg7[%dma_start3A_304, %dma_start3A_307, %dma_start3A_308] : memref<4x80x128xf32, #tpu.memory_space<vmem>> -> memref<1x80x128xf32, #tpu.memory_space<vmem>>
      %dma_start3A_310 = tpu.memref_squeeze %dma_start3A_309 : memref<1x80x128xf32, #tpu.memory_space<vmem>> -> memref<80x128xf32, #tpu.memory_space<vmem>>
      %dma_start3A_311 = arith.constant 0 : i32
      %dma_start3A_312 = tpu.memref_slice %arg6[%dma_start3A_305, %dma_start3A_306, %dma_start3A_311] : memref<4x2x80xi32, #tpu.memory_space<vmem>> -> memref<1x1x80xi32, #tpu.memory_space<vmem>>
      %dma_start3A_313 = tpu.memref_squeeze %dma_start3A_312 : memref<1x1x80xi32, #tpu.memory_space<vmem>> -> memref<80xi32, #tpu.memory_space<vmem>>
      %dma_start3A_314 = arith.constant 0 : i32
      %dma_start3A_315 = arith.constant 0 : i32
      %dma_start3A_316 = tpu.memref_slice %arg8[%dma_start3A_314, %dma_start3A_315] : memref<10240x128xf32, #tpu.memory_space<vmem_shared>> -> memref<10240x128xf32, #tpu.memory_space<vmem_shared>>
      tpu.enqueue_indirect_dma source(%dma_start3A_310 : memref<80x128xf32, #tpu.memory_space<vmem>>) target(%dma_start3A_316 : memref<10240x128xf32, #tpu.memory_space<vmem_shared>>) offsets(%dma_start3A_313 : memref<80xi32, #tpu.memory_space<vmem>>) semaphore(%arg19 : memref<!tpu.dma_semaphore, #tpu.memory_space<semaphore_mem>>) {add = true}
      %ge3A_317 = arith.constant 1 : i32
      %ge3A_318 = arith.cmpi sge, %add3A_290, %ge3A_317 : i32
      %convert_element_type3A_319 = arith.extui %ge3A_318 : i1 to i32
      %cond3A_320 = arith.constant 0 : i32
      %cond3A_321 = arith.cmpi ne, %convert_element_type3A_319, %cond3A_320 : i32
      scf.if %cond3A_321 {
        %dma_wait3A_393 = arith.constant 1 : i32
        %dma_wait3A_394 = arith.constant 1 : i32
        %dma_wait3A_395 = arith.constant 1 : i32
        %dma_wait3A_396 = arith.constant 0 : i32
        %dma_wait3A_397 = arith.constant 0 : i32
        %dma_wait3A_398 = tpu.memref_slice %arg7[%dma_wait3A_393, %dma_wait3A_396, %dma_wait3A_397] : memref<4x80x128xf32, #tpu.memory_space<vmem>> -> memref<1x80x128xf32, #tpu.memory_space<vmem>>
        %dma_wait3A_399 = tpu.memref_squeeze %dma_wait3A_398 : memref<1x80x128xf32, #tpu.memory_space<vmem>> -> memref<80x128xf32, #tpu.memory_space<vmem>>
        %dma_wait3A_400 = arith.constant 0 : i32
        %dma_wait3A_401 = tpu.memref_slice %arg6[%dma_wait3A_394, %dma_wait3A_395, %dma_wait3A_400] : memref<4x2x80xi32, #tpu.memory_space<vmem>> -> memref<1x1x80xi32, #tpu.memory_space<vmem>>
        %dma_wait3A_402 = tpu.memref_squeeze %dma_wait3A_401 : memref<1x1x80xi32, #tpu.memory_space<vmem>> -> memref<80xi32, #tpu.memory_space<vmem>>
        %dma_wait3A_403 = arith.constant 0 : i32
        %dma_wait3A_404 = arith.constant 0 : i32
        %dma_wait3A_405 = tpu.memref_slice %arg8[%dma_wait3A_403, %dma_wait3A_404] : memref<10240x128xf32, #tpu.memory_space<vmem_shared>> -> memref<10240x128xf32, #tpu.memory_space<vmem_shared>>
        tpu.wait_indirect_dma semaphore(%arg18 : memref<!tpu.dma_semaphore, #tpu.memory_space<semaphore_mem>>) src(%dma_wait3A_399 : memref<80x128xf32, #tpu.memory_space<vmem>>) dst(%dma_wait3A_405 : memref<10240x128xf32, #tpu.memory_space<vmem_shared>>)
      } else {
      }
      %add3A_322 = arith.constant 4 : i32
      %add3A_323 = arith.addi %add3A_290, %add3A_322 : i32
      %sub3A_324 = arith.constant 1 : i32
      %sub3A_325 = arith.subi %add3A_323, %sub3A_324 : i32
      %lt3A_326 = arith.constant 125 : i32
      %lt3A_327 = arith.cmpi slt, %sub3A_325, %lt3A_326 : i32
      %convert_element_type3A_328 = arith.extui %lt3A_327 : i1 to i32
      %cond3A_329 = arith.constant 0 : i32
      %cond3A_330 = arith.cmpi ne, %convert_element_type3A_328, %cond3A_329 : i32
      scf.if %cond3A_330 {
        %add3A_393 = arith.constant 4 : i32
        %add3A_394 = arith.addi %add3A_290, %add3A_393 : i32
        %sub3A_395 = arith.constant 1 : i32
        %sub3A_396 = arith.subi %add3A_394, %sub3A_395 : i32
        %add3A_397 = arith.addi %mul3A_2, %sub3A_396 : i32
        %dma_start3A_398 = arith.constant 1 : i32
        %dma_start3A_399 = arith.constant 0 : i32
        %dma_start3A_400 = arith.constant 0 : i32
        %dma_start3A_401 = tpu.memref_slice %arg6[%dma_start3A_398, %dma_start3A_399, %dma_start3A_400] : memref<4x2x80xi32, #tpu.memory_space<vmem>> -> memref<1x2x80xi32, #tpu.memory_space<vmem>>
        %dma_start3A_402 = tpu.memref_squeeze %dma_start3A_401 : memref<1x2x80xi32, #tpu.memory_space<vmem>> -> memref<2x80xi32, #tpu.memory_space<vmem>>
        %dma_start3A_403 = arith.constant 0 : i32
        %dma_start3A_404 = arith.constant 0 : i32
        %dma_start3A_405 = tpu.memref_slice %arg3[%add3A_397, %dma_start3A_403, %dma_start3A_404] : memref<4000x2x80xi32, #tpu.memory_space<hbm>> -> memref<1x2x80xi32, #tpu.memory_space<hbm>>
        %dma_start3A_406 = tpu.memref_squeeze %dma_start3A_405 : memref<1x2x80xi32, #tpu.memory_space<hbm>> -> memref<2x80xi32, #tpu.memory_space<hbm>>
        %dma_start3A_407 = arith.constant 0 : i32
        %dma_start3A_408 = arith.constant 0 : i32
        %dma_start3A_409 = tpu.memref_slice %arg6[%dma_start3A_398, %dma_start3A_407, %dma_start3A_408] : memref<4x2x80xi32, #tpu.memory_space<vmem>> -> memref<1x2x80xi32, #tpu.memory_space<vmem>>
        %dma_start3A_410 = tpu.memref_squeeze %dma_start3A_409 : memref<1x2x80xi32, #tpu.memory_space<vmem>> -> memref<2x80xi32, #tpu.memory_space<vmem>>
        %dma_start3A_411 = arith.constant 0 : i32
        %dma_start3A_412 = arith.constant 0 : i32
        %dma_start3A_413 = tpu.memref_slice %arg3[%add3A_397, %dma_start3A_411, %dma_start3A_412] : memref<4000x2x80xi32, #tpu.memory_space<hbm>> -> memref<1x2x80xi32, #tpu.memory_space<hbm>>
        %dma_start3A_414 = tpu.memref_squeeze %dma_start3A_413 : memref<1x2x80xi32, #tpu.memory_space<hbm>> -> memref<2x80xi32, #tpu.memory_space<hbm>>
        tpu.enqueue_dma source(%dma_start3A_414 : memref<2x80xi32, #tpu.memory_space<hbm>>) target(%dma_start3A_410 : memref<2x80xi32, #tpu.memory_space<vmem>>) target_semaphore(%arg10 : memref<!tpu.dma_semaphore, #tpu.memory_space<semaphore_mem>>)
      } else {
      }
      %add3A_331 = arith.constant 4 : i32
      %add3A_332 = arith.addi %add3A_290, %add3A_331 : i32
      %sub3A_333 = arith.constant 2 : i32
      %sub3A_334 = arith.subi %add3A_332, %sub3A_333 : i32
      %lt3A_335 = arith.constant 125 : i32
      %lt3A_336 = arith.cmpi slt, %sub3A_334, %lt3A_335 : i32
      %convert_element_type3A_337 = arith.extui %lt3A_336 : i1 to i32
      %cond3A_338 = arith.constant 0 : i32
      %cond3A_339 = arith.cmpi ne, %convert_element_type3A_337, %cond3A_338 : i32
      scf.if %cond3A_339 {
        %add3A_393 = arith.constant 4 : i32
        %add3A_394 = arith.addi %add3A_290, %add3A_393 : i32
        %sub3A_395 = arith.constant 2 : i32
        %sub3A_396 = arith.subi %add3A_394, %sub3A_395 : i32
        %add3A_397 = arith.addi %mul3A_2, %sub3A_396 : i32
        %dma_wait3A_398 = arith.constant 0 : i32
        %dma_wait3A_399 = arith.constant 0 : i32
        %dma_wait3A_400 = arith.constant 0 : i32
        %dma_wait3A_401 = tpu.memref_slice %arg6[%dma_wait3A_398, %dma_wait3A_399, %dma_wait3A_400] : memref<4x2x80xi32, #tpu.memory_space<vmem>> -> memref<1x2x80xi32, #tpu.memory_space<vmem>>
        %dma_wait3A_402 = tpu.memref_squeeze %dma_wait3A_401 : memref<1x2x80xi32, #tpu.memory_space<vmem>> -> memref<2x80xi32, #tpu.memory_space<vmem>>
        %dma_wait3A_403 = arith.constant 0 : i32
        %dma_wait3A_404 = arith.constant 0 : i32
        %dma_wait3A_405 = tpu.memref_slice %arg3[%add3A_397, %dma_wait3A_403, %dma_wait3A_404] : memref<4000x2x80xi32, #tpu.memory_space<hbm>> -> memref<1x2x80xi32, #tpu.memory_space<hbm>>
        %dma_wait3A_406 = tpu.memref_squeeze %dma_wait3A_405 : memref<1x2x80xi32, #tpu.memory_space<hbm>> -> memref<2x80xi32, #tpu.memory_space<hbm>>
        %dma_wait3A_407 = arith.constant 0 : i32
        %dma_wait3A_408 = arith.constant 0 : i32
        %dma_wait3A_409 = tpu.memref_slice %arg6[%dma_wait3A_398, %dma_wait3A_407, %dma_wait3A_408] : memref<4x2x80xi32, #tpu.memory_space<vmem>> -> memref<1x2x80xi32, #tpu.memory_space<vmem>>
        %dma_wait3A_410 = tpu.memref_squeeze %dma_wait3A_409 : memref<1x2x80xi32, #tpu.memory_space<vmem>> -> memref<2x80xi32, #tpu.memory_space<vmem>>
        %dma_wait3A_411 = arith.constant 0 : i32
        %dma_wait3A_412 = arith.constant 0 : i32
        %dma_wait3A_413 = tpu.memref_slice %arg3[%add3A_397, %dma_wait3A_411, %dma_wait3A_412] : memref<4000x2x80xi32, #tpu.memory_space<hbm>> -> memref<1x2x80xi32, #tpu.memory_space<hbm>>
        %dma_wait3A_414 = tpu.memref_squeeze %dma_wait3A_413 : memref<1x2x80xi32, #tpu.memory_space<hbm>> -> memref<2x80xi32, #tpu.memory_space<hbm>>
        tpu.wait_dma2 semaphore(%arg9 : memref<!tpu.dma_semaphore, #tpu.memory_space<semaphore_mem>>) src(%dma_wait3A_414 : memref<2x80xi32, #tpu.memory_space<hbm>>) dst(%dma_wait3A_410 : memref<2x80xi32, #tpu.memory_space<vmem>>)
        %dma_start3A_415 = arith.constant 0 : i32
        %dma_start3A_416 = arith.constant 0 : i32
        %dma_start3A_417 = arith.constant 0 : i32
        %dma_start3A_418 = arith.constant 0 : i32
        %dma_start3A_419 = arith.constant 0 : i32
        %dma_start3A_420 = tpu.memref_slice %arg7[%dma_start3A_417, %dma_start3A_418, %dma_start3A_419] : memref<4x80x128xf32, #tpu.memory_space<vmem>> -> memref<1x80x128xf32, #tpu.memory_space<vmem>>
        %dma_start3A_421 = tpu.memref_squeeze %dma_start3A_420 : memref<1x80x128xf32, #tpu.memory_space<vmem>> -> memref<80x128xf32, #tpu.memory_space<vmem>>
        %dma_start3A_422 = arith.constant 0 : i32
        %dma_start3A_423 = tpu.memref_slice %arg6[%dma_start3A_415, %dma_start3A_416, %dma_start3A_422] : memref<4x2x80xi32, #tpu.memory_space<vmem>> -> memref<1x1x80xi32, #tpu.memory_space<vmem>>
        %dma_start3A_424 = tpu.memref_squeeze %dma_start3A_423 : memref<1x1x80xi32, #tpu.memory_space<vmem>> -> memref<80xi32, #tpu.memory_space<vmem>>
        %dma_start3A_425 = arith.constant 0 : i32
        %dma_start3A_426 = arith.constant 0 : i32
        %dma_start3A_427 = tpu.memref_slice %arg2[%dma_start3A_425, %dma_start3A_426] : memref<10240x128xf32, #tpu.memory_space<hbm>> -> memref<10240x128xf32, #tpu.memory_space<hbm>>
        tpu.enqueue_indirect_dma source(%dma_start3A_427 : memref<10240x128xf32, #tpu.memory_space<hbm>>) target(%dma_start3A_421 : memref<80x128xf32, #tpu.memory_space<vmem>>) offsets(%dma_start3A_424 : memref<80xi32, #tpu.memory_space<vmem>>) semaphore(%arg13 : memref<!tpu.dma_semaphore, #tpu.memory_space<semaphore_mem>>)
      } else {
      }
      %mul3A_340 = arith.constant 4 : i32
      %mul3A_341 = arith.muli %mul3A_340, %scan3A_185 : i32
      %add3A_342 = arith.constant 3 : i32
      %add3A_343 = arith.addi %mul3A_341, %add3A_342 : i32
      %dma_wait3A_344 = arith.constant 3 : i32
      %dma_wait3A_345 = arith.constant 0 : i32
      %dma_wait3A_346 = arith.constant 3 : i32
      %dma_wait3A_347 = arith.constant 0 : i32
      %dma_wait3A_348 = arith.constant 0 : i32
      %dma_wait3A_349 = tpu.memref_slice %arg7[%dma_wait3A_346, %dma_wait3A_347, %dma_wait3A_348] : memref<4x80x128xf32, #tpu.memory_space<vmem>> -> memref<1x80x128xf32, #tpu.memory_space<vmem>>
      %dma_wait3A_350 = tpu.memref_squeeze %dma_wait3A_349 : memref<1x80x128xf32, #tpu.memory_space<vmem>> -> memref<80x128xf32, #tpu.memory_space<vmem>>
      %dma_wait3A_351 = arith.constant 0 : i32
      %dma_wait3A_352 = tpu.memref_slice %arg6[%dma_wait3A_344, %dma_wait3A_345, %dma_wait3A_351] : memref<4x2x80xi32, #tpu.memory_space<vmem>> -> memref<1x1x80xi32, #tpu.memory_space<vmem>>
      %dma_wait3A_353 = tpu.memref_squeeze %dma_wait3A_352 : memref<1x1x80xi32, #tpu.memory_space<vmem>> -> memref<80xi32, #tpu.memory_space<vmem>>
      %dma_wait3A_354 = arith.constant 0 : i32
      %dma_wait3A_355 = arith.constant 0 : i32
      %dma_wait3A_356 = tpu.memref_slice %arg2[%dma_wait3A_354, %dma_wait3A_355] : memref<10240x128xf32, #tpu.memory_space<hbm>> -> memref<10240x128xf32, #tpu.memory_space<hbm>>
      tpu.wait_indirect_dma semaphore(%arg16 : memref<!tpu.dma_semaphore, #tpu.memory_space<semaphore_mem>>) src(%dma_wait3A_356 : memref<10240x128xf32, #tpu.memory_space<hbm>>) dst(%dma_wait3A_350 : memref<80x128xf32, #tpu.memory_space<vmem>>)
      %dma_start3A_357 = arith.constant 3 : i32
      %dma_start3A_358 = arith.constant 3 : i32
      %dma_start3A_359 = arith.constant 1 : i32
      %dma_start3A_360 = arith.constant 0 : i32
      %dma_start3A_361 = arith.constant 0 : i32
      %dma_start3A_362 = tpu.memref_slice %arg7[%dma_start3A_357, %dma_start3A_360, %dma_start3A_361] : memref<4x80x128xf32, #tpu.memory_space<vmem>> -> memref<1x80x128xf32, #tpu.memory_space<vmem>>
      %dma_start3A_363 = tpu.memref_squeeze %dma_start3A_362 : memref<1x80x128xf32, #tpu.memory_space<vmem>> -> memref<80x128xf32, #tpu.memory_space<vmem>>
      %dma_start3A_364 = arith.constant 0 : i32
      %dma_start3A_365 = tpu.memref_slice %arg6[%dma_start3A_358, %dma_start3A_359, %dma_start3A_364] : memref<4x2x80xi32, #tpu.memory_space<vmem>> -> memref<1x1x80xi32, #tpu.memory_space<vmem>>
      %dma_start3A_366 = tpu.memref_squeeze %dma_start3A_365 : memref<1x1x80xi32, #tpu.memory_space<vmem>> -> memref<80xi32, #tpu.memory_space<vmem>>
      %dma_start3A_367 = arith.constant 0 : i32
      %dma_start3A_368 = arith.constant 0 : i32
      %dma_start3A_369 = tpu.memref_slice %arg8[%dma_start3A_367, %dma_start3A_368] : memref<10240x128xf32, #tpu.memory_space<vmem_shared>> -> memref<10240x128xf32, #tpu.memory_space<vmem_shared>>
      tpu.enqueue_indirect_dma source(%dma_start3A_363 : memref<80x128xf32, #tpu.memory_space<vmem>>) target(%dma_start3A_369 : memref<10240x128xf32, #tpu.memory_space<vmem_shared>>) offsets(%dma_start3A_366 : memref<80xi32, #tpu.memory_space<vmem>>) semaphore(%arg20 : memref<!tpu.dma_semaphore, #tpu.memory_space<semaphore_mem>>) {add = true}
      %ge3A_370 = arith.constant 1 : i32
      %ge3A_371 = arith.cmpi sge, %add3A_343, %ge3A_370 : i32
      %convert_element_type3A_372 = arith.extui %ge3A_371 : i1 to i32
      %cond3A_373 = arith.constant 0 : i32
      %cond3A_374 = arith.cmpi ne, %convert_element_type3A_372, %cond3A_373 : i32
      scf.if %cond3A_374 {
        %dma_wait3A_393 = arith.constant 2 : i32
        %dma_wait3A_394 = arith.constant 2 : i32
        %dma_wait3A_395 = arith.constant 1 : i32
        %dma_wait3A_396 = arith.constant 0 : i32
        %dma_wait3A_397 = arith.constant 0 : i32
        %dma_wait3A_398 = tpu.memref_slice %arg7[%dma_wait3A_393, %dma_wait3A_396, %dma_wait3A_397] : memref<4x80x128xf32, #tpu.memory_space<vmem>> -> memref<1x80x128xf32, #tpu.memory_space<vmem>>
        %dma_wait3A_399 = tpu.memref_squeeze %dma_wait3A_398 : memref<1x80x128xf32, #tpu.memory_space<vmem>> -> memref<80x128xf32, #tpu.memory_space<vmem>>
        %dma_wait3A_400 = arith.constant 0 : i32
        %dma_wait3A_401 = tpu.memref_slice %arg6[%dma_wait3A_394, %dma_wait3A_395, %dma_wait3A_400] : memref<4x2x80xi32, #tpu.memory_space<vmem>> -> memref<1x1x80xi32, #tpu.memory_space<vmem>>
        %dma_wait3A_402 = tpu.memref_squeeze %dma_wait3A_401 : memref<1x1x80xi32, #tpu.memory_space<vmem>> -> memref<80xi32, #tpu.memory_space<vmem>>
        %dma_wait3A_403 = arith.constant 0 : i32
        %dma_wait3A_404 = arith.constant 0 : i32
        %dma_wait3A_405 = tpu.memref_slice %arg8[%dma_wait3A_403, %dma_wait3A_404] : memref<10240x128xf32, #tpu.memory_space<vmem_shared>> -> memref<10240x128xf32, #tpu.memory_space<vmem_shared>>
        tpu.wait_indirect_dma semaphore(%arg19 : memref<!tpu.dma_semaphore, #tpu.memory_space<semaphore_mem>>) src(%dma_wait3A_399 : memref<80x128xf32, #tpu.memory_space<vmem>>) dst(%dma_wait3A_405 : memref<10240x128xf32, #tpu.memory_space<vmem_shared>>)
      } else {
      }
      %add3A_375 = arith.constant 4 : i32
      %add3A_376 = arith.addi %add3A_343, %add3A_375 : i32
      %sub3A_377 = arith.constant 1 : i32
      %sub3A_378 = arith.subi %add3A_376, %sub3A_377 : i32
      %lt3A_379 = arith.constant 125 : i32
      %lt3A_380 = arith.cmpi slt, %sub3A_378, %lt3A_379 : i32
      %convert_element_type3A_381 = arith.extui %lt3A_380 : i1 to i32
      %cond3A_382 = arith.constant 0 : i32
      %cond3A_383 = arith.cmpi ne, %convert_element_type3A_381, %cond3A_382 : i32
      scf.if %cond3A_383 {
        %add3A_393 = arith.constant 4 : i32
        %add3A_394 = arith.addi %add3A_343, %add3A_393 : i32
        %sub3A_395 = arith.constant 1 : i32
        %sub3A_396 = arith.subi %add3A_394, %sub3A_395 : i32
        %add3A_397 = arith.addi %mul3A_2, %sub3A_396 : i32
        %dma_start3A_398 = arith.constant 2 : i32
        %dma_start3A_399 = arith.constant 0 : i32
        %dma_start3A_400 = arith.constant 0 : i32
        %dma_start3A_401 = tpu.memref_slice %arg6[%dma_start3A_398, %dma_start3A_399, %dma_start3A_400] : memref<4x2x80xi32, #tpu.memory_space<vmem>> -> memref<1x2x80xi32, #tpu.memory_space<vmem>>
        %dma_start3A_402 = tpu.memref_squeeze %dma_start3A_401 : memref<1x2x80xi32, #tpu.memory_space<vmem>> -> memref<2x80xi32, #tpu.memory_space<vmem>>
        %dma_start3A_403 = arith.constant 0 : i32
        %dma_start3A_404 = arith.constant 0 : i32
        %dma_start3A_405 = tpu.memref_slice %arg3[%add3A_397, %dma_start3A_403, %dma_start3A_404] : memref<4000x2x80xi32, #tpu.memory_space<hbm>> -> memref<1x2x80xi32, #tpu.memory_space<hbm>>
        %dma_start3A_406 = tpu.memref_squeeze %dma_start3A_405 : memref<1x2x80xi32, #tpu.memory_space<hbm>> -> memref<2x80xi32, #tpu.memory_space<hbm>>
        %dma_start3A_407 = arith.constant 0 : i32
        %dma_start3A_408 = arith.constant 0 : i32
        %dma_start3A_409 = tpu.memref_slice %arg6[%dma_start3A_398, %dma_start3A_407, %dma_start3A_408] : memref<4x2x80xi32, #tpu.memory_space<vmem>> -> memref<1x2x80xi32, #tpu.memory_space<vmem>>
        %dma_start3A_410 = tpu.memref_squeeze %dma_start3A_409 : memref<1x2x80xi32, #tpu.memory_space<vmem>> -> memref<2x80xi32, #tpu.memory_space<vmem>>
        %dma_start3A_411 = arith.constant 0 : i32
        %dma_start3A_412 = arith.constant 0 : i32
        %dma_start3A_413 = tpu.memref_slice %arg3[%add3A_397, %dma_start3A_411, %dma_start3A_412] : memref<4000x2x80xi32, #tpu.memory_space<hbm>> -> memref<1x2x80xi32, #tpu.memory_space<hbm>>
        %dma_start3A_414 = tpu.memref_squeeze %dma_start3A_413 : memref<1x2x80xi32, #tpu.memory_space<hbm>> -> memref<2x80xi32, #tpu.memory_space<hbm>>
        tpu.enqueue_dma source(%dma_start3A_414 : memref<2x80xi32, #tpu.memory_space<hbm>>) target(%dma_start3A_410 : memref<2x80xi32, #tpu.memory_space<vmem>>) target_semaphore(%arg11 : memref<!tpu.dma_semaphore, #tpu.memory_space<semaphore_mem>>)
      } else {
      }
      %add3A_384 = arith.constant 4 : i32
      %add3A_385 = arith.addi %add3A_343, %add3A_384 : i32
      %sub3A_386 = arith.constant 2 : i32
      %sub3A_387 = arith.subi %add3A_385, %sub3A_386 : i32
      %lt3A_388 = arith.constant 125 : i32
      %lt3A_389 = arith.cmpi slt, %sub3A_387, %lt3A_388 : i32
      %convert_element_type3A_390 = arith.extui %lt3A_389 : i1 to i32
      %cond3A_391 = arith.constant 0 : i32
      %cond3A_392 = arith.cmpi ne, %convert_element_type3A_390, %cond3A_391 : i32
      scf.if %cond3A_392 {
        %add3A_393 = arith.constant 4 : i32
        %add3A_394 = arith.addi %add3A_343, %add3A_393 : i32
        %sub3A_395 = arith.constant 2 : i32
        %sub3A_396 = arith.subi %add3A_394, %sub3A_395 : i32
        %add3A_397 = arith.addi %mul3A_2, %sub3A_396 : i32
        %dma_wait3A_398 = arith.constant 1 : i32
        %dma_wait3A_399 = arith.constant 0 : i32
        %dma_wait3A_400 = arith.constant 0 : i32
        %dma_wait3A_401 = tpu.memref_slice %arg6[%dma_wait3A_398, %dma_wait3A_399, %dma_wait3A_400] : memref<4x2x80xi32, #tpu.memory_space<vmem>> -> memref<1x2x80xi32, #tpu.memory_space<vmem>>
        %dma_wait3A_402 = tpu.memref_squeeze %dma_wait3A_401 : memref<1x2x80xi32, #tpu.memory_space<vmem>> -> memref<2x80xi32, #tpu.memory_space<vmem>>
        %dma_wait3A_403 = arith.constant 0 : i32
        %dma_wait3A_404 = arith.constant 0 : i32
        %dma_wait3A_405 = tpu.memref_slice %arg3[%add3A_397, %dma_wait3A_403, %dma_wait3A_404] : memref<4000x2x80xi32, #tpu.memory_space<hbm>> -> memref<1x2x80xi32, #tpu.memory_space<hbm>>
        %dma_wait3A_406 = tpu.memref_squeeze %dma_wait3A_405 : memref<1x2x80xi32, #tpu.memory_space<hbm>> -> memref<2x80xi32, #tpu.memory_space<hbm>>
        %dma_wait3A_407 = arith.constant 0 : i32
        %dma_wait3A_408 = arith.constant 0 : i32
        %dma_wait3A_409 = tpu.memref_slice %arg6[%dma_wait3A_398, %dma_wait3A_407, %dma_wait3A_408] : memref<4x2x80xi32, #tpu.memory_space<vmem>> -> memref<1x2x80xi32, #tpu.memory_space<vmem>>
        %dma_wait3A_410 = tpu.memref_squeeze %dma_wait3A_409 : memref<1x2x80xi32, #tpu.memory_space<vmem>> -> memref<2x80xi32, #tpu.memory_space<vmem>>
        %dma_wait3A_411 = arith.constant 0 : i32
        %dma_wait3A_412 = arith.constant 0 : i32
        %dma_wait3A_413 = tpu.memref_slice %arg3[%add3A_397, %dma_wait3A_411, %dma_wait3A_412] : memref<4000x2x80xi32, #tpu.memory_space<hbm>> -> memref<1x2x80xi32, #tpu.memory_space<hbm>>
        %dma_wait3A_414 = tpu.memref_squeeze %dma_wait3A_413 : memref<1x2x80xi32, #tpu.memory_space<hbm>> -> memref<2x80xi32, #tpu.memory_space<hbm>>
        tpu.wait_dma2 semaphore(%arg10 : memref<!tpu.dma_semaphore, #tpu.memory_space<semaphore_mem>>) src(%dma_wait3A_414 : memref<2x80xi32, #tpu.memory_space<hbm>>) dst(%dma_wait3A_410 : memref<2x80xi32, #tpu.memory_space<vmem>>)
        %dma_start3A_415 = arith.constant 1 : i32
        %dma_start3A_416 = arith.constant 0 : i32
        %dma_start3A_417 = arith.constant 1 : i32
        %dma_start3A_418 = arith.constant 0 : i32
        %dma_start3A_419 = arith.constant 0 : i32
        %dma_start3A_420 = tpu.memref_slice %arg7[%dma_start3A_417, %dma_start3A_418, %dma_start3A_419] : memref<4x80x128xf32, #tpu.memory_space<vmem>> -> memref<1x80x128xf32, #tpu.memory_space<vmem>>
        %dma_start3A_421 = tpu.memref_squeeze %dma_start3A_420 : memref<1x80x128xf32, #tpu.memory_space<vmem>> -> memref<80x128xf32, #tpu.memory_space<vmem>>
        %dma_start3A_422 = arith.constant 0 : i32
        %dma_start3A_423 = tpu.memref_slice %arg6[%dma_start3A_415, %dma_start3A_416, %dma_start3A_422] : memref<4x2x80xi32, #tpu.memory_space<vmem>> -> memref<1x1x80xi32, #tpu.memory_space<vmem>>
        %dma_start3A_424 = tpu.memref_squeeze %dma_start3A_423 : memref<1x1x80xi32, #tpu.memory_space<vmem>> -> memref<80xi32, #tpu.memory_space<vmem>>
        %dma_start3A_425 = arith.constant 0 : i32
        %dma_start3A_426 = arith.constant 0 : i32
        %dma_start3A_427 = tpu.memref_slice %arg2[%dma_start3A_425, %dma_start3A_426] : memref<10240x128xf32, #tpu.memory_space<hbm>> -> memref<10240x128xf32, #tpu.memory_space<hbm>>
        tpu.enqueue_indirect_dma source(%dma_start3A_427 : memref<10240x128xf32, #tpu.memory_space<hbm>>) target(%dma_start3A_421 : memref<80x128xf32, #tpu.memory_space<vmem>>) offsets(%dma_start3A_424 : memref<80xi32, #tpu.memory_space<vmem>>) semaphore(%arg14 : memref<!tpu.dma_semaphore, #tpu.memory_space<semaphore_mem>>)
      } else {
      }
    }
    %scan3A_127 = arith.constant 31 : i32
    %dma_wait3A_128 = arith.constant 0 : i32
    %dma_wait3A_129 = arith.constant 0 : i32
    %dma_wait3A_130 = arith.constant 0 : i32
    %dma_wait3A_131 = arith.constant 0 : i32
    %dma_wait3A_132 = arith.constant 0 : i32
    %dma_wait3A_133 = tpu.memref_slice %arg7[%dma_wait3A_130, %dma_wait3A_131, %dma_wait3A_132] : memref<4x80x128xf32, #tpu.memory_space<vmem>> -> memref<1x80x128xf32, #tpu.memory_space<vmem>>
    %dma_wait3A_134 = tpu.memref_squeeze %dma_wait3A_133 : memref<1x80x128xf32, #tpu.memory_space<vmem>> -> memref<80x128xf32, #tpu.memory_space<vmem>>
    %dma_wait3A_135 = arith.constant 0 : i32
    %dma_wait3A_136 = tpu.memref_slice %arg6[%dma_wait3A_128, %dma_wait3A_129, %dma_wait3A_135] : memref<4x2x80xi32, #tpu.memory_space<vmem>> -> memref<1x1x80xi32, #tpu.memory_space<vmem>>
    %dma_wait3A_137 = tpu.memref_squeeze %dma_wait3A_136 : memref<1x1x80xi32, #tpu.memory_space<vmem>> -> memref<80xi32, #tpu.memory_space<vmem>>
    %dma_wait3A_138 = arith.constant 0 : i32
    %dma_wait3A_139 = arith.constant 0 : i32
    %dma_wait3A_140 = tpu.memref_slice %arg2[%dma_wait3A_138, %dma_wait3A_139] : memref<10240x128xf32, #tpu.memory_space<hbm>> -> memref<10240x128xf32, #tpu.memory_space<hbm>>
    tpu.wait_indirect_dma semaphore(%arg13 : memref<!tpu.dma_semaphore, #tpu.memory_space<semaphore_mem>>) src(%dma_wait3A_140 : memref<10240x128xf32, #tpu.memory_space<hbm>>) dst(%dma_wait3A_134 : memref<80x128xf32, #tpu.memory_space<vmem>>)
    %dma_start3A_141 = arith.constant 0 : i32
    %dma_start3A_142 = arith.constant 0 : i32
    %dma_start3A_143 = arith.constant 1 : i32
    %dma_start3A_144 = arith.constant 0 : i32
    %dma_start3A_145 = arith.constant 0 : i32
    %dma_start3A_146 = tpu.memref_slice %arg7[%dma_start3A_141, %dma_start3A_144, %dma_start3A_145] : memref<4x80x128xf32, #tpu.memory_space<vmem>> -> memref<1x80x128xf32, #tpu.memory_space<vmem>>
    %dma_start3A_147 = tpu.memref_squeeze %dma_start3A_146 : memref<1x80x128xf32, #tpu.memory_space<vmem>> -> memref<80x128xf32, #tpu.memory_space<vmem>>
    %dma_start3A_148 = arith.constant 0 : i32
    %dma_start3A_149 = tpu.memref_slice %arg6[%dma_start3A_142, %dma_start3A_143, %dma_start3A_148] : memref<4x2x80xi32, #tpu.memory_space<vmem>> -> memref<1x1x80xi32, #tpu.memory_space<vmem>>
    %dma_start3A_150 = tpu.memref_squeeze %dma_start3A_149 : memref<1x1x80xi32, #tpu.memory_space<vmem>> -> memref<80xi32, #tpu.memory_space<vmem>>
    %dma_start3A_151 = arith.constant 0 : i32
    %dma_start3A_152 = arith.constant 0 : i32
    %dma_start3A_153 = tpu.memref_slice %arg8[%dma_start3A_151, %dma_start3A_152] : memref<10240x128xf32, #tpu.memory_space<vmem_shared>> -> memref<10240x128xf32, #tpu.memory_space<vmem_shared>>
    tpu.enqueue_indirect_dma source(%dma_start3A_147 : memref<80x128xf32, #tpu.memory_space<vmem>>) target(%dma_start3A_153 : memref<10240x128xf32, #tpu.memory_space<vmem_shared>>) offsets(%dma_start3A_150 : memref<80xi32, #tpu.memory_space<vmem>>) semaphore(%arg17 : memref<!tpu.dma_semaphore, #tpu.memory_space<semaphore_mem>>) {add = true}
    %dma_wait3A_154 = arith.constant 3 : i32
    %dma_wait3A_155 = arith.constant 3 : i32
    %dma_wait3A_156 = arith.constant 1 : i32
    %dma_wait3A_157 = arith.constant 0 : i32
    %dma_wait3A_158 = arith.constant 0 : i32
    %dma_wait3A_159 = tpu.memref_slice %arg7[%dma_wait3A_154, %dma_wait3A_157, %dma_wait3A_158] : memref<4x80x128xf32, #tpu.memory_space<vmem>> -> memref<1x80x128xf32, #tpu.memory_space<vmem>>
    %dma_wait3A_160 = tpu.memref_squeeze %dma_wait3A_159 : memref<1x80x128xf32, #tpu.memory_space<vmem>> -> memref<80x128xf32, #tpu.memory_space<vmem>>
    %dma_wait3A_161 = arith.constant 0 : i32
    %dma_wait3A_162 = tpu.memref_slice %arg6[%dma_wait3A_155, %dma_wait3A_156, %dma_wait3A_161] : memref<4x2x80xi32, #tpu.memory_space<vmem>> -> memref<1x1x80xi32, #tpu.memory_space<vmem>>
    %dma_wait3A_163 = tpu.memref_squeeze %dma_wait3A_162 : memref<1x1x80xi32, #tpu.memory_space<vmem>> -> memref<80xi32, #tpu.memory_space<vmem>>
    %dma_wait3A_164 = arith.constant 0 : i32
    %dma_wait3A_165 = arith.constant 0 : i32
    %dma_wait3A_166 = tpu.memref_slice %arg8[%dma_wait3A_164, %dma_wait3A_165] : memref<10240x128xf32, #tpu.memory_space<vmem_shared>> -> memref<10240x128xf32, #tpu.memory_space<vmem_shared>>
    tpu.wait_indirect_dma semaphore(%arg20 : memref<!tpu.dma_semaphore, #tpu.memory_space<semaphore_mem>>) src(%dma_wait3A_160 : memref<80x128xf32, #tpu.memory_space<vmem>>) dst(%dma_wait3A_166 : memref<10240x128xf32, #tpu.memory_space<vmem_shared>>)
    %dma_wait3A_167 = arith.constant 0 : i32
    %dma_wait3A_168 = arith.constant 0 : i32
    %dma_wait3A_169 = arith.constant 1 : i32
    %dma_wait3A_170 = arith.constant 0 : i32
    %dma_wait3A_171 = arith.constant 0 : i32
    %dma_wait3A_172 = tpu.memref_slice %arg7[%dma_wait3A_167, %dma_wait3A_170, %dma_wait3A_171] : memref<4x80x128xf32, #tpu.memory_space<vmem>> -> memref<1x80x128xf32, #tpu.memory_space<vmem>>
    %dma_wait3A_173 = tpu.memref_squeeze %dma_wait3A_172 : memref<1x80x128xf32, #tpu.memory_space<vmem>> -> memref<80x128xf32, #tpu.memory_space<vmem>>
    %dma_wait3A_174 = arith.constant 0 : i32
    %dma_wait3A_175 = tpu.memref_slice %arg6[%dma_wait3A_168, %dma_wait3A_169, %dma_wait3A_174] : memref<4x2x80xi32, #tpu.memory_space<vmem>> -> memref<1x1x80xi32, #tpu.memory_space<vmem>>
    %dma_wait3A_176 = tpu.memref_squeeze %dma_wait3A_175 : memref<1x1x80xi32, #tpu.memory_space<vmem>> -> memref<80xi32, #tpu.memory_space<vmem>>
    %dma_wait3A_177 = arith.constant 0 : i32
    %dma_wait3A_178 = arith.constant 0 : i32
    %dma_wait3A_179 = tpu.memref_slice %arg8[%dma_wait3A_177, %dma_wait3A_178] : memref<10240x128xf32, #tpu.memory_space<vmem_shared>> -> memref<10240x128xf32, #tpu.memory_space<vmem_shared>>
    tpu.wait_indirect_dma semaphore(%arg17 : memref<!tpu.dma_semaphore, #tpu.memory_space<semaphore_mem>>) src(%dma_wait3A_173 : memref<80x128xf32, #tpu.memory_space<vmem>>) dst(%dma_wait3A_179 : memref<10240x128xf32, #tpu.memory_space<vmem_shared>>)
    %barrier3A_180 = arith.constant 0 : index
    tpu.barrier barrier_id(%barrier3A_180)
    %mul3A_181 = arith.constant 640 : i32
    %mul3A_182 = arith.muli %arg1, %mul3A_181 : i32
    %mul3A_183 = arith.constant 640 : i32
    %mul3A_184 = arith.muli %arg1, %mul3A_183 : i32
    "tpu.region"() ({
      %run_scoped3A = tpu.sem_alloc : memref<!tpu.dma_semaphore, #tpu.memory_space<semaphore_mem>>
      %dma_start3A_185 = arith.constant 0 : i32
      %dma_start3A_186 = arith.constant 0 : i32
      %dma_start3A_187 = tpu.memref_slice %arg5[%arg0, %dma_start3A_185, %dma_start3A_186] : memref<2x10240x128xf32, #tpu.memory_space<hbm>> -> memref<1x10240x128xf32, #tpu.memory_space<hbm>>
      %dma_start3A_188 = tpu.memref_squeeze %dma_start3A_187 : memref<1x10240x128xf32, #tpu.memory_space<hbm>> -> memref<10240x128xf32, #tpu.memory_space<hbm>>
      %dma_start3A_189 = arith.constant 0 : i32
      %dma_start3A_190 = tpu.memref_slice %dma_start3A_188[%mul3A_184, %dma_start3A_189] : memref<10240x128xf32, #tpu.memory_space<hbm>> -> memref<640x128xf32, #tpu.memory_space<hbm>>
      %dma_start3A_191 = arith.constant 0 : i32
      %dma_start3A_192 = tpu.memref_slice %arg8[%mul3A_182, %dma_start3A_191] : memref<10240x128xf32, #tpu.memory_space<vmem_shared>> -> memref<640x128xf32, #tpu.memory_space<vmem_shared>>
      tpu.enqueue_dma source(%dma_start3A_192 : memref<640x128xf32, #tpu.memory_space<vmem_shared>>) target(%dma_start3A_190 : memref<640x128xf32, #tpu.memory_space<hbm>>) target_semaphore(%run_scoped3A : memref<!tpu.dma_semaphore, #tpu.memory_space<semaphore_mem>>)
      %dma_wait3A_193 = arith.constant 0 : i32
      %dma_wait3A_194 = arith.constant 0 : i32
      %dma_wait3A_195 = tpu.memref_slice %arg5[%arg0, %dma_wait3A_193, %dma_wait3A_194] : memref<2x10240x128xf32, #tpu.memory_space<hbm>> -> memref<1x10240x128xf32, #tpu.memory_space<hbm>>
      %dma_wait3A_196 = tpu.memref_squeeze %dma_wait3A_195 : memref<1x10240x128xf32, #tpu.memory_space<hbm>> -> memref<10240x128xf32, #tpu.memory_space<hbm>>
      %dma_wait3A_197 = arith.constant 0 : i32
      %dma_wait3A_198 = tpu.memref_slice %dma_wait3A_196[%mul3A_184, %dma_wait3A_197] : memref<10240x128xf32, #tpu.memory_space<hbm>> -> memref<640x128xf32, #tpu.memory_space<hbm>>
      %dma_wait3A_199 = arith.constant 0 : i32
      %dma_wait3A_200 = tpu.memref_slice %arg8[%mul3A_182, %dma_wait3A_199] : memref<10240x128xf32, #tpu.memory_space<vmem_shared>> -> memref<640x128xf32, #tpu.memory_space<vmem_shared>>
      tpu.wait_dma2 semaphore(%run_scoped3A : memref<!tpu.dma_semaphore, #tpu.memory_space<semaphore_mem>>) src(%dma_wait3A_200 : memref<640x128xf32, #tpu.memory_space<vmem_shared>>) dst(%dma_wait3A_198 : memref<640x128xf32, #tpu.memory_space<hbm>>)
      tpu.yield
    }) : () -> ()
    return
  }
}

#map = affine_map<(d0, d1) -> (0, 0, 0)>
#map1 = affine_map<(d0, d1) -> (0)>
#map2 = affine_map<(d0, d1) -> (0, 0)>
module attributes {stable_mosaic.version = 14 : i64} {
  func.func @_deg_kernel(%arg0: i32, %arg1: i32, %arg2: memref<4000x2x80xi32, #tpu.memory_space<hbm>>, %arg3: memref<640xf32, #tpu.memory_space<hbm>>, %arg4: memref<2x10240xf32, #tpu.memory_space<hbm>>, %arg5: memref<5x80xi32, #tpu.memory_space<vmem>>, %arg6: memref<1x80xf32, #tpu.memory_space<vmem>>, %arg7: memref<10240xf32, #tpu.memory_space<vmem_shared>>, %arg8: memref<!tpu.dma_semaphore, #tpu.memory_space<semaphore_mem>>, %arg9: memref<!tpu.dma_semaphore, #tpu.memory_space<semaphore_mem>>, %arg10: memref<!tpu.dma_semaphore, #tpu.memory_space<semaphore_mem>>, %arg11: memref<!tpu.dma_semaphore, #tpu.memory_space<semaphore_mem>>, %arg12: memref<!tpu.dma_semaphore, #tpu.memory_space<semaphore_mem>>, %arg13: memref<!tpu.dma_semaphore, #tpu.memory_space<semaphore_mem>>, %arg14: memref<!tpu.dma_semaphore, #tpu.memory_space<semaphore_mem>>, %arg15: memref<!tpu.dma_semaphore, #tpu.memory_space<semaphore_mem>>, %arg16: memref<!tpu.dma_semaphore, #tpu.memory_space<semaphore_mem>>, %arg17: memref<!tpu.dma_semaphore, #tpu.memory_space<semaphore_mem>>) attributes {dimension_semantics = [#tpu.dimension_semantics<core_parallel>, #tpu.dimension_semantics<subcore_parallel>], iteration_bounds = array<i64: 2, 16>, scalar_prefetch = 0 : i64, scratch_operands = 13 : i64, tpu.core_type = #tpu.core_type<sc_vector_subcore>, window_params = [{transform_indices = #map}, {transform_indices = #map1}, {transform_indices = #map2}]} {
    %mul3A = arith.constant 2 : i32
    %mul3A_0 = arith.muli %arg1, %mul3A : i32
    %add3A = arith.addi %mul3A_0, %arg0 : i32
    %mul3A_1 = arith.constant 125 : i32
    %mul3A_2 = arith.muli %add3A, %mul3A_1 : i32
    %broadcast_in_dim3A = arith.constant 1.000000e+00 : f32
    %broadcast_in_dim3A_3 = vector.broadcast %broadcast_in_dim3A : f32 to vector<16xf32>
    %swap3A = arith.constant 0 : i32
    %swap3A_4 = arith.index_cast %swap3A : i32 to index
    %swap3A_5 = arith.constant 0 : index
    %swap3A_6 = tpu.vector_load %arg6[%swap3A_4, %swap3A_5] {strides = array<i32>} : memref<1x80xf32, #tpu.memory_space<vmem>>, vector<1x16xf32>,
    %swap3A_7 = vector.shape_cast %swap3A_6 : vector<1x16xf32> to vector<16xf32>
    %swap3A_8 = vector.shape_cast %broadcast_in_dim3A_3 : vector<16xf32> to vector<1x16xf32>
    tpu.vector_store %arg6[%swap3A_4, %swap3A_5], %swap3A_8 {strides = array<i32>} : memref<1x80xf32, #tpu.memory_space<vmem>>, vector<1x16xf32>,
    %broadcast_in_dim3A_9 = arith.constant 1.000000e+00 : f32
    %broadcast_in_dim3A_10 = vector.broadcast %broadcast_in_dim3A_9 : f32 to vector<16xf32>
    %swap3A_11 = arith.constant 0 : i32
    %swap3A_12 = arith.index_cast %swap3A_11 : i32 to index
    %swap3A_13 = arith.constant 16 : index
    %swap3A_14 = tpu.vector_load %arg6[%swap3A_12, %swap3A_13] {strides = array<i32>} : memref<1x80xf32, #tpu.memory_space<vmem>>, vector<1x16xf32>,
    %swap3A_15 = vector.shape_cast %swap3A_14 : vector<1x16xf32> to vector<16xf32>
    %swap3A_16 = vector.shape_cast %broadcast_in_dim3A_10 : vector<16xf32> to vector<1x16xf32>
    tpu.vector_store %arg6[%swap3A_12, %swap3A_13], %swap3A_16 {strides = array<i32>} : memref<1x80xf32, #tpu.memory_space<vmem>>, vector<1x16xf32>,
    %broadcast_in_dim3A_17 = arith.constant 1.000000e+00 : f32
    %broadcast_in_dim3A_18 = vector.broadcast %broadcast_in_dim3A_17 : f32 to vector<16xf32>
    %swap3A_19 = arith.constant 0 : i32
    %swap3A_20 = arith.index_cast %swap3A_19 : i32 to index
    %swap3A_21 = arith.constant 32 : index
    %swap3A_22 = tpu.vector_load %arg6[%swap3A_20, %swap3A_21] {strides = array<i32>} : memref<1x80xf32, #tpu.memory_space<vmem>>, vector<1x16xf32>,
    %swap3A_23 = vector.shape_cast %swap3A_22 : vector<1x16xf32> to vector<16xf32>
    %swap3A_24 = vector.shape_cast %broadcast_in_dim3A_18 : vector<16xf32> to vector<1x16xf32>
    tpu.vector_store %arg6[%swap3A_20, %swap3A_21], %swap3A_24 {strides = array<i32>} : memref<1x80xf32, #tpu.memory_space<vmem>>, vector<1x16xf32>,
    %broadcast_in_dim3A_25 = arith.constant 1.000000e+00 : f32
    %broadcast_in_dim3A_26 = vector.broadcast %broadcast_in_dim3A_25 : f32 to vector<16xf32>
    %swap3A_27 = arith.constant 0 : i32
    %swap3A_28 = arith.index_cast %swap3A_27 : i32 to index
    %swap3A_29 = arith.constant 48 : index
    %swap3A_30 = tpu.vector_load %arg6[%swap3A_28, %swap3A_29] {strides = array<i32>} : memref<1x80xf32, #tpu.memory_space<vmem>>, vector<1x16xf32>,
    %swap3A_31 = vector.shape_cast %swap3A_30 : vector<1x16xf32> to vector<16xf32>
    %swap3A_32 = vector.shape_cast %broadcast_in_dim3A_26 : vector<16xf32> to vector<1x16xf32>
    tpu.vector_store %arg6[%swap3A_28, %swap3A_29], %swap3A_32 {strides = array<i32>} : memref<1x80xf32, #tpu.memory_space<vmem>>, vector<1x16xf32>,
    %broadcast_in_dim3A_33 = arith.constant 1.000000e+00 : f32
    %broadcast_in_dim3A_34 = vector.broadcast %broadcast_in_dim3A_33 : f32 to vector<16xf32>
    %swap3A_35 = arith.constant 0 : i32
    %swap3A_36 = arith.index_cast %swap3A_35 : i32 to index
    %swap3A_37 = arith.constant 64 : index
    %swap3A_38 = tpu.vector_load %arg6[%swap3A_36, %swap3A_37] {strides = array<i32>} : memref<1x80xf32, #tpu.memory_space<vmem>>, vector<1x16xf32>,
    %swap3A_39 = vector.shape_cast %swap3A_38 : vector<1x16xf32> to vector<16xf32>
    %swap3A_40 = vector.shape_cast %broadcast_in_dim3A_34 : vector<16xf32> to vector<1x16xf32>
    tpu.vector_store %arg6[%swap3A_36, %swap3A_37], %swap3A_40 {strides = array<i32>} : memref<1x80xf32, #tpu.memory_space<vmem>>, vector<1x16xf32>,
    %add3A_41 = arith.constant 0 : i32
    %add3A_42 = arith.addi %mul3A_2, %add3A_41 : i32
    %dma_start3A = arith.constant 1 : i32
    %dma_start3A_43 = arith.constant 0 : i32
    %dma_start3A_44 = arith.constant 0 : i32
    %dma_start3A_45 = tpu.memref_slice %arg5[%dma_start3A_43, %dma_start3A_44] : memref<5x80xi32, #tpu.memory_space<vmem>> -> memref<1x80xi32, #tpu.memory_space<vmem>>
    %dma_start3A_46 = tpu.memref_squeeze %dma_start3A_45 : memref<1x80xi32, #tpu.memory_space<vmem>> -> memref<80xi32, #tpu.memory_space<vmem>>
    %dma_start3A_47 = arith.constant 0 : i32
    %dma_start3A_48 = tpu.memref_slice %arg2[%add3A_42, %dma_start3A, %dma_start3A_47] : memref<4000x2x80xi32, #tpu.memory_space<hbm>> -> memref<1x1x80xi32, #tpu.memory_space<hbm>>
    %dma_start3A_49 = tpu.memref_squeeze %dma_start3A_48 : memref<1x1x80xi32, #tpu.memory_space<hbm>> -> memref<80xi32, #tpu.memory_space<hbm>>
    %dma_start3A_50 = arith.constant 0 : i32
    %dma_start3A_51 = tpu.memref_slice %arg5[%dma_start3A_43, %dma_start3A_50] : memref<5x80xi32, #tpu.memory_space<vmem>> -> memref<1x80xi32, #tpu.memory_space<vmem>>
    %dma_start3A_52 = tpu.memref_squeeze %dma_start3A_51 : memref<1x80xi32, #tpu.memory_space<vmem>> -> memref<80xi32, #tpu.memory_space<vmem>>
    %dma_start3A_53 = arith.constant 0 : i32
    %dma_start3A_54 = tpu.memref_slice %arg2[%add3A_42, %dma_start3A, %dma_start3A_53] : memref<4000x2x80xi32, #tpu.memory_space<hbm>> -> memref<1x1x80xi32, #tpu.memory_space<hbm>>
    %dma_start3A_55 = tpu.memref_squeeze %dma_start3A_54 : memref<1x1x80xi32, #tpu.memory_space<hbm>> -> memref<80xi32, #tpu.memory_space<hbm>>
    tpu.enqueue_dma source(%dma_start3A_55 : memref<80xi32, #tpu.memory_space<hbm>>) target(%dma_start3A_52 : memref<80xi32, #tpu.memory_space<vmem>>) target_semaphore(%arg8 : memref<!tpu.dma_semaphore, #tpu.memory_space<semaphore_mem>>)
    %add3A_56 = arith.constant 1 : i32
    %add3A_57 = arith.addi %mul3A_2, %add3A_56 : i32
    %dma_start3A_58 = arith.constant 1 : i32
    %dma_start3A_59 = arith.constant 1 : i32
    %dma_start3A_60 = arith.constant 0 : i32
    %dma_start3A_61 = tpu.memref_slice %arg5[%dma_start3A_59, %dma_start3A_60] : memref<5x80xi32, #tpu.memory_space<vmem>> -> memref<1x80xi32, #tpu.memory_space<vmem>>
    %dma_start3A_62 = tpu.memref_squeeze %dma_start3A_61 : memref<1x80xi32, #tpu.memory_space<vmem>> -> memref<80xi32, #tpu.memory_space<vmem>>
    %dma_start3A_63 = arith.constant 0 : i32
    %dma_start3A_64 = tpu.memref_slice %arg2[%add3A_57, %dma_start3A_58, %dma_start3A_63] : memref<4000x2x80xi32, #tpu.memory_space<hbm>> -> memref<1x1x80xi32, #tpu.memory_space<hbm>>
    %dma_start3A_65 = tpu.memref_squeeze %dma_start3A_64 : memref<1x1x80xi32, #tpu.memory_space<hbm>> -> memref<80xi32, #tpu.memory_space<hbm>>
    %dma_start3A_66 = arith.constant 0 : i32
    %dma_start3A_67 = tpu.memref_slice %arg5[%dma_start3A_59, %dma_start3A_66] : memref<5x80xi32, #tpu.memory_space<vmem>> -> memref<1x80xi32, #tpu.memory_space<vmem>>
    %dma_start3A_68 = tpu.memref_squeeze %dma_start3A_67 : memref<1x80xi32, #tpu.memory_space<vmem>> -> memref<80xi32, #tpu.memory_space<vmem>>
    %dma_start3A_69 = arith.constant 0 : i32
    %dma_start3A_70 = tpu.memref_slice %arg2[%add3A_57, %dma_start3A_58, %dma_start3A_69] : memref<4000x2x80xi32, #tpu.memory_space<hbm>> -> memref<1x1x80xi32, #tpu.memory_space<hbm>>
    %dma_start3A_71 = tpu.memref_squeeze %dma_start3A_70 : memref<1x1x80xi32, #tpu.memory_space<hbm>> -> memref<80xi32, #tpu.memory_space<hbm>>
    tpu.enqueue_dma source(%dma_start3A_71 : memref<80xi32, #tpu.memory_space<hbm>>) target(%dma_start3A_68 : memref<80xi32, #tpu.memory_space<vmem>>) target_semaphore(%arg9 : memref<!tpu.dma_semaphore, #tpu.memory_space<semaphore_mem>>)
    %add3A_72 = arith.constant 2 : i32
    %add3A_73 = arith.addi %mul3A_2, %add3A_72 : i32
    %dma_start3A_74 = arith.constant 1 : i32
    %dma_start3A_75 = arith.constant 2 : i32
    %dma_start3A_76 = arith.constant 0 : i32
    %dma_start3A_77 = tpu.memref_slice %arg5[%dma_start3A_75, %dma_start3A_76] : memref<5x80xi32, #tpu.memory_space<vmem>> -> memref<1x80xi32, #tpu.memory_space<vmem>>
    %dma_start3A_78 = tpu.memref_squeeze %dma_start3A_77 : memref<1x80xi32, #tpu.memory_space<vmem>> -> memref<80xi32, #tpu.memory_space<vmem>>
    %dma_start3A_79 = arith.constant 0 : i32
    %dma_start3A_80 = tpu.memref_slice %arg2[%add3A_73, %dma_start3A_74, %dma_start3A_79] : memref<4000x2x80xi32, #tpu.memory_space<hbm>> -> memref<1x1x80xi32, #tpu.memory_space<hbm>>
    %dma_start3A_81 = tpu.memref_squeeze %dma_start3A_80 : memref<1x1x80xi32, #tpu.memory_space<hbm>> -> memref<80xi32, #tpu.memory_space<hbm>>
    %dma_start3A_82 = arith.constant 0 : i32
    %dma_start3A_83 = tpu.memref_slice %arg5[%dma_start3A_75, %dma_start3A_82] : memref<5x80xi32, #tpu.memory_space<vmem>> -> memref<1x80xi32, #tpu.memory_space<vmem>>
    %dma_start3A_84 = tpu.memref_squeeze %dma_start3A_83 : memref<1x80xi32, #tpu.memory_space<vmem>> -> memref<80xi32, #tpu.memory_space<vmem>>
    %dma_start3A_85 = arith.constant 0 : i32
    %dma_start3A_86 = tpu.memref_slice %arg2[%add3A_73, %dma_start3A_74, %dma_start3A_85] : memref<4000x2x80xi32, #tpu.memory_space<hbm>> -> memref<1x1x80xi32, #tpu.memory_space<hbm>>
    %dma_start3A_87 = tpu.memref_squeeze %dma_start3A_86 : memref<1x1x80xi32, #tpu.memory_space<hbm>> -> memref<80xi32, #tpu.memory_space<hbm>>
    tpu.enqueue_dma source(%dma_start3A_87 : memref<80xi32, #tpu.memory_space<hbm>>) target(%dma_start3A_84 : memref<80xi32, #tpu.memory_space<vmem>>) target_semaphore(%arg10 : memref<!tpu.dma_semaphore, #tpu.memory_space<semaphore_mem>>)
    %add3A_88 = arith.constant 3 : i32
    %add3A_89 = arith.addi %mul3A_2, %add3A_88 : i32
    %dma_start3A_90 = arith.constant 1 : i32
    %dma_start3A_91 = arith.constant 3 : i32
    %dma_start3A_92 = arith.constant 0 : i32
    %dma_start3A_93 = tpu.memref_slice %arg5[%dma_start3A_91, %dma_start3A_92] : memref<5x80xi32, #tpu.memory_space<vmem>> -> memref<1x80xi32, #tpu.memory_space<vmem>>
    %dma_start3A_94 = tpu.memref_squeeze %dma_start3A_93 : memref<1x80xi32, #tpu.memory_space<vmem>> -> memref<80xi32, #tpu.memory_space<vmem>>
    %dma_start3A_95 = arith.constant 0 : i32
    %dma_start3A_96 = tpu.memref_slice %arg2[%add3A_89, %dma_start3A_90, %dma_start3A_95] : memref<4000x2x80xi32, #tpu.memory_space<hbm>> -> memref<1x1x80xi32, #tpu.memory_space<hbm>>
    %dma_start3A_97 = tpu.memref_squeeze %dma_start3A_96 : memref<1x1x80xi32, #tpu.memory_space<hbm>> -> memref<80xi32, #tpu.memory_space<hbm>>
    %dma_start3A_98 = arith.constant 0 : i32
    %dma_start3A_99 = tpu.memref_slice %arg5[%dma_start3A_91, %dma_start3A_98] : memref<5x80xi32, #tpu.memory_space<vmem>> -> memref<1x80xi32, #tpu.memory_space<vmem>>
    %dma_start3A_100 = tpu.memref_squeeze %dma_start3A_99 : memref<1x80xi32, #tpu.memory_space<vmem>> -> memref<80xi32, #tpu.memory_space<vmem>>
    %dma_start3A_101 = arith.constant 0 : i32
    %dma_start3A_102 = tpu.memref_slice %arg2[%add3A_89, %dma_start3A_90, %dma_start3A_101] : memref<4000x2x80xi32, #tpu.memory_space<hbm>> -> memref<1x1x80xi32, #tpu.memory_space<hbm>>
    %dma_start3A_103 = tpu.memref_squeeze %dma_start3A_102 : memref<1x1x80xi32, #tpu.memory_space<hbm>> -> memref<80xi32, #tpu.memory_space<hbm>>
    tpu.enqueue_dma source(%dma_start3A_103 : memref<80xi32, #tpu.memory_space<hbm>>) target(%dma_start3A_100 : memref<80xi32, #tpu.memory_space<vmem>>) target_semaphore(%arg11 : memref<!tpu.dma_semaphore, #tpu.memory_space<semaphore_mem>>)
    %mul3A_104 = arith.constant 640 : i32
    %mul3A_105 = arith.muli %arg1, %mul3A_104 : i32
    "tpu.region"() ({
      %run_scoped3A = tpu.sem_alloc : memref<!tpu.dma_semaphore, #tpu.memory_space<semaphore_mem>>
      %dma_start3A_124 = tpu.memref_slice %arg7[%mul3A_105] : memref<10240xf32, #tpu.memory_space<vmem_shared>> -> memref<640xf32, #tpu.memory_space<vmem_shared>>
      tpu.enqueue_dma source(%arg3 : memref<640xf32, #tpu.memory_space<hbm>>) target(%dma_start3A_124 : memref<640xf32, #tpu.memory_space<vmem_shared>>) target_semaphore(%run_scoped3A : memref<!tpu.dma_semaphore, #tpu.memory_space<semaphore_mem>>)
      %dma_wait3A_125 = tpu.memref_slice %arg7[%mul3A_105] : memref<10240xf32, #tpu.memory_space<vmem_shared>> -> memref<640xf32, #tpu.memory_space<vmem_shared>>
      tpu.wait_dma2 semaphore(%run_scoped3A : memref<!tpu.dma_semaphore, #tpu.memory_space<semaphore_mem>>) src(%arg3 : memref<640xf32, #tpu.memory_space<hbm>>) dst(%dma_wait3A_125 : memref<640xf32, #tpu.memory_space<vmem_shared>>)
      tpu.yield
    }) : () -> ()
    %barrier3A = arith.constant 0 : index
    tpu.barrier barrier_id(%barrier3A)
    %scan3A = arith.constant 0 : i32
    %scan3A_106 = arith.constant 25 : i32
    %scan3A_107 = arith.addi %scan3A, %scan3A_106 : i32
    %scan3A_108 = arith.constant 1 : i32
    scf.for %scan3A_124 = %scan3A to %scan3A_107 step %scan3A_108  : i32 {
      %mul3A_125 = arith.constant 5 : i32
      %mul3A_126 = arith.muli %mul3A_125, %scan3A_124 : i32
      %add3A_127 = arith.constant 0 : i32
      %add3A_128 = arith.addi %mul3A_126, %add3A_127 : i32
      %add3A_129 = arith.addi %mul3A_2, %add3A_128 : i32
      %dma_wait3A_130 = arith.constant 1 : i32
      %dma_wait3A_131 = arith.constant 0 : i32
      %dma_wait3A_132 = arith.constant 0 : i32
      %dma_wait3A_133 = tpu.memref_slice %arg5[%dma_wait3A_131, %dma_wait3A_132] : memref<5x80xi32, #tpu.memory_space<vmem>> -> memref<1x80xi32, #tpu.memory_space<vmem>>
      %dma_wait3A_134 = tpu.memref_squeeze %dma_wait3A_133 : memref<1x80xi32, #tpu.memory_space<vmem>> -> memref<80xi32, #tpu.memory_space<vmem>>
      %dma_wait3A_135 = arith.constant 0 : i32
      %dma_wait3A_136 = tpu.memref_slice %arg2[%add3A_129, %dma_wait3A_130, %dma_wait3A_135] : memref<4000x2x80xi32, #tpu.memory_space<hbm>> -> memref<1x1x80xi32, #tpu.memory_space<hbm>>
      %dma_wait3A_137 = tpu.memref_squeeze %dma_wait3A_136 : memref<1x1x80xi32, #tpu.memory_space<hbm>> -> memref<80xi32, #tpu.memory_space<hbm>>
      %dma_wait3A_138 = arith.constant 0 : i32
      %dma_wait3A_139 = tpu.memref_slice %arg5[%dma_wait3A_131, %dma_wait3A_138] : memref<5x80xi32, #tpu.memory_space<vmem>> -> memref<1x80xi32, #tpu.memory_space<vmem>>
      %dma_wait3A_140 = tpu.memref_squeeze %dma_wait3A_139 : memref<1x80xi32, #tpu.memory_space<vmem>> -> memref<80xi32, #tpu.memory_space<vmem>>
      %dma_wait3A_141 = arith.constant 0 : i32
      %dma_wait3A_142 = tpu.memref_slice %arg2[%add3A_129, %dma_wait3A_130, %dma_wait3A_141] : memref<4000x2x80xi32, #tpu.memory_space<hbm>> -> memref<1x1x80xi32, #tpu.memory_space<hbm>>
      %dma_wait3A_143 = tpu.memref_squeeze %dma_wait3A_142 : memref<1x1x80xi32, #tpu.memory_space<hbm>> -> memref<80xi32, #tpu.memory_space<hbm>>
      tpu.wait_dma2 semaphore(%arg8 : memref<!tpu.dma_semaphore, #tpu.memory_space<semaphore_mem>>) src(%dma_wait3A_143 : memref<80xi32, #tpu.memory_space<hbm>>) dst(%dma_wait3A_140 : memref<80xi32, #tpu.memory_space<vmem>>)
      %dma_start3A_144 = arith.constant 0 : i32
      %dma_start3A_145 = arith.constant 0 : i32
      %dma_start3A_146 = arith.constant 0 : i32
      %dma_start3A_147 = tpu.memref_slice %arg6[%dma_start3A_144, %dma_start3A_146] : memref<1x80xf32, #tpu.memory_space<vmem>> -> memref<1x80xf32, #tpu.memory_space<vmem>>
      %dma_start3A_148 = tpu.memref_squeeze %dma_start3A_147 : memref<1x80xf32, #tpu.memory_space<vmem>> -> memref<80xf32, #tpu.memory_space<vmem>>
      %dma_start3A_149 = arith.constant 0 : i32
      %dma_start3A_150 = tpu.memref_slice %arg5[%dma_start3A_145, %dma_start3A_149] : memref<5x80xi32, #tpu.memory_space<vmem>> -> memref<1x80xi32, #tpu.memory_space<vmem>>
      %dma_start3A_151 = tpu.memref_squeeze %dma_start3A_150 : memref<1x80xi32, #tpu.memory_space<vmem>> -> memref<80xi32, #tpu.memory_space<vmem>>
      %dma_start3A_152 = arith.constant 0 : i32
      %dma_start3A_153 = tpu.memref_slice %arg7[%dma_start3A_152] : memref<10240xf32, #tpu.memory_space<vmem_shared>> -> memref<10240xf32, #tpu.memory_space<vmem_shared>>
      tpu.enqueue_indirect_dma source(%dma_start3A_148 : memref<80xf32, #tpu.memory_space<vmem>>) target(%dma_start3A_153 : memref<10240xf32, #tpu.memory_space<vmem_shared>>) offsets(%dma_start3A_151 : memref<80xi32, #tpu.memory_space<vmem>>) semaphore(%arg13 : memref<!tpu.dma_semaphore, #tpu.memory_space<semaphore_mem>>) {add = true}
      %ge3A = arith.constant 1 : i32
      %ge3A_154 = arith.cmpi sge, %add3A_128, %ge3A : i32
      %convert_element_type3A = arith.extui %ge3A_154 : i1 to i32
      %cond3A = arith.constant 0 : i32
      %cond3A_155 = arith.cmpi ne, %convert_element_type3A, %cond3A : i32
      scf.if %cond3A_155 {
        %dma_wait3A_335 = arith.constant 0 : i32
        %dma_wait3A_336 = arith.constant 4 : i32
        %dma_wait3A_337 = arith.constant 0 : i32
        %dma_wait3A_338 = tpu.memref_slice %arg6[%dma_wait3A_335, %dma_wait3A_337] : memref<1x80xf32, #tpu.memory_space<vmem>> -> memref<1x80xf32, #tpu.memory_space<vmem>>
        %dma_wait3A_339 = tpu.memref_squeeze %dma_wait3A_338 : memref<1x80xf32, #tpu.memory_space<vmem>> -> memref<80xf32, #tpu.memory_space<vmem>>
        %dma_wait3A_340 = arith.constant 0 : i32
        %dma_wait3A_341 = tpu.memref_slice %arg5[%dma_wait3A_336, %dma_wait3A_340] : memref<5x80xi32, #tpu.memory_space<vmem>> -> memref<1x80xi32, #tpu.memory_space<vmem>>
        %dma_wait3A_342 = tpu.memref_squeeze %dma_wait3A_341 : memref<1x80xi32, #tpu.memory_space<vmem>> -> memref<80xi32, #tpu.memory_space<vmem>>
        %dma_wait3A_343 = arith.constant 0 : i32
        %dma_wait3A_344 = tpu.memref_slice %arg7[%dma_wait3A_343] : memref<10240xf32, #tpu.memory_space<vmem_shared>> -> memref<10240xf32, #tpu.memory_space<vmem_shared>>
        tpu.wait_indirect_dma semaphore(%arg17 : memref<!tpu.dma_semaphore, #tpu.memory_space<semaphore_mem>>) src(%dma_wait3A_339 : memref<80xf32, #tpu.memory_space<vmem>>) dst(%dma_wait3A_344 : memref<10240xf32, #tpu.memory_space<vmem_shared>>)
      } else {
      }
      %add3A_156 = arith.constant 5 : i32
      %add3A_157 = arith.addi %add3A_128, %add3A_156 : i32
      %sub3A = arith.constant 1 : i32
      %sub3A_158 = arith.subi %add3A_157, %sub3A : i32
      %lt3A = arith.constant 125 : i32
      %lt3A_159 = arith.cmpi slt, %sub3A_158, %lt3A : i32
      %convert_element_type3A_160 = arith.extui %lt3A_159 : i1 to i32
      %cond3A_161 = arith.constant 0 : i32
      %cond3A_162 = arith.cmpi ne, %convert_element_type3A_160, %cond3A_161 : i32
      scf.if %cond3A_162 {
        %add3A_335 = arith.constant 5 : i32
        %add3A_336 = arith.addi %add3A_128, %add3A_335 : i32
        %sub3A_337 = arith.constant 1 : i32
        %sub3A_338 = arith.subi %add3A_336, %sub3A_337 : i32
        %add3A_339 = arith.addi %mul3A_2, %sub3A_338 : i32
        %dma_start3A_340 = arith.constant 1 : i32
        %dma_start3A_341 = arith.constant 4 : i32
        %dma_start3A_342 = arith.constant 0 : i32
        %dma_start3A_343 = tpu.memref_slice %arg5[%dma_start3A_341, %dma_start3A_342] : memref<5x80xi32, #tpu.memory_space<vmem>> -> memref<1x80xi32, #tpu.memory_space<vmem>>
        %dma_start3A_344 = tpu.memref_squeeze %dma_start3A_343 : memref<1x80xi32, #tpu.memory_space<vmem>> -> memref<80xi32, #tpu.memory_space<vmem>>
        %dma_start3A_345 = arith.constant 0 : i32
        %dma_start3A_346 = tpu.memref_slice %arg2[%add3A_339, %dma_start3A_340, %dma_start3A_345] : memref<4000x2x80xi32, #tpu.memory_space<hbm>> -> memref<1x1x80xi32, #tpu.memory_space<hbm>>
        %dma_start3A_347 = tpu.memref_squeeze %dma_start3A_346 : memref<1x1x80xi32, #tpu.memory_space<hbm>> -> memref<80xi32, #tpu.memory_space<hbm>>
        %dma_start3A_348 = arith.constant 0 : i32
        %dma_start3A_349 = tpu.memref_slice %arg5[%dma_start3A_341, %dma_start3A_348] : memref<5x80xi32, #tpu.memory_space<vmem>> -> memref<1x80xi32, #tpu.memory_space<vmem>>
        %dma_start3A_350 = tpu.memref_squeeze %dma_start3A_349 : memref<1x80xi32, #tpu.memory_space<vmem>> -> memref<80xi32, #tpu.memory_space<vmem>>
        %dma_start3A_351 = arith.constant 0 : i32
        %dma_start3A_352 = tpu.memref_slice %arg2[%add3A_339, %dma_start3A_340, %dma_start3A_351] : memref<4000x2x80xi32, #tpu.memory_space<hbm>> -> memref<1x1x80xi32, #tpu.memory_space<hbm>>
        %dma_start3A_353 = tpu.memref_squeeze %dma_start3A_352 : memref<1x1x80xi32, #tpu.memory_space<hbm>> -> memref<80xi32, #tpu.memory_space<hbm>>
        tpu.enqueue_dma source(%dma_start3A_353 : memref<80xi32, #tpu.memory_space<hbm>>) target(%dma_start3A_350 : memref<80xi32, #tpu.memory_space<vmem>>) target_semaphore(%arg12 : memref<!tpu.dma_semaphore, #tpu.memory_space<semaphore_mem>>)
      } else {
      }
      %mul3A_163 = arith.constant 5 : i32
      %mul3A_164 = arith.muli %mul3A_163, %scan3A_124 : i32
      %add3A_165 = arith.constant 1 : i32
      %add3A_166 = arith.addi %mul3A_164, %add3A_165 : i32
      %add3A_167 = arith.addi %mul3A_2, %add3A_166 : i32
      %dma_wait3A_168 = arith.constant 1 : i32
      %dma_wait3A_169 = arith.constant 1 : i32
      %dma_wait3A_170 = arith.constant 0 : i32
      %dma_wait3A_171 = tpu.memref_slice %arg5[%dma_wait3A_169, %dma_wait3A_170] : memref<5x80xi32, #tpu.memory_space<vmem>> -> memref<1x80xi32, #tpu.memory_space<vmem>>
      %dma_wait3A_172 = tpu.memref_squeeze %dma_wait3A_171 : memref<1x80xi32, #tpu.memory_space<vmem>> -> memref<80xi32, #tpu.memory_space<vmem>>
      %dma_wait3A_173 = arith.constant 0 : i32
      %dma_wait3A_174 = tpu.memref_slice %arg2[%add3A_167, %dma_wait3A_168, %dma_wait3A_173] : memref<4000x2x80xi32, #tpu.memory_space<hbm>> -> memref<1x1x80xi32, #tpu.memory_space<hbm>>
      %dma_wait3A_175 = tpu.memref_squeeze %dma_wait3A_174 : memref<1x1x80xi32, #tpu.memory_space<hbm>> -> memref<80xi32, #tpu.memory_space<hbm>>
      %dma_wait3A_176 = arith.constant 0 : i32
      %dma_wait3A_177 = tpu.memref_slice %arg5[%dma_wait3A_169, %dma_wait3A_176] : memref<5x80xi32, #tpu.memory_space<vmem>> -> memref<1x80xi32, #tpu.memory_space<vmem>>
      %dma_wait3A_178 = tpu.memref_squeeze %dma_wait3A_177 : memref<1x80xi32, #tpu.memory_space<vmem>> -> memref<80xi32, #tpu.memory_space<vmem>>
      %dma_wait3A_179 = arith.constant 0 : i32
      %dma_wait3A_180 = tpu.memref_slice %arg2[%add3A_167, %dma_wait3A_168, %dma_wait3A_179] : memref<4000x2x80xi32, #tpu.memory_space<hbm>> -> memref<1x1x80xi32, #tpu.memory_space<hbm>>
      %dma_wait3A_181 = tpu.memref_squeeze %dma_wait3A_180 : memref<1x1x80xi32, #tpu.memory_space<hbm>> -> memref<80xi32, #tpu.memory_space<hbm>>
      tpu.wait_dma2 semaphore(%arg9 : memref<!tpu.dma_semaphore, #tpu.memory_space<semaphore_mem>>) src(%dma_wait3A_181 : memref<80xi32, #tpu.memory_space<hbm>>) dst(%dma_wait3A_178 : memref<80xi32, #tpu.memory_space<vmem>>)
      %dma_start3A_182 = arith.constant 0 : i32
      %dma_start3A_183 = arith.constant 1 : i32
      %dma_start3A_184 = arith.constant 0 : i32
      %dma_start3A_185 = tpu.memref_slice %arg6[%dma_start3A_182, %dma_start3A_184] : memref<1x80xf32, #tpu.memory_space<vmem>> -> memref<1x80xf32, #tpu.memory_space<vmem>>
      %dma_start3A_186 = tpu.memref_squeeze %dma_start3A_185 : memref<1x80xf32, #tpu.memory_space<vmem>> -> memref<80xf32, #tpu.memory_space<vmem>>
      %dma_start3A_187 = arith.constant 0 : i32
      %dma_start3A_188 = tpu.memref_slice %arg5[%dma_start3A_183, %dma_start3A_187] : memref<5x80xi32, #tpu.memory_space<vmem>> -> memref<1x80xi32, #tpu.memory_space<vmem>>
      %dma_start3A_189 = tpu.memref_squeeze %dma_start3A_188 : memref<1x80xi32, #tpu.memory_space<vmem>> -> memref<80xi32, #tpu.memory_space<vmem>>
      %dma_start3A_190 = arith.constant 0 : i32
      %dma_start3A_191 = tpu.memref_slice %arg7[%dma_start3A_190] : memref<10240xf32, #tpu.memory_space<vmem_shared>> -> memref<10240xf32, #tpu.memory_space<vmem_shared>>
      tpu.enqueue_indirect_dma source(%dma_start3A_186 : memref<80xf32, #tpu.memory_space<vmem>>) target(%dma_start3A_191 : memref<10240xf32, #tpu.memory_space<vmem_shared>>) offsets(%dma_start3A_189 : memref<80xi32, #tpu.memory_space<vmem>>) semaphore(%arg14 : memref<!tpu.dma_semaphore, #tpu.memory_space<semaphore_mem>>) {add = true}
      %ge3A_192 = arith.constant 1 : i32
      %ge3A_193 = arith.cmpi sge, %add3A_166, %ge3A_192 : i32
      %convert_element_type3A_194 = arith.extui %ge3A_193 : i1 to i32
      %cond3A_195 = arith.constant 0 : i32
      %cond3A_196 = arith.cmpi ne, %convert_element_type3A_194, %cond3A_195 : i32
      scf.if %cond3A_196 {
        %dma_wait3A_335 = arith.constant 0 : i32
        %dma_wait3A_336 = arith.constant 0 : i32
        %dma_wait3A_337 = arith.constant 0 : i32
        %dma_wait3A_338 = tpu.memref_slice %arg6[%dma_wait3A_335, %dma_wait3A_337] : memref<1x80xf32, #tpu.memory_space<vmem>> -> memref<1x80xf32, #tpu.memory_space<vmem>>
        %dma_wait3A_339 = tpu.memref_squeeze %dma_wait3A_338 : memref<1x80xf32, #tpu.memory_space<vmem>> -> memref<80xf32, #tpu.memory_space<vmem>>
        %dma_wait3A_340 = arith.constant 0 : i32
        %dma_wait3A_341 = tpu.memref_slice %arg5[%dma_wait3A_336, %dma_wait3A_340] : memref<5x80xi32, #tpu.memory_space<vmem>> -> memref<1x80xi32, #tpu.memory_space<vmem>>
        %dma_wait3A_342 = tpu.memref_squeeze %dma_wait3A_341 : memref<1x80xi32, #tpu.memory_space<vmem>> -> memref<80xi32, #tpu.memory_space<vmem>>
        %dma_wait3A_343 = arith.constant 0 : i32
        %dma_wait3A_344 = tpu.memref_slice %arg7[%dma_wait3A_343] : memref<10240xf32, #tpu.memory_space<vmem_shared>> -> memref<10240xf32, #tpu.memory_space<vmem_shared>>
        tpu.wait_indirect_dma semaphore(%arg13 : memref<!tpu.dma_semaphore, #tpu.memory_space<semaphore_mem>>) src(%dma_wait3A_339 : memref<80xf32, #tpu.memory_space<vmem>>) dst(%dma_wait3A_344 : memref<10240xf32, #tpu.memory_space<vmem_shared>>)
      } else {
      }
      %add3A_197 = arith.constant 5 : i32
      %add3A_198 = arith.addi %add3A_166, %add3A_197 : i32
      %sub3A_199 = arith.constant 1 : i32
      %sub3A_200 = arith.subi %add3A_198, %sub3A_199 : i32
      %lt3A_201 = arith.constant 125 : i32
      %lt3A_202 = arith.cmpi slt, %sub3A_200, %lt3A_201 : i32
      %convert_element_type3A_203 = arith.extui %lt3A_202 : i1 to i32
      %cond3A_204 = arith.constant 0 : i32
      %cond3A_205 = arith.cmpi ne, %convert_element_type3A_203, %cond3A_204 : i32
      scf.if %cond3A_205 {
        %add3A_335 = arith.constant 5 : i32
        %add3A_336 = arith.addi %add3A_166, %add3A_335 : i32
        %sub3A_337 = arith.constant 1 : i32
        %sub3A_338 = arith.subi %add3A_336, %sub3A_337 : i32
        %add3A_339 = arith.addi %mul3A_2, %sub3A_338 : i32
        %dma_start3A_340 = arith.constant 1 : i32
        %dma_start3A_341 = arith.constant 0 : i32
        %dma_start3A_342 = arith.constant 0 : i32
        %dma_start3A_343 = tpu.memref_slice %arg5[%dma_start3A_341, %dma_start3A_342] : memref<5x80xi32, #tpu.memory_space<vmem>> -> memref<1x80xi32, #tpu.memory_space<vmem>>
        %dma_start3A_344 = tpu.memref_squeeze %dma_start3A_343 : memref<1x80xi32, #tpu.memory_space<vmem>> -> memref<80xi32, #tpu.memory_space<vmem>>
        %dma_start3A_345 = arith.constant 0 : i32
        %dma_start3A_346 = tpu.memref_slice %arg2[%add3A_339, %dma_start3A_340, %dma_start3A_345] : memref<4000x2x80xi32, #tpu.memory_space<hbm>> -> memref<1x1x80xi32, #tpu.memory_space<hbm>>
        %dma_start3A_347 = tpu.memref_squeeze %dma_start3A_346 : memref<1x1x80xi32, #tpu.memory_space<hbm>> -> memref<80xi32, #tpu.memory_space<hbm>>
        %dma_start3A_348 = arith.constant 0 : i32
        %dma_start3A_349 = tpu.memref_slice %arg5[%dma_start3A_341, %dma_start3A_348] : memref<5x80xi32, #tpu.memory_space<vmem>> -> memref<1x80xi32, #tpu.memory_space<vmem>>
        %dma_start3A_350 = tpu.memref_squeeze %dma_start3A_349 : memref<1x80xi32, #tpu.memory_space<vmem>> -> memref<80xi32, #tpu.memory_space<vmem>>
        %dma_start3A_351 = arith.constant 0 : i32
        %dma_start3A_352 = tpu.memref_slice %arg2[%add3A_339, %dma_start3A_340, %dma_start3A_351] : memref<4000x2x80xi32, #tpu.memory_space<hbm>> -> memref<1x1x80xi32, #tpu.memory_space<hbm>>
        %dma_start3A_353 = tpu.memref_squeeze %dma_start3A_352 : memref<1x1x80xi32, #tpu.memory_space<hbm>> -> memref<80xi32, #tpu.memory_space<hbm>>
        tpu.enqueue_dma source(%dma_start3A_353 : memref<80xi32, #tpu.memory_space<hbm>>) target(%dma_start3A_350 : memref<80xi32, #tpu.memory_space<vmem>>) target_semaphore(%arg8 : memref<!tpu.dma_semaphore, #tpu.memory_space<semaphore_mem>>)
      } else {
      }
      %mul3A_206 = arith.constant 5 : i32
      %mul3A_207 = arith.muli %mul3A_206, %scan3A_124 : i32
      %add3A_208 = arith.constant 2 : i32
      %add3A_209 = arith.addi %mul3A_207, %add3A_208 : i32
      %add3A_210 = arith.addi %mul3A_2, %add3A_209 : i32
      %dma_wait3A_211 = arith.constant 1 : i32
      %dma_wait3A_212 = arith.constant 2 : i32
      %dma_wait3A_213 = arith.constant 0 : i32
      %dma_wait3A_214 = tpu.memref_slice %arg5[%dma_wait3A_212, %dma_wait3A_213] : memref<5x80xi32, #tpu.memory_space<vmem>> -> memref<1x80xi32, #tpu.memory_space<vmem>>
      %dma_wait3A_215 = tpu.memref_squeeze %dma_wait3A_214 : memref<1x80xi32, #tpu.memory_space<vmem>> -> memref<80xi32, #tpu.memory_space<vmem>>
      %dma_wait3A_216 = arith.constant 0 : i32
      %dma_wait3A_217 = tpu.memref_slice %arg2[%add3A_210, %dma_wait3A_211, %dma_wait3A_216] : memref<4000x2x80xi32, #tpu.memory_space<hbm>> -> memref<1x1x80xi32, #tpu.memory_space<hbm>>
      %dma_wait3A_218 = tpu.memref_squeeze %dma_wait3A_217 : memref<1x1x80xi32, #tpu.memory_space<hbm>> -> memref<80xi32, #tpu.memory_space<hbm>>
      %dma_wait3A_219 = arith.constant 0 : i32
      %dma_wait3A_220 = tpu.memref_slice %arg5[%dma_wait3A_212, %dma_wait3A_219] : memref<5x80xi32, #tpu.memory_space<vmem>> -> memref<1x80xi32, #tpu.memory_space<vmem>>
      %dma_wait3A_221 = tpu.memref_squeeze %dma_wait3A_220 : memref<1x80xi32, #tpu.memory_space<vmem>> -> memref<80xi32, #tpu.memory_space<vmem>>
      %dma_wait3A_222 = arith.constant 0 : i32
      %dma_wait3A_223 = tpu.memref_slice %arg2[%add3A_210, %dma_wait3A_211, %dma_wait3A_222] : memref<4000x2x80xi32, #tpu.memory_space<hbm>> -> memref<1x1x80xi32, #tpu.memory_space<hbm>>
      %dma_wait3A_224 = tpu.memref_squeeze %dma_wait3A_223 : memref<1x1x80xi32, #tpu.memory_space<hbm>> -> memref<80xi32, #tpu.memory_space<hbm>>
      tpu.wait_dma2 semaphore(%arg10 : memref<!tpu.dma_semaphore, #tpu.memory_space<semaphore_mem>>) src(%dma_wait3A_224 : memref<80xi32, #tpu.memory_space<hbm>>) dst(%dma_wait3A_221 : memref<80xi32, #tpu.memory_space<vmem>>)
      %dma_start3A_225 = arith.constant 0 : i32
      %dma_start3A_226 = arith.constant 2 : i32
      %dma_start3A_227 = arith.constant 0 : i32
      %dma_start3A_228 = tpu.memref_slice %arg6[%dma_start3A_225, %dma_start3A_227] : memref<1x80xf32, #tpu.memory_space<vmem>> -> memref<1x80xf32, #tpu.memory_space<vmem>>
      %dma_start3A_229 = tpu.memref_squeeze %dma_start3A_228 : memref<1x80xf32, #tpu.memory_space<vmem>> -> memref<80xf32, #tpu.memory_space<vmem>>
      %dma_start3A_230 = arith.constant 0 : i32
      %dma_start3A_231 = tpu.memref_slice %arg5[%dma_start3A_226, %dma_start3A_230] : memref<5x80xi32, #tpu.memory_space<vmem>> -> memref<1x80xi32, #tpu.memory_space<vmem>>
      %dma_start3A_232 = tpu.memref_squeeze %dma_start3A_231 : memref<1x80xi32, #tpu.memory_space<vmem>> -> memref<80xi32, #tpu.memory_space<vmem>>
      %dma_start3A_233 = arith.constant 0 : i32
      %dma_start3A_234 = tpu.memref_slice %arg7[%dma_start3A_233] : memref<10240xf32, #tpu.memory_space<vmem_shared>> -> memref<10240xf32, #tpu.memory_space<vmem_shared>>
      tpu.enqueue_indirect_dma source(%dma_start3A_229 : memref<80xf32, #tpu.memory_space<vmem>>) target(%dma_start3A_234 : memref<10240xf32, #tpu.memory_space<vmem_shared>>) offsets(%dma_start3A_232 : memref<80xi32, #tpu.memory_space<vmem>>) semaphore(%arg15 : memref<!tpu.dma_semaphore, #tpu.memory_space<semaphore_mem>>) {add = true}
      %ge3A_235 = arith.constant 1 : i32
      %ge3A_236 = arith.cmpi sge, %add3A_209, %ge3A_235 : i32
      %convert_element_type3A_237 = arith.extui %ge3A_236 : i1 to i32
      %cond3A_238 = arith.constant 0 : i32
      %cond3A_239 = arith.cmpi ne, %convert_element_type3A_237, %cond3A_238 : i32
      scf.if %cond3A_239 {
        %dma_wait3A_335 = arith.constant 0 : i32
        %dma_wait3A_336 = arith.constant 1 : i32
        %dma_wait3A_337 = arith.constant 0 : i32
        %dma_wait3A_338 = tpu.memref_slice %arg6[%dma_wait3A_335, %dma_wait3A_337] : memref<1x80xf32, #tpu.memory_space<vmem>> -> memref<1x80xf32, #tpu.memory_space<vmem>>
        %dma_wait3A_339 = tpu.memref_squeeze %dma_wait3A_338 : memref<1x80xf32, #tpu.memory_space<vmem>> -> memref<80xf32, #tpu.memory_space<vmem>>
        %dma_wait3A_340 = arith.constant 0 : i32
        %dma_wait3A_341 = tpu.memref_slice %arg5[%dma_wait3A_336, %dma_wait3A_340] : memref<5x80xi32, #tpu.memory_space<vmem>> -> memref<1x80xi32, #tpu.memory_space<vmem>>
        %dma_wait3A_342 = tpu.memref_squeeze %dma_wait3A_341 : memref<1x80xi32, #tpu.memory_space<vmem>> -> memref<80xi32, #tpu.memory_space<vmem>>
        %dma_wait3A_343 = arith.constant 0 : i32
        %dma_wait3A_344 = tpu.memref_slice %arg7[%dma_wait3A_343] : memref<10240xf32, #tpu.memory_space<vmem_shared>> -> memref<10240xf32, #tpu.memory_space<vmem_shared>>
        tpu.wait_indirect_dma semaphore(%arg14 : memref<!tpu.dma_semaphore, #tpu.memory_space<semaphore_mem>>) src(%dma_wait3A_339 : memref<80xf32, #tpu.memory_space<vmem>>) dst(%dma_wait3A_344 : memref<10240xf32, #tpu.memory_space<vmem_shared>>)
      } else {
      }
      %add3A_240 = arith.constant 5 : i32
      %add3A_241 = arith.addi %add3A_209, %add3A_240 : i32
      %sub3A_242 = arith.constant 1 : i32
      %sub3A_243 = arith.subi %add3A_241, %sub3A_242 : i32
      %lt3A_244 = arith.constant 125 : i32
      %lt3A_245 = arith.cmpi slt, %sub3A_243, %lt3A_244 : i32
      %convert_element_type3A_246 = arith.extui %lt3A_245 : i1 to i32
      %cond3A_247 = arith.constant 0 : i32
      %cond3A_248 = arith.cmpi ne, %convert_element_type3A_246, %cond3A_247 : i32
      scf.if %cond3A_248 {
        %add3A_335 = arith.constant 5 : i32
        %add3A_336 = arith.addi %add3A_209, %add3A_335 : i32
        %sub3A_337 = arith.constant 1 : i32
        %sub3A_338 = arith.subi %add3A_336, %sub3A_337 : i32
        %add3A_339 = arith.addi %mul3A_2, %sub3A_338 : i32
        %dma_start3A_340 = arith.constant 1 : i32
        %dma_start3A_341 = arith.constant 1 : i32
        %dma_start3A_342 = arith.constant 0 : i32
        %dma_start3A_343 = tpu.memref_slice %arg5[%dma_start3A_341, %dma_start3A_342] : memref<5x80xi32, #tpu.memory_space<vmem>> -> memref<1x80xi32, #tpu.memory_space<vmem>>
        %dma_start3A_344 = tpu.memref_squeeze %dma_start3A_343 : memref<1x80xi32, #tpu.memory_space<vmem>> -> memref<80xi32, #tpu.memory_space<vmem>>
        %dma_start3A_345 = arith.constant 0 : i32
        %dma_start3A_346 = tpu.memref_slice %arg2[%add3A_339, %dma_start3A_340, %dma_start3A_345] : memref<4000x2x80xi32, #tpu.memory_space<hbm>> -> memref<1x1x80xi32, #tpu.memory_space<hbm>>
        %dma_start3A_347 = tpu.memref_squeeze %dma_start3A_346 : memref<1x1x80xi32, #tpu.memory_space<hbm>> -> memref<80xi32, #tpu.memory_space<hbm>>
        %dma_start3A_348 = arith.constant 0 : i32
        %dma_start3A_349 = tpu.memref_slice %arg5[%dma_start3A_341, %dma_start3A_348] : memref<5x80xi32, #tpu.memory_space<vmem>> -> memref<1x80xi32, #tpu.memory_space<vmem>>
        %dma_start3A_350 = tpu.memref_squeeze %dma_start3A_349 : memref<1x80xi32, #tpu.memory_space<vmem>> -> memref<80xi32, #tpu.memory_space<vmem>>
        %dma_start3A_351 = arith.constant 0 : i32
        %dma_start3A_352 = tpu.memref_slice %arg2[%add3A_339, %dma_start3A_340, %dma_start3A_351] : memref<4000x2x80xi32, #tpu.memory_space<hbm>> -> memref<1x1x80xi32, #tpu.memory_space<hbm>>
        %dma_start3A_353 = tpu.memref_squeeze %dma_start3A_352 : memref<1x1x80xi32, #tpu.memory_space<hbm>> -> memref<80xi32, #tpu.memory_space<hbm>>
        tpu.enqueue_dma source(%dma_start3A_353 : memref<80xi32, #tpu.memory_space<hbm>>) target(%dma_start3A_350 : memref<80xi32, #tpu.memory_space<vmem>>) target_semaphore(%arg9 : memref<!tpu.dma_semaphore, #tpu.memory_space<semaphore_mem>>)
      } else {
      }
      %mul3A_249 = arith.constant 5 : i32
      %mul3A_250 = arith.muli %mul3A_249, %scan3A_124 : i32
      %add3A_251 = arith.constant 3 : i32
      %add3A_252 = arith.addi %mul3A_250, %add3A_251 : i32
      %add3A_253 = arith.addi %mul3A_2, %add3A_252 : i32
      %dma_wait3A_254 = arith.constant 1 : i32
      %dma_wait3A_255 = arith.constant 3 : i32
      %dma_wait3A_256 = arith.constant 0 : i32
      %dma_wait3A_257 = tpu.memref_slice %arg5[%dma_wait3A_255, %dma_wait3A_256] : memref<5x80xi32, #tpu.memory_space<vmem>> -> memref<1x80xi32, #tpu.memory_space<vmem>>
      %dma_wait3A_258 = tpu.memref_squeeze %dma_wait3A_257 : memref<1x80xi32, #tpu.memory_space<vmem>> -> memref<80xi32, #tpu.memory_space<vmem>>
      %dma_wait3A_259 = arith.constant 0 : i32
      %dma_wait3A_260 = tpu.memref_slice %arg2[%add3A_253, %dma_wait3A_254, %dma_wait3A_259] : memref<4000x2x80xi32, #tpu.memory_space<hbm>> -> memref<1x1x80xi32, #tpu.memory_space<hbm>>
      %dma_wait3A_261 = tpu.memref_squeeze %dma_wait3A_260 : memref<1x1x80xi32, #tpu.memory_space<hbm>> -> memref<80xi32, #tpu.memory_space<hbm>>
      %dma_wait3A_262 = arith.constant 0 : i32
      %dma_wait3A_263 = tpu.memref_slice %arg5[%dma_wait3A_255, %dma_wait3A_262] : memref<5x80xi32, #tpu.memory_space<vmem>> -> memref<1x80xi32, #tpu.memory_space<vmem>>
      %dma_wait3A_264 = tpu.memref_squeeze %dma_wait3A_263 : memref<1x80xi32, #tpu.memory_space<vmem>> -> memref<80xi32, #tpu.memory_space<vmem>>
      %dma_wait3A_265 = arith.constant 0 : i32
      %dma_wait3A_266 = tpu.memref_slice %arg2[%add3A_253, %dma_wait3A_254, %dma_wait3A_265] : memref<4000x2x80xi32, #tpu.memory_space<hbm>> -> memref<1x1x80xi32, #tpu.memory_space<hbm>>
      %dma_wait3A_267 = tpu.memref_squeeze %dma_wait3A_266 : memref<1x1x80xi32, #tpu.memory_space<hbm>> -> memref<80xi32, #tpu.memory_space<hbm>>
      tpu.wait_dma2 semaphore(%arg11 : memref<!tpu.dma_semaphore, #tpu.memory_space<semaphore_mem>>) src(%dma_wait3A_267 : memref<80xi32, #tpu.memory_space<hbm>>) dst(%dma_wait3A_264 : memref<80xi32, #tpu.memory_space<vmem>>)
      %dma_start3A_268 = arith.constant 0 : i32
      %dma_start3A_269 = arith.constant 3 : i32
      %dma_start3A_270 = arith.constant 0 : i32
      %dma_start3A_271 = tpu.memref_slice %arg6[%dma_start3A_268, %dma_start3A_270] : memref<1x80xf32, #tpu.memory_space<vmem>> -> memref<1x80xf32, #tpu.memory_space<vmem>>
      %dma_start3A_272 = tpu.memref_squeeze %dma_start3A_271 : memref<1x80xf32, #tpu.memory_space<vmem>> -> memref<80xf32, #tpu.memory_space<vmem>>
      %dma_start3A_273 = arith.constant 0 : i32
      %dma_start3A_274 = tpu.memref_slice %arg5[%dma_start3A_269, %dma_start3A_273] : memref<5x80xi32, #tpu.memory_space<vmem>> -> memref<1x80xi32, #tpu.memory_space<vmem>>
      %dma_start3A_275 = tpu.memref_squeeze %dma_start3A_274 : memref<1x80xi32, #tpu.memory_space<vmem>> -> memref<80xi32, #tpu.memory_space<vmem>>
      %dma_start3A_276 = arith.constant 0 : i32
      %dma_start3A_277 = tpu.memref_slice %arg7[%dma_start3A_276] : memref<10240xf32, #tpu.memory_space<vmem_shared>> -> memref<10240xf32, #tpu.memory_space<vmem_shared>>
      tpu.enqueue_indirect_dma source(%dma_start3A_272 : memref<80xf32, #tpu.memory_space<vmem>>) target(%dma_start3A_277 : memref<10240xf32, #tpu.memory_space<vmem_shared>>) offsets(%dma_start3A_275 : memref<80xi32, #tpu.memory_space<vmem>>) semaphore(%arg16 : memref<!tpu.dma_semaphore, #tpu.memory_space<semaphore_mem>>) {add = true}
      %ge3A_278 = arith.constant 1 : i32
      %ge3A_279 = arith.cmpi sge, %add3A_252, %ge3A_278 : i32
      %convert_element_type3A_280 = arith.extui %ge3A_279 : i1 to i32
      %cond3A_281 = arith.constant 0 : i32
      %cond3A_282 = arith.cmpi ne, %convert_element_type3A_280, %cond3A_281 : i32
      scf.if %cond3A_282 {
        %dma_wait3A_335 = arith.constant 0 : i32
        %dma_wait3A_336 = arith.constant 2 : i32
        %dma_wait3A_337 = arith.constant 0 : i32
        %dma_wait3A_338 = tpu.memref_slice %arg6[%dma_wait3A_335, %dma_wait3A_337] : memref<1x80xf32, #tpu.memory_space<vmem>> -> memref<1x80xf32, #tpu.memory_space<vmem>>
        %dma_wait3A_339 = tpu.memref_squeeze %dma_wait3A_338 : memref<1x80xf32, #tpu.memory_space<vmem>> -> memref<80xf32, #tpu.memory_space<vmem>>
        %dma_wait3A_340 = arith.constant 0 : i32
        %dma_wait3A_341 = tpu.memref_slice %arg5[%dma_wait3A_336, %dma_wait3A_340] : memref<5x80xi32, #tpu.memory_space<vmem>> -> memref<1x80xi32, #tpu.memory_space<vmem>>
        %dma_wait3A_342 = tpu.memref_squeeze %dma_wait3A_341 : memref<1x80xi32, #tpu.memory_space<vmem>> -> memref<80xi32, #tpu.memory_space<vmem>>
        %dma_wait3A_343 = arith.constant 0 : i32
        %dma_wait3A_344 = tpu.memref_slice %arg7[%dma_wait3A_343] : memref<10240xf32, #tpu.memory_space<vmem_shared>> -> memref<10240xf32, #tpu.memory_space<vmem_shared>>
        tpu.wait_indirect_dma semaphore(%arg15 : memref<!tpu.dma_semaphore, #tpu.memory_space<semaphore_mem>>) src(%dma_wait3A_339 : memref<80xf32, #tpu.memory_space<vmem>>) dst(%dma_wait3A_344 : memref<10240xf32, #tpu.memory_space<vmem_shared>>)
      } else {
      }
      %add3A_283 = arith.constant 5 : i32
      %add3A_284 = arith.addi %add3A_252, %add3A_283 : i32
      %sub3A_285 = arith.constant 1 : i32
      %sub3A_286 = arith.subi %add3A_284, %sub3A_285 : i32
      %lt3A_287 = arith.constant 125 : i32
      %lt3A_288 = arith.cmpi slt, %sub3A_286, %lt3A_287 : i32
      %convert_element_type3A_289 = arith.extui %lt3A_288 : i1 to i32
      %cond3A_290 = arith.constant 0 : i32
      %cond3A_291 = arith.cmpi ne, %convert_element_type3A_289, %cond3A_290 : i32
      scf.if %cond3A_291 {
        %add3A_335 = arith.constant 5 : i32
        %add3A_336 = arith.addi %add3A_252, %add3A_335 : i32
        %sub3A_337 = arith.constant 1 : i32
        %sub3A_338 = arith.subi %add3A_336, %sub3A_337 : i32
        %add3A_339 = arith.addi %mul3A_2, %sub3A_338 : i32
        %dma_start3A_340 = arith.constant 1 : i32
        %dma_start3A_341 = arith.constant 2 : i32
        %dma_start3A_342 = arith.constant 0 : i32
        %dma_start3A_343 = tpu.memref_slice %arg5[%dma_start3A_341, %dma_start3A_342] : memref<5x80xi32, #tpu.memory_space<vmem>> -> memref<1x80xi32, #tpu.memory_space<vmem>>
        %dma_start3A_344 = tpu.memref_squeeze %dma_start3A_343 : memref<1x80xi32, #tpu.memory_space<vmem>> -> memref<80xi32, #tpu.memory_space<vmem>>
        %dma_start3A_345 = arith.constant 0 : i32
        %dma_start3A_346 = tpu.memref_slice %arg2[%add3A_339, %dma_start3A_340, %dma_start3A_345] : memref<4000x2x80xi32, #tpu.memory_space<hbm>> -> memref<1x1x80xi32, #tpu.memory_space<hbm>>
        %dma_start3A_347 = tpu.memref_squeeze %dma_start3A_346 : memref<1x1x80xi32, #tpu.memory_space<hbm>> -> memref<80xi32, #tpu.memory_space<hbm>>
        %dma_start3A_348 = arith.constant 0 : i32
        %dma_start3A_349 = tpu.memref_slice %arg5[%dma_start3A_341, %dma_start3A_348] : memref<5x80xi32, #tpu.memory_space<vmem>> -> memref<1x80xi32, #tpu.memory_space<vmem>>
        %dma_start3A_350 = tpu.memref_squeeze %dma_start3A_349 : memref<1x80xi32, #tpu.memory_space<vmem>> -> memref<80xi32, #tpu.memory_space<vmem>>
        %dma_start3A_351 = arith.constant 0 : i32
        %dma_start3A_352 = tpu.memref_slice %arg2[%add3A_339, %dma_start3A_340, %dma_start3A_351] : memref<4000x2x80xi32, #tpu.memory_space<hbm>> -> memref<1x1x80xi32, #tpu.memory_space<hbm>>
        %dma_start3A_353 = tpu.memref_squeeze %dma_start3A_352 : memref<1x1x80xi32, #tpu.memory_space<hbm>> -> memref<80xi32, #tpu.memory_space<hbm>>
        tpu.enqueue_dma source(%dma_start3A_353 : memref<80xi32, #tpu.memory_space<hbm>>) target(%dma_start3A_350 : memref<80xi32, #tpu.memory_space<vmem>>) target_semaphore(%arg10 : memref<!tpu.dma_semaphore, #tpu.memory_space<semaphore_mem>>)
      } else {
      }
      %mul3A_292 = arith.constant 5 : i32
      %mul3A_293 = arith.muli %mul3A_292, %scan3A_124 : i32
      %add3A_294 = arith.constant 4 : i32
      %add3A_295 = arith.addi %mul3A_293, %add3A_294 : i32
      %add3A_296 = arith.addi %mul3A_2, %add3A_295 : i32
      %dma_wait3A_297 = arith.constant 1 : i32
      %dma_wait3A_298 = arith.constant 4 : i32
      %dma_wait3A_299 = arith.constant 0 : i32
      %dma_wait3A_300 = tpu.memref_slice %arg5[%dma_wait3A_298, %dma_wait3A_299] : memref<5x80xi32, #tpu.memory_space<vmem>> -> memref<1x80xi32, #tpu.memory_space<vmem>>
      %dma_wait3A_301 = tpu.memref_squeeze %dma_wait3A_300 : memref<1x80xi32, #tpu.memory_space<vmem>> -> memref<80xi32, #tpu.memory_space<vmem>>
      %dma_wait3A_302 = arith.constant 0 : i32
      %dma_wait3A_303 = tpu.memref_slice %arg2[%add3A_296, %dma_wait3A_297, %dma_wait3A_302] : memref<4000x2x80xi32, #tpu.memory_space<hbm>> -> memref<1x1x80xi32, #tpu.memory_space<hbm>>
      %dma_wait3A_304 = tpu.memref_squeeze %dma_wait3A_303 : memref<1x1x80xi32, #tpu.memory_space<hbm>> -> memref<80xi32, #tpu.memory_space<hbm>>
      %dma_wait3A_305 = arith.constant 0 : i32
      %dma_wait3A_306 = tpu.memref_slice %arg5[%dma_wait3A_298, %dma_wait3A_305] : memref<5x80xi32, #tpu.memory_space<vmem>> -> memref<1x80xi32, #tpu.memory_space<vmem>>
      %dma_wait3A_307 = tpu.memref_squeeze %dma_wait3A_306 : memref<1x80xi32, #tpu.memory_space<vmem>> -> memref<80xi32, #tpu.memory_space<vmem>>
      %dma_wait3A_308 = arith.constant 0 : i32
      %dma_wait3A_309 = tpu.memref_slice %arg2[%add3A_296, %dma_wait3A_297, %dma_wait3A_308] : memref<4000x2x80xi32, #tpu.memory_space<hbm>> -> memref<1x1x80xi32, #tpu.memory_space<hbm>>
      %dma_wait3A_310 = tpu.memref_squeeze %dma_wait3A_309 : memref<1x1x80xi32, #tpu.memory_space<hbm>> -> memref<80xi32, #tpu.memory_space<hbm>>
      tpu.wait_dma2 semaphore(%arg12 : memref<!tpu.dma_semaphore, #tpu.memory_space<semaphore_mem>>) src(%dma_wait3A_310 : memref<80xi32, #tpu.memory_space<hbm>>) dst(%dma_wait3A_307 : memref<80xi32, #tpu.memory_space<vmem>>)
      %dma_start3A_311 = arith.constant 0 : i32
      %dma_start3A_312 = arith.constant 4 : i32
      %dma_start3A_313 = arith.constant 0 : i32
      %dma_start3A_314 = tpu.memref_slice %arg6[%dma_start3A_311, %dma_start3A_313] : memref<1x80xf32, #tpu.memory_space<vmem>> -> memref<1x80xf32, #tpu.memory_space<vmem>>
      %dma_start3A_315 = tpu.memref_squeeze %dma_start3A_314 : memref<1x80xf32, #tpu.memory_space<vmem>> -> memref<80xf32, #tpu.memory_space<vmem>>
      %dma_start3A_316 = arith.constant 0 : i32
      %dma_start3A_317 = tpu.memref_slice %arg5[%dma_start3A_312, %dma_start3A_316] : memref<5x80xi32, #tpu.memory_space<vmem>> -> memref<1x80xi32, #tpu.memory_space<vmem>>
      %dma_start3A_318 = tpu.memref_squeeze %dma_start3A_317 : memref<1x80xi32, #tpu.memory_space<vmem>> -> memref<80xi32, #tpu.memory_space<vmem>>
      %dma_start3A_319 = arith.constant 0 : i32
      %dma_start3A_320 = tpu.memref_slice %arg7[%dma_start3A_319] : memref<10240xf32, #tpu.memory_space<vmem_shared>> -> memref<10240xf32, #tpu.memory_space<vmem_shared>>
      tpu.enqueue_indirect_dma source(%dma_start3A_315 : memref<80xf32, #tpu.memory_space<vmem>>) target(%dma_start3A_320 : memref<10240xf32, #tpu.memory_space<vmem_shared>>) offsets(%dma_start3A_318 : memref<80xi32, #tpu.memory_space<vmem>>) semaphore(%arg17 : memref<!tpu.dma_semaphore, #tpu.memory_space<semaphore_mem>>) {add = true}
      %ge3A_321 = arith.constant 1 : i32
      %ge3A_322 = arith.cmpi sge, %add3A_295, %ge3A_321 : i32
      %convert_element_type3A_323 = arith.extui %ge3A_322 : i1 to i32
      %cond3A_324 = arith.constant 0 : i32
      %cond3A_325 = arith.cmpi ne, %convert_element_type3A_323, %cond3A_324 : i32
      scf.if %cond3A_325 {
        %dma_wait3A_335 = arith.constant 0 : i32
        %dma_wait3A_336 = arith.constant 3 : i32
        %dma_wait3A_337 = arith.constant 0 : i32
        %dma_wait3A_338 = tpu.memref_slice %arg6[%dma_wait3A_335, %dma_wait3A_337] : memref<1x80xf32, #tpu.memory_space<vmem>> -> memref<1x80xf32, #tpu.memory_space<vmem>>
        %dma_wait3A_339 = tpu.memref_squeeze %dma_wait3A_338 : memref<1x80xf32, #tpu.memory_space<vmem>> -> memref<80xf32, #tpu.memory_space<vmem>>
        %dma_wait3A_340 = arith.constant 0 : i32
        %dma_wait3A_341 = tpu.memref_slice %arg5[%dma_wait3A_336, %dma_wait3A_340] : memref<5x80xi32, #tpu.memory_space<vmem>> -> memref<1x80xi32, #tpu.memory_space<vmem>>
        %dma_wait3A_342 = tpu.memref_squeeze %dma_wait3A_341 : memref<1x80xi32, #tpu.memory_space<vmem>> -> memref<80xi32, #tpu.memory_space<vmem>>
        %dma_wait3A_343 = arith.constant 0 : i32
        %dma_wait3A_344 = tpu.memref_slice %arg7[%dma_wait3A_343] : memref<10240xf32, #tpu.memory_space<vmem_shared>> -> memref<10240xf32, #tpu.memory_space<vmem_shared>>
        tpu.wait_indirect_dma semaphore(%arg16 : memref<!tpu.dma_semaphore, #tpu.memory_space<semaphore_mem>>) src(%dma_wait3A_339 : memref<80xf32, #tpu.memory_space<vmem>>) dst(%dma_wait3A_344 : memref<10240xf32, #tpu.memory_space<vmem_shared>>)
      } else {
      }
      %add3A_326 = arith.constant 5 : i32
      %add3A_327 = arith.addi %add3A_295, %add3A_326 : i32
      %sub3A_328 = arith.constant 1 : i32
      %sub3A_329 = arith.subi %add3A_327, %sub3A_328 : i32
      %lt3A_330 = arith.constant 125 : i32
      %lt3A_331 = arith.cmpi slt, %sub3A_329, %lt3A_330 : i32
      %convert_element_type3A_332 = arith.extui %lt3A_331 : i1 to i32
      %cond3A_333 = arith.constant 0 : i32
      %cond3A_334 = arith.cmpi ne, %convert_element_type3A_332, %cond3A_333 : i32
      scf.if %cond3A_334 {
        %add3A_335 = arith.constant 5 : i32
        %add3A_336 = arith.addi %add3A_295, %add3A_335 : i32
        %sub3A_337 = arith.constant 1 : i32
        %sub3A_338 = arith.subi %add3A_336, %sub3A_337 : i32
        %add3A_339 = arith.addi %mul3A_2, %sub3A_338 : i32
        %dma_start3A_340 = arith.constant 1 : i32
        %dma_start3A_341 = arith.constant 3 : i32
        %dma_start3A_342 = arith.constant 0 : i32
        %dma_start3A_343 = tpu.memref_slice %arg5[%dma_start3A_341, %dma_start3A_342] : memref<5x80xi32, #tpu.memory_space<vmem>> -> memref<1x80xi32, #tpu.memory_space<vmem>>
        %dma_start3A_344 = tpu.memref_squeeze %dma_start3A_343 : memref<1x80xi32, #tpu.memory_space<vmem>> -> memref<80xi32, #tpu.memory_space<vmem>>
        %dma_start3A_345 = arith.constant 0 : i32
        %dma_start3A_346 = tpu.memref_slice %arg2[%add3A_339, %dma_start3A_340, %dma_start3A_345] : memref<4000x2x80xi32, #tpu.memory_space<hbm>> -> memref<1x1x80xi32, #tpu.memory_space<hbm>>
        %dma_start3A_347 = tpu.memref_squeeze %dma_start3A_346 : memref<1x1x80xi32, #tpu.memory_space<hbm>> -> memref<80xi32, #tpu.memory_space<hbm>>
        %dma_start3A_348 = arith.constant 0 : i32
        %dma_start3A_349 = tpu.memref_slice %arg5[%dma_start3A_341, %dma_start3A_348] : memref<5x80xi32, #tpu.memory_space<vmem>> -> memref<1x80xi32, #tpu.memory_space<vmem>>
        %dma_start3A_350 = tpu.memref_squeeze %dma_start3A_349 : memref<1x80xi32, #tpu.memory_space<vmem>> -> memref<80xi32, #tpu.memory_space<vmem>>
        %dma_start3A_351 = arith.constant 0 : i32
        %dma_start3A_352 = tpu.memref_slice %arg2[%add3A_339, %dma_start3A_340, %dma_start3A_351] : memref<4000x2x80xi32, #tpu.memory_space<hbm>> -> memref<1x1x80xi32, #tpu.memory_space<hbm>>
        %dma_start3A_353 = tpu.memref_squeeze %dma_start3A_352 : memref<1x1x80xi32, #tpu.memory_space<hbm>> -> memref<80xi32, #tpu.memory_space<hbm>>
        tpu.enqueue_dma source(%dma_start3A_353 : memref<80xi32, #tpu.memory_space<hbm>>) target(%dma_start3A_350 : memref<80xi32, #tpu.memory_space<vmem>>) target_semaphore(%arg11 : memref<!tpu.dma_semaphore, #tpu.memory_space<semaphore_mem>>)
      } else {
      }
    }
    %scan3A_109 = arith.constant 25 : i32
    %dma_wait3A = arith.constant 0 : i32
    %dma_wait3A_110 = arith.constant 4 : i32
    %dma_wait3A_111 = arith.constant 0 : i32
    %dma_wait3A_112 = tpu.memref_slice %arg6[%dma_wait3A, %dma_wait3A_111] : memref<1x80xf32, #tpu.memory_space<vmem>> -> memref<1x80xf32, #tpu.memory_space<vmem>>
    %dma_wait3A_113 = tpu.memref_squeeze %dma_wait3A_112 : memref<1x80xf32, #tpu.memory_space<vmem>> -> memref<80xf32, #tpu.memory_space<vmem>>
    %dma_wait3A_114 = arith.constant 0 : i32
    %dma_wait3A_115 = tpu.memref_slice %arg5[%dma_wait3A_110, %dma_wait3A_114] : memref<5x80xi32, #tpu.memory_space<vmem>> -> memref<1x80xi32, #tpu.memory_space<vmem>>
    %dma_wait3A_116 = tpu.memref_squeeze %dma_wait3A_115 : memref<1x80xi32, #tpu.memory_space<vmem>> -> memref<80xi32, #tpu.memory_space<vmem>>
    %dma_wait3A_117 = arith.constant 0 : i32
    %dma_wait3A_118 = tpu.memref_slice %arg7[%dma_wait3A_117] : memref<10240xf32, #tpu.memory_space<vmem_shared>> -> memref<10240xf32, #tpu.memory_space<vmem_shared>>
    tpu.wait_indirect_dma semaphore(%arg17 : memref<!tpu.dma_semaphore, #tpu.memory_space<semaphore_mem>>) src(%dma_wait3A_113 : memref<80xf32, #tpu.memory_space<vmem>>) dst(%dma_wait3A_118 : memref<10240xf32, #tpu.memory_space<vmem_shared>>)
    %barrier3A_119 = arith.constant 0 : index
    tpu.barrier barrier_id(%barrier3A_119)
    %mul3A_120 = arith.constant 640 : i32
    %mul3A_121 = arith.muli %arg1, %mul3A_120 : i32
    %mul3A_122 = arith.constant 640 : i32
    %mul3A_123 = arith.muli %arg1, %mul3A_122 : i32
    "tpu.region"() ({
      %run_scoped3A = tpu.sem_alloc : memref<!tpu.dma_semaphore, #tpu.memory_space<semaphore_mem>>
      %dma_start3A_124 = tpu.memref_slice %arg4[%arg0, %mul3A_123] : memref<2x10240xf32, #tpu.memory_space<hbm>> -> memref<1x640xf32, #tpu.memory_space<hbm>>
      %dma_start3A_125 = tpu.memref_squeeze %dma_start3A_124 : memref<1x640xf32, #tpu.memory_space<hbm>> -> memref<640xf32, #tpu.memory_space<hbm>>
      %dma_start3A_126 = tpu.memref_slice %arg7[%mul3A_121] : memref<10240xf32, #tpu.memory_space<vmem_shared>> -> memref<640xf32, #tpu.memory_space<vmem_shared>>
      tpu.enqueue_dma source(%dma_start3A_126 : memref<640xf32, #tpu.memory_space<vmem_shared>>) target(%dma_start3A_125 : memref<640xf32, #tpu.memory_space<hbm>>) target_semaphore(%run_scoped3A : memref<!tpu.dma_semaphore, #tpu.memory_space<semaphore_mem>>)
      %dma_wait3A_127 = tpu.memref_slice %arg4[%arg0, %mul3A_123] : memref<2x10240xf32, #tpu.memory_space<hbm>> -> memref<1x640xf32, #tpu.memory_space<hbm>>
      %dma_wait3A_128 = tpu.memref_squeeze %dma_wait3A_127 : memref<1x640xf32, #tpu.memory_space<hbm>> -> memref<640xf32, #tpu.memory_space<hbm>>
      %dma_wait3A_129 = tpu.memref_slice %arg7[%mul3A_121] : memref<10240xf32, #tpu.memory_space<vmem_shared>> -> memref<640xf32, #tpu.memory_space<vmem_shared>>
      tpu.wait_dma2 semaphore(%run_scoped3A : memref<!tpu.dma_semaphore, #tpu.memory_space<semaphore_mem>>) src(%dma_wait3A_129 : memref<640xf32, #tpu.memory_space<vmem_shared>>) dst(%dma_wait3A_128 : memref<640xf32, #tpu.memory_space<hbm>>)
      tpu.yield
    }) : () -> ()
    return
  }
}

module attributes {stable_mosaic.version = 14 : i64} {
  func.func @_prep_body(%arg0: memref<10000x128xf32, #tpu.memory_space<vmem>>, %arg1: memref<2x10240x1xf32, #tpu.memory_space<vmem>>, %arg2: memref<128x128xf32, #tpu.memory_space<vmem>>, %arg3: memref<10240x128xf32, #tpu.memory_space<vmem>>, %arg4: memref<10240x1xf32, #tpu.memory_space<vmem>>) attributes {dimension_semantics = [], scalar_prefetch = 0 : i64, scratch_operands = 0 : i64, tpu.core_type = #tpu.core_type<tc>} {
    %get3A = arith.constant 0 : index
    %get3A_0 = arith.constant 0 : index
    %get3A_1 = vector.load %arg0[%get3A, %get3A_0] : memref<10000x128xf32, #tpu.memory_space<vmem>>, vector<10000x128xf32>
    %reduce_sum3A = arith.constant dense<0.000000e+00> : vector<128xf32>
    %reduce_sum3A_2 = vector.multi_reduction <add>, %get3A_1, %reduce_sum3A [0] : vector<10000x128xf32> to vector<128xf32>
    %broadcast_in_dim3A = vector.shape_cast %reduce_sum3A_2 : vector<128xf32> to vector<1x128xf32>
    %div3A = arith.constant 1.000000e+04 : f32
    %div3A_3 = vector.broadcast %div3A : f32 to vector<1x128xf32>
    %div3A_4 = arith.divf %broadcast_in_dim3A, %div3A_3 : vector<1x128xf32>
    %mul3A = arith.mulf %get3A_1, %get3A_1 : vector<10000x128xf32>
    %reduce_sum3A_5 = arith.constant dense<0.000000e+00> : vector<128xf32>
    %reduce_sum3A_6 = vector.multi_reduction <add>, %mul3A, %reduce_sum3A_5 [0] : vector<10000x128xf32> to vector<128xf32>
    %broadcast_in_dim3A_7 = vector.shape_cast %reduce_sum3A_6 : vector<128xf32> to vector<1x128xf32>
    %div3A_8 = arith.constant 1.000000e+04 : f32
    %div3A_9 = vector.broadcast %div3A_8 : f32 to vector<1x128xf32>
    %div3A_10 = arith.divf %broadcast_in_dim3A_7, %div3A_9 : vector<1x128xf32>
    %mul3A_11 = arith.mulf %div3A_4, %div3A_4 : vector<1x128xf32>
    %sub3A = arith.subf %div3A_10, %mul3A_11 : vector<1x128xf32>
    %max3A = arith.constant 0.000000e+00 : f32
    %max3A_12 = vector.broadcast %max3A : f32 to vector<1x128xf32>
    %max3A_13 = arith.maximumf %sub3A, %max3A_12 : vector<1x128xf32>
    %sqrt3A = math.sqrt %max3A_13 : vector<1x128xf32>
    %eq3A = arith.constant 0.000000e+00 : f32
    %eq3A_14 = vector.broadcast %eq3A : f32 to vector<1x128xf32>
    %eq3A_15 = arith.cmpf oeq, %sqrt3A, %eq3A_14 : vector<1x128xf32>
    %jit3A = arith.constant 1.000000e+00 : f32
    %broadcast_in_dim3A_16 = vector.broadcast %jit3A : f32 to vector<1x128xf32>
    %select_n3A = arith.select %eq3A_15, %broadcast_in_dim3A_16, %sqrt3A : vector<1x128xi1>, vector<1x128xf32>
    %sub3A_17 = vector.broadcast %div3A_4 : vector<1x128xf32> to vector<10000x128xf32>
    %sub3A_18 = arith.subf %get3A_1, %sub3A_17 : vector<10000x128xf32>
    %div3A_19 = vector.broadcast %select_n3A : vector<1x128xf32> to vector<10000x128xf32>
    %div3A_20 = arith.divf %sub3A_18, %div3A_19 : vector<10000x128xf32>
    %broadcast_in_dim3A_21 = arith.constant 0.000000e+00 : f32
    %broadcast_in_dim3A_22 = vector.broadcast %broadcast_in_dim3A_21 : f32 to vector<240x128xf32>
    %concatenate3A = tpu.concatenate %div3A_20, %broadcast_in_dim3A_22 in 0 : vector<10000x128xf32>, vector<240x128xf32> -> vector<10240x128xf32>
    %get3A_23 = arith.constant 0 : index
    %get3A_24 = arith.constant 0 : index
    %get3A_25 = arith.constant 0 : index
    %get3A_26 = vector.load %arg1[%get3A_23, %get3A_24, %get3A_25] : memref<2x10240x1xf32, #tpu.memory_space<vmem>>, vector<1x10240x1xf32>
    %get3A_27 = vector.shape_cast %get3A_26 : vector<1x10240x1xf32> to vector<10240x1xf32>
    %get3A_28 = arith.constant 1 : index
    %get3A_29 = arith.constant 0 : index
    %get3A_30 = arith.constant 0 : index
    %get3A_31 = vector.load %arg1[%get3A_28, %get3A_29, %get3A_30] : memref<2x10240x1xf32, #tpu.memory_space<vmem>>, vector<1x10240x1xf32>
    %get3A_32 = vector.shape_cast %get3A_31 : vector<1x10240x1xf32> to vector<10240x1xf32>
    %add3A = arith.addf %get3A_27, %get3A_32 : vector<10240x1xf32>
    %add3A_33 = arith.constant 1.000000e+00 : f32
    %add3A_34 = vector.broadcast %add3A_33 : f32 to vector<10240x1xf32>
    %add3A_35 = arith.addf %add3A, %add3A_34 : vector<10240x1xf32>
    %rsqrt3A = math.rsqrt %add3A_35 : vector<10240x1xf32>
    %convert_element_type3A = arith.truncf %concatenate3A : vector<10240x128xf32> to vector<10240x128xbf16>
    %get3A_36 = arith.constant 0 : index
    %get3A_37 = arith.constant 0 : index
    %get3A_38 = vector.load %arg2[%get3A_36, %get3A_37] : memref<128x128xf32, #tpu.memory_space<vmem>>, vector<128x128xf32>
    %convert_element_type3A_39 = arith.truncf %get3A_38 : vector<128x128xf32> to vector<128x128xbf16>
    %dot_general3A = arith.constant dense<0.000000e+00> : vector<10240x128xf32>
    %dot_general3A_40 = tpu.matmul %convert_element_type3A, %convert_element_type3A_39, %dot_general3A {dimension_numbers = #tpu.dot_dimension_numbers<[1], [0], [0], [1], [0, 0, 1, 1], [], []>, transpose_lhs_hint = false} : vector<10240x128xbf16>, vector<128x128xbf16>, vector<10240x128xf32> -> vector<10240x128xf32>
    %mul3A_41 = vector.broadcast %rsqrt3A : vector<10240x1xf32> to vector<10240x128xf32>
    %mul3A_42 = arith.mulf %dot_general3A_40, %mul3A_41 : vector<10240x128xf32>
    %swap3A = arith.constant 0 : index
    %swap3A_43 = arith.constant 0 : index
    %swap3A_44 = vector.load %arg3[%swap3A, %swap3A_43] : memref<10240x128xf32, #tpu.memory_space<vmem>>, vector<10240x128xf32>
    tpu.vector_store %arg3[%swap3A, %swap3A_43], %mul3A_42 {strides = array<i32>} : memref<10240x128xf32, #tpu.memory_space<vmem>>, vector<10240x128xf32>,
    %swap3A_45 = arith.constant 0 : index
    %swap3A_46 = arith.constant 0 : index
    %swap3A_47 = vector.load %arg4[%swap3A_45, %swap3A_46] : memref<10240x1xf32, #tpu.memory_space<vmem>>, vector<10240x1xf32>
    tpu.vector_store %arg4[%swap3A_45, %swap3A_46], %rsqrt3A {strides = array<i32>} : memref<10240x1xf32, #tpu.memory_space<vmem>>, vector<10240x1xf32>,
    return
  }
}

module attributes {stable_mosaic.version = 14 : i64} {
  func.func @_mid_body(%arg0: memref<2x10240x128xf32, #tpu.memory_space<vmem>>, %arg1: memref<10240x128xf32, #tpu.memory_space<vmem>>, %arg2: memref<10240x1xf32, #tpu.memory_space<vmem>>, %arg3: memref<1x128xf32, #tpu.memory_space<vmem>>, %arg4: memref<128x128xf32, #tpu.memory_space<vmem>>, %arg5: memref<10240x128xf32, #tpu.memory_space<vmem>>) attributes {dimension_semantics = [], scalar_prefetch = 0 : i64, scratch_operands = 0 : i64, tpu.core_type = #tpu.core_type<tc>} {
    %get3A = arith.constant 0 : index
    %get3A_0 = arith.constant 0 : index
    %get3A_1 = arith.constant 0 : index
    %get3A_2 = vector.load %arg0[%get3A, %get3A_0, %get3A_1] : memref<2x10240x128xf32, #tpu.memory_space<vmem>>, vector<1x10240x128xf32>
    %get3A_3 = vector.shape_cast %get3A_2 : vector<1x10240x128xf32> to vector<10240x128xf32>
    %get3A_4 = arith.constant 1 : index
    %get3A_5 = arith.constant 0 : index
    %get3A_6 = arith.constant 0 : index
    %get3A_7 = vector.load %arg0[%get3A_4, %get3A_5, %get3A_6] : memref<2x10240x128xf32, #tpu.memory_space<vmem>>, vector<1x10240x128xf32>
    %get3A_8 = vector.shape_cast %get3A_7 : vector<1x10240x128xf32> to vector<10240x128xf32>
    %add3A = arith.addf %get3A_3, %get3A_8 : vector<10240x128xf32>
    %get3A_9 = arith.constant 0 : index
    %get3A_10 = arith.constant 0 : index
    %get3A_11 = vector.load %arg1[%get3A_9, %get3A_10] : memref<10240x128xf32, #tpu.memory_space<vmem>>, vector<10240x128xf32>
    %add3A_12 = arith.addf %add3A, %get3A_11 : vector<10240x128xf32>
    %get3A_13 = arith.constant 0 : index
    %get3A_14 = arith.constant 0 : index
    %get3A_15 = vector.load %arg2[%get3A_13, %get3A_14] : memref<10240x1xf32, #tpu.memory_space<vmem>>, vector<10240x1xf32>
    %mul3A = vector.broadcast %get3A_15 : vector<10240x1xf32> to vector<10240x128xf32>
    %mul3A_16 = arith.mulf %add3A_12, %mul3A : vector<10240x128xf32>
    %get3A_17 = arith.constant 0 : index
    %get3A_18 = arith.constant 0 : index
    %get3A_19 = vector.load %arg3[%get3A_17, %get3A_18] : memref<1x128xf32, #tpu.memory_space<vmem>>, vector<1x128xf32>
    %add3A_20 = vector.broadcast %get3A_19 : vector<1x128xf32> to vector<10240x128xf32>
    %add3A_21 = arith.addf %mul3A_16, %add3A_20 : vector<10240x128xf32>
    %max3A = arith.constant 0.000000e+00 : f32
    %max3A_22 = vector.broadcast %max3A : f32 to vector<10240x128xf32>
    %max3A_23 = arith.maximumf %add3A_21, %max3A_22 : vector<10240x128xf32>
    %convert_element_type3A = arith.truncf %max3A_23 : vector<10240x128xf32> to vector<10240x128xbf16>
    %get3A_24 = arith.constant 0 : index
    %get3A_25 = arith.constant 0 : index
    %get3A_26 = vector.load %arg4[%get3A_24, %get3A_25] : memref<128x128xf32, #tpu.memory_space<vmem>>, vector<128x128xf32>
    %convert_element_type3A_27 = arith.truncf %get3A_26 : vector<128x128xf32> to vector<128x128xbf16>
    %dot_general3A = arith.constant dense<0.000000e+00> : vector<10240x128xf32>
    %dot_general3A_28 = tpu.matmul %convert_element_type3A, %convert_element_type3A_27, %dot_general3A {dimension_numbers = #tpu.dot_dimension_numbers<[1], [0], [0], [1], [0, 0, 1, 1], [], []>, transpose_lhs_hint = false} : vector<10240x128xbf16>, vector<128x128xbf16>, vector<10240x128xf32> -> vector<10240x128xf32>
    %get3A_29 = arith.constant 0 : index
    %get3A_30 = arith.constant 0 : index
    %get3A_31 = vector.load %arg2[%get3A_29, %get3A_30] : memref<10240x1xf32, #tpu.memory_space<vmem>>, vector<10240x1xf32>
    %mul3A_32 = vector.broadcast %get3A_31 : vector<10240x1xf32> to vector<10240x128xf32>
    %mul3A_33 = arith.mulf %dot_general3A_28, %mul3A_32 : vector<10240x128xf32>
    %swap3A = arith.constant 0 : index
    %swap3A_34 = arith.constant 0 : index
    %swap3A_35 = vector.load %arg5[%swap3A, %swap3A_34] : memref<10240x128xf32, #tpu.memory_space<vmem>>, vector<10240x128xf32>
    tpu.vector_store %arg5[%swap3A, %swap3A_34], %mul3A_33 {strides = array<i32>} : memref<10240x128xf32, #tpu.memory_space<vmem>>, vector<10240x128xf32>,
    return
  }
}

module attributes {stable_mosaic.version = 14 : i64} {
  func.func @_fin_body(%arg0: memref<2x10240x128xf32, #tpu.memory_space<vmem>>, %arg1: memref<10240x128xf32, #tpu.memory_space<vmem>>, %arg2: memref<10240x1xf32, #tpu.memory_space<vmem>>, %arg3: memref<1x128xf32, #tpu.memory_space<vmem>>, %arg4: memref<10240x1xi32, #tpu.memory_space<vmem>>, %arg5: memref<128x128xf32, #tpu.memory_space<vmem>>, %arg6: memref<1x128xf32, #tpu.memory_space<vmem>>, %arg7: memref<64x128xf32, #tpu.memory_space<vmem>>) attributes {dimension_semantics = [], scalar_prefetch = 0 : i64, scratch_operands = 0 : i64, tpu.core_type = #tpu.core_type<tc>} {
    %get3A = arith.constant 0 : index
    %get3A_0 = arith.constant 0 : index
    %get3A_1 = arith.constant 0 : index
    %get3A_2 = vector.load %arg0[%get3A, %get3A_0, %get3A_1] : memref<2x10240x128xf32, #tpu.memory_space<vmem>>, vector<1x10240x128xf32>
    %get3A_3 = vector.shape_cast %get3A_2 : vector<1x10240x128xf32> to vector<10240x128xf32>
    %get3A_4 = arith.constant 1 : index
    %get3A_5 = arith.constant 0 : index
    %get3A_6 = arith.constant 0 : index
    %get3A_7 = vector.load %arg0[%get3A_4, %get3A_5, %get3A_6] : memref<2x10240x128xf32, #tpu.memory_space<vmem>>, vector<1x10240x128xf32>
    %get3A_8 = vector.shape_cast %get3A_7 : vector<1x10240x128xf32> to vector<10240x128xf32>
    %add3A = arith.addf %get3A_3, %get3A_8 : vector<10240x128xf32>
    %get3A_9 = arith.constant 0 : index
    %get3A_10 = arith.constant 0 : index
    %get3A_11 = vector.load %arg1[%get3A_9, %get3A_10] : memref<10240x128xf32, #tpu.memory_space<vmem>>, vector<10240x128xf32>
    %add3A_12 = arith.addf %add3A, %get3A_11 : vector<10240x128xf32>
    %get3A_13 = arith.constant 0 : index
    %get3A_14 = arith.constant 0 : index
    %get3A_15 = vector.load %arg2[%get3A_13, %get3A_14] : memref<10240x1xf32, #tpu.memory_space<vmem>>, vector<10240x1xf32>
    %mul3A = vector.broadcast %get3A_15 : vector<10240x1xf32> to vector<10240x128xf32>
    %mul3A_16 = arith.mulf %add3A_12, %mul3A : vector<10240x128xf32>
    %get3A_17 = arith.constant 0 : index
    %get3A_18 = arith.constant 0 : index
    %get3A_19 = vector.load %arg3[%get3A_17, %get3A_18] : memref<1x128xf32, #tpu.memory_space<vmem>>, vector<1x128xf32>
    %add3A_20 = vector.broadcast %get3A_19 : vector<1x128xf32> to vector<10240x128xf32>
    %add3A_21 = arith.addf %mul3A_16, %add3A_20 : vector<10240x128xf32>
    %get3A_22 = arith.constant 0 : index
    %get3A_23 = arith.constant 0 : index
    %get3A_24 = vector.load %arg4[%get3A_22, %get3A_23] : memref<10240x1xi32, #tpu.memory_space<vmem>>, vector<10240x1xi32>
    %iota3A = tpu.iota {dimensions = array<i32: 1>} : vector<10240x64xi32>
    %eq3A = vector.broadcast %get3A_24 : vector<10240x1xi32> to vector<10240x64xi32>
    %eq3A_25 = arith.cmpi eq, %eq3A, %iota3A : vector<10240x64xi32>
    %convert_element_type3A = arith.extui %eq3A_25 : vector<10240x64xi1> to vector<10240x64xi32>
    %convert_element_type3A_26 = arith.sitofp %convert_element_type3A : vector<10240x64xi32> to vector<10240x64xf32>
    %convert_element_type3A_27 = arith.truncf %convert_element_type3A_26 : vector<10240x64xf32> to vector<10240x64xbf16>
    %convert_element_type3A_28 = arith.truncf %add3A_21 : vector<10240x128xf32> to vector<10240x128xbf16>
    %dot_general3A = arith.constant dense<0.000000e+00> : vector<64x128xf32>
    %dot_general3A_29 = tpu.matmul %convert_element_type3A_27, %convert_element_type3A_28, %dot_general3A {dimension_numbers = #tpu.dot_dimension_numbers<[0], [0], [1], [1], [0, 1, 1, 1], [], []>, transpose_lhs_hint = false} : vector<10240x64xbf16>, vector<10240x128xbf16>, vector<64x128xf32> -> vector<64x128xf32>
    %broadcast_in_dim3A = arith.constant 1.000000e+00 : bf16
    %broadcast_in_dim3A_30 = vector.broadcast %broadcast_in_dim3A : bf16 to vector<10240x1xbf16>
    %dot_general3A_31 = arith.constant dense<0.000000e+00> : vector<64x1xf32>
    %dot_general3A_32 = tpu.matmul %convert_element_type3A_27, %broadcast_in_dim3A_30, %dot_general3A_31 {dimension_numbers = #tpu.dot_dimension_numbers<[0], [0], [1], [1], [0, 1, 1, 1], [], []>, transpose_lhs_hint = false} : vector<10240x64xbf16>, vector<10240x1xbf16>, vector<64x1xf32> -> vector<64x1xf32>
    %max3A = arith.constant 1.000000e+00 : f32
    %max3A_33 = vector.broadcast %max3A : f32 to vector<64x1xf32>
    %max3A_34 = arith.maximumf %dot_general3A_32, %max3A_33 : vector<64x1xf32>
    %div3A = vector.broadcast %max3A_34 : vector<64x1xf32> to vector<64x128xf32>
    %div3A_35 = arith.divf %dot_general3A_29, %div3A : vector<64x128xf32>
    %get3A_36 = arith.constant 0 : index
    %get3A_37 = arith.constant 0 : index
    %get3A_38 = vector.load %arg5[%get3A_36, %get3A_37] : memref<128x128xf32, #tpu.memory_space<vmem>>, vector<128x128xf32>
    %dot_general3A_39 = arith.constant dense<0.000000e+00> : vector<64x128xf32>
    %dot_general3A_40 = tpu.matmul %div3A_35, %get3A_38, %dot_general3A_39 {dimension_numbers = #tpu.dot_dimension_numbers<[1], [0], [0], [1], [0, 0, 1, 1], [], []>, transpose_lhs_hint = false} : vector<64x128xf32>, vector<128x128xf32>, vector<64x128xf32> -> vector<64x128xf32>
    %get3A_41 = arith.constant 0 : index
    %get3A_42 = arith.constant 0 : index
    %get3A_43 = vector.load %arg6[%get3A_41, %get3A_42] : memref<1x128xf32, #tpu.memory_space<vmem>>, vector<1x128xf32>
    %add3A_44 = vector.broadcast %get3A_43 : vector<1x128xf32> to vector<64x128xf32>
    %add3A_45 = arith.addf %dot_general3A_40, %add3A_44 : vector<64x128xf32>
    %swap3A = arith.constant 0 : index
    %swap3A_46 = arith.constant 0 : index
    %swap3A_47 = vector.load %arg7[%swap3A, %swap3A_46] : memref<64x128xf32, #tpu.memory_space<vmem>>, vector<64x128xf32>
    tpu.vector_store %arg7[%swap3A, %swap3A_46], %add3A_45 {strides = array<i32>} : memref<64x128xf32, #tpu.memory_space<vmem>>, vector<64x128xf32>,
    return
  }
}

</mosaic_0001>

<sc_bundles>
// kernel: kernel.11.cloned.1.call-start
scs
__scs_entry_jumppad:
0x0: {  	(pc) =	sbr.rel $0x88, $3  }
0x1: {  	(tag) =	ssettag $0x0;
	lr =	simm.s32 $0x1  }
0x2: {  	[smem:$0x3F98] =	sst lr;
	_ =	strace $0xD0000000  }
0x3: {  	_ = 	snop  }
0x4: {  	_ = 	snop  }
0x5: {  	_ = 	snop  }
0x6: {  	_ = 	snop  }
0x7: {  	_ = 	snop  }
__scs_overlays_trampoline_lowered:
0x8: {  	[smem:$0x3FA7] =	sst s0  }
0x9: {  	[smem:$0x3FA8] =	sst s1  }
0xa: {  	[smem:$0x3FA9] =	sst s2  }
0xb: {  	[smem:$0x3FAA] =	sst s3  }
0xc: {  	[smem:$0x3FAB] =	sst s4  }
0xd: {  	[smem:$0x3FAC] =	sst s5  }
0xe: {  	[smem:$0x3FAD] =	sst s6  }
0xf: {  	[smem:$0x3FAE] =	sst s7  }
0x10: {  	[smem:$0x3FAF] =	sst s8  }
0x11: {  	[smem:$0x3FB0] =	sst s9;
	s0 =	simm.s32 @!p0 $0x0  }
0x12: {  	s1 =	sld [smem:$0x3F96];
	s0 =	simm.s32 @p0 $0x1  }
0x13: {  	[smem:$0x3FB1] =	sst s0;
	s0 =	simm.s32 @!p1 $0x0  }
0x14: {  	s2 =	sld [smem:$0x3F95];
	s0 =	simm.s32 @p1 $0x1  }
0x15: {  	[smem:$0x3FB2] =	sst s0;
	s0 =	simm.s32 @!p2 $0x0  }
0x16: {  	s3 =	sld [smem:$0x3FDB];
	s0 =	simm.s32 @p2 $0x1  }
0x17: {  	s4 =	simm.s32 $0x1BF5;
	[smem:$0x3FB4] =	sst s0  }
0x18: {  	s0 =	sld [smem:$0x3F97];
	_ =	swait.ge [sflag:s4], $0x0  }
0x19: {  	s7 =	sld [smem:$0x3F98]  }
0x1a: {  	s8 =	sadd.s32 $0xFFFFE003, lr  }
0x1b: {  	s9 =	sadd.s32 $0xFFFFFEF7, lr;
	s5 =	simm.s32 $0xFFFFFFFF;
	p2 =	slt.u32 s8, $0xFFFFF086  }
0x1c: {  	p1 =	slt.u32 s9, $0xF7A;
	s5 =	simm.s32 @!p2 $0x0  }
0x1d: {  	s5 =	simm.s32 @p1 $0x1;
	p0 =	seq.s32 s7, s2  }
0x1e: {  	s7 =	smul.u32 @!p0 $0xF7A, s2;
	p2 =	seq.s32 @!p0 s5, $0x0  }
0x1f: {  	s9 =	smul.u32 $0xF7A, s1;
	s8 =	simm.s32 @!p0 $0x1BF5;
	p2 =	por !p2, p0  }
0x20: {  	[sflag:s8] =	ssyncset.s32 @!p0 $0xFFFFF086;
	s6 =	sadd.s32 @!p0 s3, s7;
	s7 =	simm.s32 @!p0 $0x108  }
0x21: {  	s3 =	sadd.s32 s3, s9;
	s6 =	sadd.s32 @!p0 $0x88, s6;
	s7 =	simm.s32 @p2 $0x1082  }
0x22: {  	[simem:s7], [sflag:s8] =	dma.local @!p0 [hbm:s6], $0xF7A  }
0x23: {  	s9 =	sor.u32 $0xD0000000, s2;
	s6 =	simm.s32 $0x108;
	_ =	swait.ge @!p0 [sflag:s8], $0x0  }
0x24: {  	s3 =	sadd.s32 $0x88, s3;
	s6 =	simm.s32 @!p1 $0x1082;
	[sflag:s4] =	ssyncset.s32 $0xFFFFF086  }
0x25: {  	[simem:s6], [sflag:s4] =	dma.local [hbm:s3], $0xF7A  }
0x26: {  	[smem:$0x3F98] =	sst s1;
	(tag) =	ssettag s2;
	_ =	strace s9  }
0x27: {  	s1 =	sld [smem:$0x3FA8]  }
0x28: {  	s2 =	sld [smem:$0x3FA9]  }
0x29: {  	s4 =	sld [smem:$0x3FAB]  }
0x2a: {  	p0 =	seq.s32 s5, $0x0;
	s5 =	sld [smem:$0x3FAC]  }
0x2b: {  	s6 =	sld [smem:$0x3FAD]  }
0x2c: {  	s7 =	sld [smem:$0x3FAE]  }
0x2d: {  	s3 =	simm.s32 $0x108;
	s8 =	sld [smem:$0x3FAF]  }
0x2e: {  	s3 =	simm.s32 @!p0 $0x1082;
	s9 =	sld [smem:$0x3FB0]  }
0x2f: {  	lr =	sadd.s32 s0, s3;
	s0 =	sld [smem:$0x3FA7]  }
0x30: {  	s3 =	sld [smem:$0x3FAA]  }
0x31: {  	[smem:$0x3FB3] =	sst s10  }
0x32: {  	s10 =	sld [smem:$0x3FB1];
	_ =	sdelay $0x3  }
0x33: {  	p0 =	seq.s32 s10, $0x1;
	s10 =	sld [smem:$0x3FB3];
	_ =	sdelay $0x3  }
0x34: {  	[smem:$0x3FB3] =	sst s10  }
0x35: {  	s10 =	sld [smem:$0x3FB2];
	_ =	sdelay $0x3  }
0x36: {  	p1 =	seq.s32 s10, $0x1;
	s10 =	sld [smem:$0x3FB3];
	_ =	sdelay $0x3  }
0x37: {  	[smem:$0x3FB3] =	sst s10  }
0x38: {  	s10 =	sld [smem:$0x3FB4]  }
0x39: {  	_ = 	snop;
	(pc) =	sbr.ind lr, $3  }
0x3a: {  	_ = 	snop  }
0x3b: {  	_ = 	snop  }
0x3c: {  	p2 =	seq.s32 s10, $0x1;
	s10 =	sld [smem:$0x3FB3]  }
0x3d: {  	_ =	shalt  }
0x3e: {  	_ =	shalt  }
0x3f: {  	_ =	shalt  }
0x40: {  	_ =	shalt  }
0x41: {  	_ =	shalt  }
0x42: {  	_ =	shalt  }
0x43: {  	_ =	shalt  }
0x44: {  	_ =	shalt  }
0x45: {  	_ =	shalt  }
0x46: {  	_ =	shalt  }
0x47: {  	_ =	shalt  }
0x48: {  	_ =	shalt  }
0x49: {  	_ =	shalt  }
0x4a: {  	_ =	shalt  }
0x4b: {  	_ =	shalt  }
0x4c: {  	_ =	shalt  }
0x4d: {  	_ =	shalt  }
0x4e: {  	_ =	shalt  }
0x4f: {  	_ =	shalt  }
0x50: {  	_ =	shalt  }
0x51: {  	_ =	shalt  }
0x52: {  	_ =	shalt  }
0x53: {  	_ =	shalt  }
0x54: {  	_ =	shalt  }
0x55: {  	_ =	shalt  }
0x56: {  	_ =	shalt  }
0x57: {  	_ =	shalt  }
0x58: {  	_ =	shalt  }
0x59: {  	_ =	shalt  }
0x5a: {  	_ =	shalt  }
0x5b: {  	_ =	shalt  }
0x5c: {  	_ =	shalt  }
0x5d: {  	_ =	shalt  }
0x5e: {  	_ =	shalt  }
0x5f: {  	_ =	shalt  }
0x60: {  	_ =	shalt  }
0x61: {  	_ =	shalt  }
0x62: {  	_ =	shalt  }
0x63: {  	_ =	shalt  }
0x64: {  	_ =	shalt  }
0x65: {  	_ =	shalt  }
0x66: {  	_ =	shalt  }
0x67: {  	_ =	shalt  }
0x68: {  	_ =	shalt  }
0x69: {  	_ =	shalt  }
0x6a: {  	_ =	shalt  }
0x6b: {  	_ =	shalt  }
0x6c: {  	_ =	shalt  }
0x6d: {  	_ =	shalt  }
0x6e: {  	_ =	shalt  }
0x6f: {  	_ =	shalt  }
0x70: {  	_ =	shalt  }
0x71: {  	_ =	shalt  }
0x72: {  	_ =	shalt  }
0x73: {  	_ =	shalt  }
0x74: {  	_ =	shalt  }
0x75: {  	_ =	shalt  }
0x76: {  	_ =	shalt  }
0x77: {  	_ =	shalt  }
0x78: {  	_ =	shalt  }
0x79: {  	_ =	shalt  }
0x7a: {  	_ =	shalt  }
0x7b: {  	_ =	shalt  }
0x7c: {  	_ =	shalt  }
0x7d: {  	_ =	shalt  }
0x7e: {  	_ =	shalt  }
0x7f: {  	_ =	shalt  }
0x80: {  	_ =	shalt  }
0x81: {  	_ =	shalt  }
0x82: {  	_ =	shalt  }
0x83: {  	_ =	shalt  }
0x84: {  	_ =	shalt  }
0x85: {  	_ =	shalt  }
0x86: {  	_ =	shalt  }
0x87: {  	_ =	shalt  }
.Lfunc_end0:
.L_simem_size_0:
called_computation.1_lowered:
.L_overlay_start_0:
0x88: {  	s2 =	sld [smem:$0x3FD9]  }
0x89: {  	s3 =	sld [smem:$0x3FFE];
	_ =	sdelay $0x1  }
0x8a: {  	s1 =	srdreg.scid  }
0x8b: {  	s0 =	sand.u32 $0x1, s1  }
0x8c: {  	s16 =	sshll.u32 s0, $0xA;
	s2 =	sadd.s32 s3, s2  }
0x8d: {  	s2 =	sadd.s32 s2, s16  }
0x8e: {  	[smem:$0x3FBF] =	sst s2  }
0x8f: {  	_ = 	snop  }
0x90: {  	(tm) =	ssettm $0x1  }
0x91: {  	s17 =	sld [smem:$0x3FFB];
	_ =	sdelay $0x3  }
0x92: {  	_ =	strace s17  }
0x93: {  	s2 =	sld [smem:$0x3FFC];
	_ =	sdelay $0x3  }
0x94: {  	_ =	strace s2  }
0x95: {  	s2 =	sld [smem:$0x3FFD];
	_ =	sdelay $0x3  }
0x96: {  	_ =	strace s2  }
0x97: {  	_ =	strace $0x8FFFFFFF  }
0x98: {  	s18 =	sld [smem:$0x3FDB];
	_ =	sdelay $0x1  }
0x99: {  	s19 =	simm.s32 $_scs_section_size  }
0x9a: {  	s4 =	simm.s32 $_size__tile_overlayer_lowered;
	s5 =	simm.s32 $_tile_overlayer_lowered  }
0x9b: {  	s22 =	simm.s32 $0x1BFF;
	s21 =	sshll.u32 s5, $0x1;
	s2 =	sadd.s32 s19, s18  }
0x9c: {  	s6 =	simm.s32 $0x0;
	s20 =	sshll.u32 s4, $0x1;
	s4 =	sadd.s32 s21, s2  }
0x9d: {  	[timem:s6], [sflag:s22] =	dma.local [hbm:s4], s20  }
0x9e: {  	_ =	swait.ge [sflag:s22], s20  }
0x9f: {  	s3 =	ssub.s32 $0x0, s20;
	[sflag:s22] =	ssyncset.done $0x0  }
0xa0: {  	[sflag:s22] =	ssyncadd.s32 s3;
	_ =	sdelay $0x1  }
0xa1: {  	s23 =	simm.s32 $0x1B8B  }
0xa2: {  	_ =	swait.ge [sflag:s23], $0x1  }
0xa3: {  	[sflag:s23] =	ssyncset.done $0x0  }
0xa4: {  	s25 =	simm.s32 $0x1B8E;
	s24 =	sld [smem:$0x3FFE];
	[sflag:s23] =	ssyncadd.s32 $0xFFFFFFFF  }
0xa5: {  	s26 =	simm.s32 $execute0_lowered;
	[smem:$0x3FD2] =	sst s25  }
0xa6: {  	s4 =	sshll.u32 s26, $0x1;
	_ =	strace $0x80000049;
	[dreg:$0x1] =	wrdreg $0xFFFFFFFF  }
0xa7: {  	s28 =	simm.s32 $_size_execute0_lowered;
	s2 =	sadd.s32 s2, s4;
	[dreg:$0x0] =	wrdreg $0x0  }
0xa8: {  	s4 =	sshll.u32 s28, $0x1;
	[dreg:$0x2] =	wrdreg s2  }
0xa9: {  	[dreg:$0x3] =	wrdreg s4  }
0xaa: {  	[dreg:$0x4] =	wrdreg $0xC0  }
0xab: {  	_ =	task [dreg:s6], $0x5FFFF  }
0xac: {  	[dreg:$0x1] =	wrdreg $0xFFFFFFFF  }
0xad: {  	[dreg:$0x0] =	wrdreg $0x60  }
0xae: {  	[dreg:$0x2] =	wrdreg s24  }
0xaf: {  	[dreg:$0x3] =	wrdreg $0xA4000  }
0xb0: {  	[dreg:$0x4] =	wrdreg $0x9  }
0xb1: {  	_ =	task.clear_ibuf [dreg:s6], $0x5FFFF;
	_ =	strace $0x90000049  }
0xb2: {  	s29 =	simm.s32 $0x9;
	_ =	strace $0x8000004B  }
0xb3: {  	_ =	swait.ge [sflag:s29], $0x1  }
0xb4: {  	[sflag:s29] =	ssyncadd.s32 $0xFFFFFFFF  }
0xb5: {  	_ =	strace $0x9000004B  }
0xb6: {  	_ =	sfence  }
0xb7: {  	s30 =	sld [smem:$0x0];
	_ =	sdelay $0x2  }
0xb8: {  	s31 =	sshll.u32 s1, $0xD;
	s1 =	sshrl.u32 s1, $0x2  }
0xb9: {  	s3 =	sand.u32 $0x4000, s31;
	s1 =	sadd.s32 s1, s30  }
0xba: {  	s0 =	sor.u32 s3, s0;
	s1 =	sshll.u32 s1, $0x11  }
0xbb: {  	s0 =	sor.u32 s1, s0  }
0xbc: {  	s0 =	sadd.s32 $0x8F2B, s0  }
0xbd: {  	[sflag:s0] =	ssyncadd.remote.s32 $0x1  }
0xbe: {  	_ =	sfence.sel $0xFFFF  }
0xbf: {  	[dreg:$0x0] =	wrdreg $0xFFFFFFFF;
	(pc) =	sbr.abs _section_cstart, $3  }
0xc0: {  	[dreg:$0x1] =	wrdreg $0xFFFFFFFF  }
0xc1: {  	_ =	task.clear_ibuf [dreg:s6], $0x2FFFF;
	_ =	strace $0x9FFFFFFF  }
0xc2: {  	(tm) =	ssettm $0x7FFFFFFF  }
0xc3: {  	_ =	shalt  }
tec
execute0_lowered:
.L_overlay_start_1:
0x0: {  	(tag) =	ssettag $0x1  }
0x1: {  	s0 =	rddreg [dreg:$0x0]  }
0x2: {  	s2 =	rddreg [dreg:$0x1];
	s1 =	srdreg.scid  }
0x3: {  	s13 =	stileid.u32;
	s3 =	simm.s32 $0x0;
	s17 =	simm.s32 $0x200  }
0x4: {  	s18 =	simm.s32 $0x1;
	s19 =	simm.s32 $0x50;
	s20 =	simm.s32 $0x400  }
0x5: {  	s28 =	simm.s32 $0x3;
	s29 =	simm.s32 $0x300;
	s10 =	smul.u32 $0x50000, s13  }
0x6: {  	s30 =	simm.s32 $0x5400;
	s31 =	simm.s32 $0x6;
	s12 =	smul.u32 $0xFA, s13  }
0x7: {  	s1 =	sand.u32 $0x1, s1;
	s4 =	sshll.u32 s13, $0x1;
	s26 =	smul.u32 $0x2800, s13  }
0x8: {  	[smem:$0x7FF] =	sst s3;
	s5 =	sadd.s32 $0x2C00, s0;
	s6 =	smul.u32 $0x28000, s1  }
0x9: {  	s7 =	sor.u32 s1, s4;
	s22 =	ssub.s32 $0x2, s1;
	s1 =	smul.u32 $0x7D, s1  }
0xa: {  	s9 =	sadd.s32 $0x4A000, s0;
	_ =	strace $0x8000004A;
	s8 =	smul.u32 $0xFA0, s7  }
0xb: {  	s4 =	sadd.s32 $0x22000, s0;
	[dreg:$0x3] =	wrdreg s9;
	s21 =	smul.u32 $0x7D00, s7  }
0xc: {  	s11 =	sshrl.u32 s22, $0x1;
	s7 =	smul.u32 $0x7D, s7;
	s25 =	sshrl.u32 s10, $0x2  }
0xd: {  	s10 =	simm.s32 $0x0;
	s0 =	sadd.s32 s6, s0;
	s6 =	ssub.s32 s22, s11  }
0xe: {  	s1 =	sadd.s32 s1, s12;
	s22 =	simm.s32 $0x2C00;
	s11 =	simm.s32 $0xA  }
0xf: {  	s12 =	simm.s32 $0x8;
	s9 =	sshrl.u32 s21, $0x3;
	s8 =	sadd.s32 s5, s8  }
0x10: {  	s0 =	sadd.s32 $0x4C800, s0;
	s1 =	sshll.u32 s1, $0x5;
	s6 =	smax.u32 s6, $0x1  }
0x11: {  	s21 =	simm.s32 $0x2;
	s9 =	sadd.s32 s5, s9;
	[dreg:$0x4] =	wrdreg s8  }
0x12: {  	s8 =	sadd.s32 s25, s2;
	[dreg:$0x8] =	wrdreg s6;
	s1 =	sadd.s32 s1, s5  }
0x13: {  	s0 =	sadd.s32 s26, s0;
	s25 =	simm.s32 $0x5;
	s6 =	simm.s32 $0x4  }
.Ltmp0:
0x14: {  	s23 =	sadd.s32 $0x20, s9;
	s24 =	sadd.s32 $0x40, s9;
	(pc) =	sbr.rel .LBB2_1-.Ltmp0, $4  }
0x15: {  	[dreg:$0x7] =	wrdreg s8;
	s13 =	sadd.s32 $0xC0, s1;
	s14 =	sadd.s32 $0xA0, s1  }
0x16: {  	s15 =	sadd.s32 $0x80, s1;
	[dreg:$0x9] =	wrdreg s0;
	s1 =	simm.s32 $0x9  }
0x17: {  	s8 =	simm.s32 $0x7C00;
	s9 =	simm.s32 $0x7;
	[dreg:$0x5] =	wrdreg s23  }
0x18: {  	[dreg:$0x6] =	wrdreg s24;
	s24 =	simm.s32 $0xD;
	s23 =	simm.s32 $0xB  }
.LBB2_4:
0x19: {  	_ =	swait.ge [sflag:s25], $0x2800  }
0x1a: {  	[sflag:s25] =	ssyncset.done $0x0  }
0x1b: {  	s0 =	simm.s32 $0x80;
	s24 =	simm.s32 $0xC;
	[sflag:s25] =	ssyncadd.s32 $0xFFFFD800  }
0x1c: {  	[spmem:s2] =	stream.indirect.scatter.add.f32 [tilespmem:s20], [sflag:$0x9], $0x80, s0, s19, $0xb8;
	[tilespmem:$0x1E400] =	vst v63  }
0x1d: {  	_ =	swait.ge [sflag:s24], $0x2800  }
0x1e: {  	[sflag:s24] =	ssyncset.done $0x0  }
0x1f: {  	[sflag:s24] =	ssyncadd.s32 $0xFFFFD800  }
0x20: {  	_ =	swait.ge [sflag:s1], $0x2800  }
0x21: {  	[sflag:s1] =	ssyncset.done $0x0  }
0x22: {  	[sflag:s1] =	ssyncadd.s32 $0xFFFFD800  }
0x23: {  	[bflag:$0x0] =	sbarrier.arrive $0xFFFF  }
0x24: {  	s26 =	rddreg [dreg:$0x9]  }
0x25: {  	s10 =	rddreg [dreg:$0xb]  }
0x26: {  	s24 =	simm.s32 $0xD;
	s16 =	rddreg [dreg:$0xc]  }
0x27: {  	[hbm:s26], [sflag:s10] =	dma.local [spmem:s16], $0x2800  }
0x28: {  	_ =	swait.ge [sflag:s24], $0x2800  }
0x29: {  	s16 =	rddreg [dreg:$0xa]  }
0x2a: {  	s26 =	rddreg [dreg:$0x8];
	s10 =	sadd.s32 $0x1, s16  }
0x2b: {  	p0 =	sne.s32 s10, s26  }
.Ltmp1:
0x2c: {  	_ = 	snop;
	(pc) =	sbr.rel @!p0 .LBB2_5-.Ltmp1, $3  }
0x2d: {  	_ =	sdelay $0x1  }
0x2e: {  	[sflag:s24] =	ssyncset.done $0x0  }
0x2f: {  	[sflag:s24] =	ssyncadd.s32 $0xFFFFD800  }
.LBB2_1:
0x30: {  	[dreg:$0xa] =	wrdreg s10  }
0x31: {  	s0 =	rddreg [dreg:$0x4]  }
0x32: {  	[tilespmem:s3], [sflag:$0x1] =	stream.linear.gather [hbm4b:s0+s3], $0x100, $0x38;
	[tilespmem:$0x1E400] =	vst v63  }
0x33: {  	s10 =	rddreg [dreg:$0x5];
	s16 =	simm.s32 $0x100  }
0x34: {  	[tilespmem:s16], [sflag:$0x2] =	stream.linear.gather [hbm4b:s10+s3], $0x100, $0x38;
	[tilespmem:$0x1E400] =	vst v63  }
0x35: {  	s26 =	rddreg [dreg:$0x6]  }
0x36: {  	[tilespmem:s17], [sflag:$0x3] =	stream.linear.gather [hbm4b:s26+s3], $0x100, $0x38;
	[tilespmem:$0x1E400] =	vst v63  }
0x37: {  	_ =	swait.ge [sflag:s18], $0x100  }
0x38: {  	[sflag:s18] =	ssyncset.done $0x0  }
0x39: {  	[sflag:s18] =	ssyncadd.s32 $0xFFFFFF00  }
0x3a: {  	[tilespmem:s20], [sflag:$0x5] =	stream.indirect.gather [hbm4b:s4+s19], $0x80, s3, s19, $0xb8;
	[tilespmem:$0x1E400] =	vst v63  }
0x3b: {  	_ =	swait.ge [sflag:s21], $0x100  }
0x3c: {  	[sflag:s21] =	ssyncset.done $0x0  }
0x3d: {  	s10 =	stileid.u32;
	s26 =	rddreg [dreg:$0x7];
	[sflag:s21] =	ssyncadd.s32 $0xFFFFFF00  }
0x3e: {  	[tilespmem:s22], [sflag:$0x6] =	stream.indirect.gather [hbm4b:s4+s19], $0x80, s16, s19, $0xb8;
	[tilespmem:$0x1E400] =	vst v63  }
0x3f: {  	s0 =	sshrl.u32 s26, $0x3;
	s26 =	rddreg [dreg:$0x3];
	s16 =	sshll.u32 s10, $0x6  }
0x40: {  	[dreg:$0xc] =	wrdreg s0;
	s16 =	sor.u32 $0x1C0D, s16  }
0x41: {  	[dreg:$0xb] =	wrdreg s16  }
0x42: {  	[spmem:s0], [sflag:s16] =	dma.local [hbm:s26], $0x2800  }
0x43: {  	_ =	swait.ge [sflag:s24], $0x2800  }
0x44: {  	[sflag:s24] =	ssyncset.done $0x0  }
0x45: {  	[sflag:s24] =	ssyncadd.s32 $0xFFFFD800  }
0x46: {  	s0 =	simm.s32 $0x3;
	s26 =	simm.s32 $0x0;
	[bflag:$0x0] =	sbarrier.arrive $0xFFFF  }
.LBB2_2:
0x47: {  	_ =	swait.ge [sflag:s25], $0x2800  }
0x48: {  	p0 =	seq.s32 s26, $0x0;
	s16 =	smov.u32 s0;
	[sflag:s25] =	ssyncset.done $0x0  }
0x49: {  	s10 =	simm.s32 $0x80;
	s16 =	simm.s32 @p0 $0x3;
	[sflag:s25] =	ssyncadd.s32 $0xFFFFD800  }
0x4a: {  	[spmem:s2] =	stream.indirect.scatter.add.f32 [tilespmem:s20], [sflag:$0x9], $0x80, s10, s19, $0xb8;
	[tilespmem:$0x1E400] =	vst v63  }
0x4b: {  	s16 =	sadd.s32 s7, s16;
	s10 =	simm.s32 @!p0 $0xC  }
0x4c: {  	s16 =	sshll.u32 s16, $0x5;
	_ =	swait.ge @!p0 [sflag:s10], $0x2800  }
0x4d: {  	s16 =	sand.u32 $0x1FFFFFE0, s16;
	[sflag:s10] =	ssyncset.done @!p0 $0x0  }
0x4e: {  	s24 =	sadd.s32 s5, s16;
	[sflag:s10] =	ssyncadd.s32 @!p0 $0xFFFFD800  }
0x4f: {  	[tilespmem:s29], [sflag:$0x4] =	stream.linear.gather [hbm4b:s24+s3], $0x100, $0x38;
	[tilespmem:$0x1E400] =	vst v63  }
0x50: {  	_ =	swait.ge [sflag:s28], $0x100  }
0x51: {  	[sflag:s28] =	ssyncset.done $0x0  }
0x52: {  	[sflag:s28] =	ssyncadd.s32 $0xFFFFFF00  }
0x53: {  	[tilespmem:s30], [sflag:$0x7] =	stream.indirect.gather [hbm4b:s4+s19], $0x80, s17, s19, $0xb8;
	[tilespmem:$0x1E400] =	vst v63  }
0x54: {  	_ =	swait.ge [sflag:s31], $0x2800  }
0x55: {  	[sflag:s31] =	ssyncset.done $0x0  }
0x56: {  	s16 =	simm.s32 $0x180;
	[sflag:s31] =	ssyncadd.s32 $0xFFFFD800  }
0x57: {  	[spmem:s2] =	stream.indirect.scatter.add.f32 [tilespmem:s22], [sflag:$0xA], $0x80, s16, s19, $0xb8;
	[tilespmem:$0x1E400] =	vst v63  }
0x58: {  	_ =	swait.ge [sflag:s1], $0x2800  }
0x59: {  	[sflag:s1] =	ssyncset.done $0x0  }
0x5a: {  	s24 =	sadd.s32 s26, s15;
	[sflag:s1] =	ssyncadd.s32 $0xFFFFD800  }
0x5b: {  	[tilespmem:s3], [sflag:$0x1] =	stream.linear.gather [hbm4b:s24+s3], $0x100, $0x38;
	[tilespmem:$0x1E400] =	vst v63  }
0x5c: {  	_ =	swait.ge [sflag:s6], $0x100  }
0x5d: {  	[sflag:s6] =	ssyncset.done $0x0  }
0x5e: {  	[sflag:s6] =	ssyncadd.s32 $0xFFFFFF00  }
0x5f: {  	[tilespmem:s8], [sflag:$0x8] =	stream.indirect.gather [hbm4b:s4+s19], $0x80, s29, s19, $0xb8;
	[tilespmem:$0x1E400] =	vst v63  }
0x60: {  	_ =	swait.ge [sflag:s9], $0x2800  }
0x61: {  	[sflag:s9] =	ssyncset.done $0x0  }
0x62: {  	s16 =	simm.s32 $0x280;
	[sflag:s9] =	ssyncadd.s32 $0xFFFFD800  }
0x63: {  	[spmem:s2] =	stream.indirect.scatter.add.f32 [tilespmem:s30], [sflag:$0xB], $0x80, s16, s19, $0xb8;
	[tilespmem:$0x1E400] =	vst v63  }
0x64: {  	p0 =	seq.s32 s26, $0xF00;
	_ =	swait.ge [sflag:s11], $0x2800  }
0x65: {  	s10 =	sadd.s32 @!p0 s26, s14;
	[sflag:s11] =	ssyncset.done $0x0  }
0x66: {  	s24 =	simm.s32 @!p0 $0x100;
	s16 =	simm.s32 @!p0 $0x0;
	[sflag:s11] =	ssyncadd.s32 $0xFFFFD800  }
0x67: {  	[tilespmem:s24], [sflag:$0x2] =	stream.linear.gather @!p0 [hbm4b:s10+s16], $0x100, $0x38;
	[tilespmem:$0x1E400] =	vst v63  }
0x68: {  	_ =	swait.ge [sflag:s18], $0x100  }
0x69: {  	[sflag:s18] =	ssyncset.done $0x0  }
0x6a: {  	[sflag:s18] =	ssyncadd.s32 $0xFFFFFF00  }
0x6b: {  	[tilespmem:s20], [sflag:$0x5] =	stream.indirect.gather [hbm4b:s4+s19], $0x80, s3, s19, $0xb8;
	[tilespmem:$0x1E400] =	vst v63  }
0x6c: {  	_ =	swait.ge [sflag:s12], $0x2800  }
0x6d: {  	[sflag:s12] =	ssyncset.done $0x0  }
.Ltmp2:
0x6e: {  	s24 =	simm.s32 $0x380;
	[sflag:s12] =	ssyncadd.s32 $0xFFFFD800;
	(pc) =	sbr.rel @p0 .LBB2_4-.Ltmp2, $4  }
0x6f: {  	[spmem:s2] =	stream.indirect.scatter.add.f32 [tilespmem:s8], [sflag:$0xC], $0x80, s24, s19, $0xb8;
	[tilespmem:$0x1E400] =	vst v63  }
0x70: {  	_ =	swait.ge [sflag:s23], $0x2800  }
0x71: {  	[sflag:s23] =	ssyncset.done $0x0  }
0x72: {  	[sflag:s23] =	ssyncadd.s32 $0xFFFFD800  }
0x73: {  	s10 =	sadd.s32 s26, s13  }
0x74: {  	[tilespmem:s17], [sflag:$0x3] =	stream.linear.gather [hbm4b:s10+s3], $0x100, $0x38;
	[tilespmem:$0x1E400] =	vst v63  }
.Ltmp3:
0x75: {  	_ = 	snop;
	(pc) =	sbr.rel .LBB2_2-.Ltmp3, $4  }
0x76: {  	_ =	swait.ge [sflag:s21], $0x100  }
0x77: {  	s24 =	simm.s32 $0x100;
	[sflag:s21] =	ssyncset.done $0x0  }
0x78: {  	s26 =	sadd.s32 $0x80, s26;
	s0 =	sadd.s32 $0x4, s0;
	[sflag:s21] =	ssyncadd.s32 $0xFFFFFF00  }
0x79: {  	[tilespmem:s22], [sflag:$0x6] =	stream.indirect.gather [hbm4b:s4+s19], $0x80, s24, s19, $0xb8;
	[tilespmem:$0x1E400] =	vst v63  }
.LBB2_5:
0x7a: {  	_ =	sfence.sel $0x180000  }
0x7b: {  	[bflag:$0x0] =	sbarrier.arrive $0xFFFF  }
0x7c: {  	_ =	strace $0x9000004A  }
0x7d: {  	s0 =	stileid.u32;
	[bflag:$0x2] =	sbarrier.arrive $0xFFFF  }
0x7e: {  	p0 =	sne.s32 s0, $0x0;
	s0 =	rddreg [dreg:$0x2]  }
0x7f: {  	s0 =	sadd.s32 @!p0 $0x100000, s0  }
0x80: {  	[sflag:s0] =	ssyncadd.tile.s32 @!p0 $0x1;
	_ =	shalt  }
.Lfunc_end2:
_tile_overlayer_lowered:
.L_overlay_start_2:
0x81: {  	(tag) =	ssettag $0x2  }
0x82: {  	s0 =	rddreg [dreg:$0x0];
	s2 =	stileid.u32  }
0x83: {  	s1 =	rddreg [dreg:$0x1];
	p0 =	sne.s32 s2, $0x0  }
0x84: {  	s3 =	rddreg [dreg:$0x2];
	[bflag:$0x3] =	sbarrier.arrive $0xFFFF;
	s2 =	simm.s32 @!p0 $0x1C0D  }
0x85: {  	[timem:s3], [sflag:s2] =	dma.local @!p0 [hbm:s0], s1  }
0x86: {  	s0 =	simm.s32 @!p0 $0xD  }
0x87: {  	_ =	swait.ge @!p0 [sflag:s0], s1  }
0x88: {  	s1 =	ssub.s32 @!p0 $0x0, s1;
	[sflag:s0] =	ssyncset.done @!p0 $0x0  }
0x89: {  	[sflag:s0] =	ssyncadd.s32 @!p0 s1  }
0x8a: {  	[bflag:$0x3] =	sbarrier.arrive $0xFFFF  }
0x8b: {  	_ =	shalt  }

// kernel: kernel.14.cloned.1.call-start
scs
__scs_entry_jumppad:
0x0: {  	(pc) =	sbr.rel $0x88, $3  }
0x1: {  	(tag) =	ssettag $0x0;
	lr =	simm.s32 $0x1  }
0x2: {  	[smem:$0x3F98] =	sst lr;
	_ =	strace $0xD0000000  }
0x3: {  	_ = 	snop  }
0x4: {  	_ = 	snop  }
0x5: {  	_ = 	snop  }
0x6: {  	_ = 	snop  }
0x7: {  	_ = 	snop  }
__scs_overlays_trampoline_lowered:
0x8: {  	[smem:$0x3FA7] =	sst s0  }
0x9: {  	[smem:$0x3FA8] =	sst s1  }
0xa: {  	[smem:$0x3FA9] =	sst s2  }
0xb: {  	[smem:$0x3FAA] =	sst s3  }
0xc: {  	[smem:$0x3FAB] =	sst s4  }
0xd: {  	[smem:$0x3FAC] =	sst s5  }
0xe: {  	[smem:$0x3FAD] =	sst s6  }
0xf: {  	[smem:$0x3FAE] =	sst s7  }
0x10: {  	[smem:$0x3FAF] =	sst s8  }
0x11: {  	[smem:$0x3FB0] =	sst s9;
	s0 =	simm.s32 @!p0 $0x0  }
0x12: {  	s1 =	sld [smem:$0x3F96];
	s0 =	simm.s32 @p0 $0x1  }
0x13: {  	[smem:$0x3FB1] =	sst s0;
	s0 =	simm.s32 @!p1 $0x0  }
0x14: {  	s2 =	sld [smem:$0x3F95];
	s0 =	simm.s32 @p1 $0x1  }
0x15: {  	[smem:$0x3FB2] =	sst s0;
	s0 =	simm.s32 @!p2 $0x0  }
0x16: {  	s3 =	sld [smem:$0x3FDB];
	s0 =	simm.s32 @p2 $0x1  }
0x17: {  	s4 =	simm.s32 $0x1BF5;
	[smem:$0x3FB4] =	sst s0  }
0x18: {  	s0 =	sld [smem:$0x3F97];
	_ =	swait.ge [sflag:s4], $0x0  }
0x19: {  	s7 =	sld [smem:$0x3F98]  }
0x1a: {  	s8 =	sadd.s32 $0xFFFFE003, lr  }
0x1b: {  	s9 =	sadd.s32 $0xFFFFFEF7, lr;
	s5 =	simm.s32 $0xFFFFFFFF;
	p2 =	slt.u32 s8, $0xFFFFF086  }
0x1c: {  	p1 =	slt.u32 s9, $0xF7A;
	s5 =	simm.s32 @!p2 $0x0  }
0x1d: {  	s5 =	simm.s32 @p1 $0x1;
	p0 =	seq.s32 s7, s2  }
0x1e: {  	s7 =	smul.u32 @!p0 $0xF7A, s2;
	p2 =	seq.s32 @!p0 s5, $0x0  }
0x1f: {  	s9 =	smul.u32 $0xF7A, s1;
	s8 =	simm.s32 @!p0 $0x1BF5;
	p2 =	por !p2, p0  }
0x20: {  	[sflag:s8] =	ssyncset.s32 @!p0 $0xFFFFF086;
	s6 =	sadd.s32 @!p0 s3, s7;
	s7 =	simm.s32 @!p0 $0x108  }
0x21: {  	s3 =	sadd.s32 s3, s9;
	s6 =	sadd.s32 @!p0 $0x88, s6;
	s7 =	simm.s32 @p2 $0x1082  }
0x22: {  	[simem:s7], [sflag:s8] =	dma.local @!p0 [hbm:s6], $0xF7A  }
0x23: {  	s9 =	sor.u32 $0xD0000000, s2;
	s6 =	simm.s32 $0x108;
	_ =	swait.ge @!p0 [sflag:s8], $0x0  }
0x24: {  	s3 =	sadd.s32 $0x88, s3;
	s6 =	simm.s32 @!p1 $0x1082;
	[sflag:s4] =	ssyncset.s32 $0xFFFFF086  }
0x25: {  	[simem:s6], [sflag:s4] =	dma.local [hbm:s3], $0xF7A  }
0x26: {  	[smem:$0x3F98] =	sst s1;
	(tag) =	ssettag s2;
	_ =	strace s9  }
0x27: {  	s1 =	sld [smem:$0x3FA8]  }
0x28: {  	s2 =	sld [smem:$0x3FA9]  }
0x29: {  	s4 =	sld [smem:$0x3FAB]  }
0x2a: {  	p0 =	seq.s32 s5, $0x0;
	s5 =	sld [smem:$0x3FAC]  }
0x2b: {  	s6 =	sld [smem:$0x3FAD]  }
0x2c: {  	s7 =	sld [smem:$0x3FAE]  }
0x2d: {  	s3 =	simm.s32 $0x108;
	s8 =	sld [smem:$0x3FAF]  }
0x2e: {  	s3 =	simm.s32 @!p0 $0x1082;
	s9 =	sld [smem:$0x3FB0]  }
0x2f: {  	lr =	sadd.s32 s0, s3;
	s0 =	sld [smem:$0x3FA7]  }
0x30: {  	s3 =	sld [smem:$0x3FAA]  }
0x31: {  	[smem:$0x3FB3] =	sst s10  }
0x32: {  	s10 =	sld [smem:$0x3FB1];
	_ =	sdelay $0x3  }
0x33: {  	p0 =	seq.s32 s10, $0x1;
	s10 =	sld [smem:$0x3FB3];
	_ =	sdelay $0x3  }
0x34: {  	[smem:$0x3FB3] =	sst s10  }
0x35: {  	s10 =	sld [smem:$0x3FB2];
	_ =	sdelay $0x3  }
0x36: {  	p1 =	seq.s32 s10, $0x1;
	s10 =	sld [smem:$0x3FB3];
	_ =	sdelay $0x3  }
0x37: {  	[smem:$0x3FB3] =	sst s10  }
0x38: {  	s10 =	sld [smem:$0x3FB4]  }
0x39: {  	_ = 	snop;
	(pc) =	sbr.ind lr, $3  }
0x3a: {  	_ = 	snop  }
0x3b: {  	_ = 	snop  }
0x3c: {  	p2 =	seq.s32 s10, $0x1;
	s10 =	sld [smem:$0x3FB3]  }
0x3d: {  	_ =	shalt  }
0x3e: {  	_ =	shalt  }
0x3f: {  	_ =	shalt  }
0x40: {  	_ =	shalt  }
0x41: {  	_ =	shalt  }
0x42: {  	_ =	shalt  }
0x43: {  	_ =	shalt  }
0x44: {  	_ =	shalt  }
0x45: {  	_ =	shalt  }
0x46: {  	_ =	shalt  }
0x47: {  	_ =	shalt  }
0x48: {  	_ =	shalt  }
0x49: {  	_ =	shalt  }
0x4a: {  	_ =	shalt  }
0x4b: {  	_ =	shalt  }
0x4c: {  	_ =	shalt  }
0x4d: {  	_ =	shalt  }
0x4e: {  	_ =	shalt  }
0x4f: {  	_ =	shalt  }
0x50: {  	_ =	shalt  }
0x51: {  	_ =	shalt  }
0x52: {  	_ =	shalt  }
0x53: {  	_ =	shalt  }
0x54: {  	_ =	shalt  }
0x55: {  	_ =	shalt  }
0x56: {  	_ =	shalt  }
0x57: {  	_ =	shalt  }
0x58: {  	_ =	shalt  }
0x59: {  	_ =	shalt  }
0x5a: {  	_ =	shalt  }
0x5b: {  	_ =	shalt  }
0x5c: {  	_ =	shalt  }
0x5d: {  	_ =	shalt  }
0x5e: {  	_ =	shalt  }
0x5f: {  	_ =	shalt  }
0x60: {  	_ =	shalt  }
0x61: {  	_ =	shalt  }
0x62: {  	_ =	shalt  }
0x63: {  	_ =	shalt  }
0x64: {  	_ =	shalt  }
0x65: {  	_ =	shalt  }
0x66: {  	_ =	shalt  }
0x67: {  	_ =	shalt  }
0x68: {  	_ =	shalt  }
0x69: {  	_ =	shalt  }
0x6a: {  	_ =	shalt  }
0x6b: {  	_ =	shalt  }
0x6c: {  	_ =	shalt  }
0x6d: {  	_ =	shalt  }
0x6e: {  	_ =	shalt  }
0x6f: {  	_ =	shalt  }
0x70: {  	_ =	shalt  }
0x71: {  	_ =	shalt  }
0x72: {  	_ =	shalt  }
0x73: {  	_ =	shalt  }
0x74: {  	_ =	shalt  }
0x75: {  	_ =	shalt  }
0x76: {  	_ =	shalt  }
0x77: {  	_ =	shalt  }
0x78: {  	_ =	shalt  }
0x79: {  	_ =	shalt  }
0x7a: {  	_ =	shalt  }
0x7b: {  	_ =	shalt  }
0x7c: {  	_ =	shalt  }
0x7d: {  	_ =	shalt  }
0x7e: {  	_ =	shalt  }
0x7f: {  	_ =	shalt  }
0x80: {  	_ =	shalt  }
0x81: {  	_ =	shalt  }
0x82: {  	_ =	shalt  }
0x83: {  	_ =	shalt  }
0x84: {  	_ =	shalt  }
0x85: {  	_ =	shalt  }
0x86: {  	_ =	shalt  }
0x87: {  	_ =	shalt  }
.Lfunc_end0:
.L_simem_size_0:
called_computation.2_lowered:
.L_overlay_start_0:
0x88: {  	s2 =	sld [smem:$0x3FD9]  }
0x89: {  	s3 =	sld [smem:$0x3FFE];
	_ =	sdelay $0x1  }
0x8a: {  	s1 =	srdreg.scid  }
0x8b: {  	s0 =	sand.u32 $0x1, s1  }
0x8c: {  	s16 =	sshll.u32 s0, $0xA;
	s2 =	sadd.s32 s3, s2  }
0x8d: {  	s2 =	sadd.s32 s2, s16  }
0x8e: {  	[smem:$0x3FBF] =	sst s2  }
0x8f: {  	_ = 	snop  }
0x90: {  	(tm) =	ssettm $0x1  }
0x91: {  	s17 =	sld [smem:$0x3FFB];
	_ =	sdelay $0x3  }
0x92: {  	_ =	strace s17  }
0x93: {  	s2 =	sld [smem:$0x3FFC];
	_ =	sdelay $0x3  }
0x94: {  	_ =	strace s2  }
0x95: {  	s2 =	sld [smem:$0x3FFD];
	_ =	sdelay $0x3  }
0x96: {  	_ =	strace s2  }
0x97: {  	_ =	strace $0x8FFFFFFF  }
0x98: {  	s18 =	sld [smem:$0x3FDB];
	_ =	sdelay $0x1  }
0x99: {  	s19 =	simm.s32 $_scs_section_size  }
0x9a: {  	s4 =	simm.s32 $_size__tile_overlayer_lowered;
	s5 =	simm.s32 $_tile_overlayer_lowered  }
0x9b: {  	s22 =	simm.s32 $0x1BFF;
	s21 =	sshll.u32 s5, $0x1;
	s2 =	sadd.s32 s19, s18  }
0x9c: {  	s6 =	simm.s32 $0x0;
	s20 =	sshll.u32 s4, $0x1;
	s4 =	sadd.s32 s21, s2  }
0x9d: {  	[timem:s6], [sflag:s22] =	dma.local [hbm:s4], s20  }
0x9e: {  	_ =	swait.ge [sflag:s22], s20  }
0x9f: {  	s3 =	ssub.s32 $0x0, s20;
	[sflag:s22] =	ssyncset.done $0x0  }
0xa0: {  	[sflag:s22] =	ssyncadd.s32 s3;
	_ =	sdelay $0x1  }
0xa1: {  	s23 =	simm.s32 $0x1B8B  }
0xa2: {  	_ =	swait.ge [sflag:s23], $0x1  }
0xa3: {  	[sflag:s23] =	ssyncset.done $0x0  }
0xa4: {  	s25 =	simm.s32 $0x1B8E;
	s24 =	sld [smem:$0x3FFE];
	[sflag:s23] =	ssyncadd.s32 $0xFFFFFFFF  }
0xa5: {  	s26 =	simm.s32 $execute0_lowered;
	[smem:$0x3FD2] =	sst s25  }
0xa6: {  	s4 =	sshll.u32 s26, $0x1;
	_ =	strace $0x8000004C;
	[dreg:$0x1] =	wrdreg $0xFFFFFFFF  }
0xa7: {  	s28 =	simm.s32 $_size_execute0_lowered;
	s2 =	sadd.s32 s2, s4;
	[dreg:$0x0] =	wrdreg $0x0  }
0xa8: {  	s4 =	sshll.u32 s28, $0x1;
	[dreg:$0x2] =	wrdreg s2  }
0xa9: {  	[dreg:$0x3] =	wrdreg s4  }
0xaa: {  	[dreg:$0x4] =	wrdreg $0xC0  }
0xab: {  	_ =	task [dreg:s6], $0x5FFFF  }
0xac: {  	[dreg:$0x1] =	wrdreg $0xFFFFFFFF  }
0xad: {  	[dreg:$0x0] =	wrdreg $0x60  }
0xae: {  	[dreg:$0x2] =	wrdreg s24  }
0xaf: {  	[dreg:$0x3] =	wrdreg $0xA4000  }
0xb0: {  	[dreg:$0x4] =	wrdreg $0x9  }
0xb1: {  	_ =	task.clear_ibuf [dreg:s6], $0x5FFFF;
	_ =	strace $0x9000004C  }
0xb2: {  	s29 =	simm.s32 $0x9;
	_ =	strace $0x8000004E  }
0xb3: {  	_ =	swait.ge [sflag:s29], $0x1  }
0xb4: {  	[sflag:s29] =	ssyncadd.s32 $0xFFFFFFFF  }
0xb5: {  	_ =	strace $0x9000004E  }
0xb6: {  	_ =	sfence  }
0xb7: {  	s30 =	sld [smem:$0x0];
	_ =	sdelay $0x2  }
0xb8: {  	s31 =	sshll.u32 s1, $0xD;
	s1 =	sshrl.u32 s1, $0x2  }
0xb9: {  	s3 =	sand.u32 $0x4000, s31;
	s1 =	sadd.s32 s1, s30  }
0xba: {  	s0 =	sor.u32 s3, s0;
	s1 =	sshll.u32 s1, $0x11  }
0xbb: {  	s0 =	sor.u32 s1, s0  }
0xbc: {  	s0 =	sadd.s32 $0x8F2B, s0  }
0xbd: {  	[sflag:s0] =	ssyncadd.remote.s32 $0x1  }
0xbe: {  	_ =	sfence.sel $0xFFFF  }
0xbf: {  	[dreg:$0x0] =	wrdreg $0xFFFFFFFF;
	(pc) =	sbr.abs _section_cstart, $3  }
0xc0: {  	[dreg:$0x1] =	wrdreg $0xFFFFFFFF  }
0xc1: {  	_ =	task.clear_ibuf [dreg:s6], $0x2FFFF;
	_ =	strace $0x9FFFFFFF  }
0xc2: {  	(tm) =	ssettm $0x7FFFFFFF  }
0xc3: {  	_ =	shalt  }
tec
execute0_lowered:
.L_overlay_start_1:
0x0: {  	(tag) =	ssettag $0x1  }
0x1: {  	s0 =	rddreg [dreg:$0x0]  }
0x2: {  	s2 =	rddreg [dreg:$0x1];
	s1 =	srdreg.scid  }
0x3: {  	s13 =	stileid.u32;
	s3 =	simm.s32 $0x0;
	s17 =	simm.s32 $0x200  }
0x4: {  	s18 =	simm.s32 $0x1;
	s19 =	simm.s32 $0x50;
	s20 =	simm.s32 $0x400  }
0x5: {  	s28 =	simm.s32 $0x3;
	s29 =	simm.s32 $0x300;
	s10 =	smul.u32 $0x50000, s13  }
0x6: {  	s30 =	simm.s32 $0x5400;
	s31 =	simm.s32 $0x6;
	s12 =	smul.u32 $0xFA, s13  }
0x7: {  	s1 =	sand.u32 $0x1, s1;
	s4 =	sshll.u32 s13, $0x1;
	s26 =	smul.u32 $0x2800, s13  }
0x8: {  	[smem:$0x7FF] =	sst s3;
	s5 =	sadd.s32 $0x2C00, s0;
	s6 =	smul.u32 $0x28000, s1  }
0x9: {  	s7 =	sor.u32 s1, s4;
	s22 =	ssub.s32 $0x2, s1;
	s1 =	smul.u32 $0x7D, s1  }
0xa: {  	s9 =	sadd.s32 $0x4A000, s0;
	_ =	strace $0x8000004D;
	s8 =	smul.u32 $0xFA0, s7  }
0xb: {  	s4 =	sadd.s32 $0x22000, s0;
	[dreg:$0x3] =	wrdreg s9;
	s21 =	smul.u32 $0x7D00, s7  }
0xc: {  	s11 =	sshrl.u32 s22, $0x1;
	s7 =	smul.u32 $0x7D, s7;
	s25 =	sshrl.u32 s10, $0x2  }
0xd: {  	s10 =	simm.s32 $0x0;
	s0 =	sadd.s32 s6, s0;
	s6 =	ssub.s32 s22, s11  }
0xe: {  	s1 =	sadd.s32 s1, s12;
	s22 =	simm.s32 $0x2C00;
	s11 =	simm.s32 $0xA  }
0xf: {  	s12 =	simm.s32 $0x8;
	s9 =	sshrl.u32 s21, $0x3;
	s8 =	sadd.s32 s5, s8  }
0x10: {  	s0 =	sadd.s32 $0x4C800, s0;
	s1 =	sshll.u32 s1, $0x5;
	s6 =	smax.u32 s6, $0x1  }
0x11: {  	s21 =	simm.s32 $0x2;
	s9 =	sadd.s32 s5, s9;
	[dreg:$0x4] =	wrdreg s8  }
0x12: {  	s8 =	sadd.s32 s25, s2;
	[dreg:$0x8] =	wrdreg s6;
	s1 =	sadd.s32 s1, s5  }
0x13: {  	s0 =	sadd.s32 s26, s0;
	s25 =	simm.s32 $0x5;
	s6 =	simm.s32 $0x4  }
.Ltmp0:
0x14: {  	s23 =	sadd.s32 $0x20, s9;
	s24 =	sadd.s32 $0x40, s9;
	(pc) =	sbr.rel .LBB2_1-.Ltmp0, $4  }
0x15: {  	[dreg:$0x7] =	wrdreg s8;
	s13 =	sadd.s32 $0xC0, s1;
	s14 =	sadd.s32 $0xA0, s1  }
0x16: {  	s15 =	sadd.s32 $0x80, s1;
	[dreg:$0x9] =	wrdreg s0;
	s1 =	simm.s32 $0x9  }
0x17: {  	s8 =	simm.s32 $0x7C00;
	s9 =	simm.s32 $0x7;
	[dreg:$0x5] =	wrdreg s23  }
0x18: {  	[dreg:$0x6] =	wrdreg s24;
	s24 =	simm.s32 $0xD;
	s23 =	simm.s32 $0xB  }
.LBB2_4:
0x19: {  	_ =	swait.ge [sflag:s25], $0x2800  }
0x1a: {  	[sflag:s25] =	ssyncset.done $0x0  }
0x1b: {  	s0 =	simm.s32 $0x80;
	s24 =	simm.s32 $0xC;
	[sflag:s25] =	ssyncadd.s32 $0xFFFFD800  }
0x1c: {  	[spmem:s2] =	stream.indirect.scatter.add.f32 [tilespmem:s20], [sflag:$0x9], $0x80, s0, s19, $0xb8;
	[tilespmem:$0x1E400] =	vst v63  }
0x1d: {  	_ =	swait.ge [sflag:s24], $0x2800  }
0x1e: {  	[sflag:s24] =	ssyncset.done $0x0  }
0x1f: {  	[sflag:s24] =	ssyncadd.s32 $0xFFFFD800  }
0x20: {  	_ =	swait.ge [sflag:s1], $0x2800  }
0x21: {  	[sflag:s1] =	ssyncset.done $0x0  }
0x22: {  	[sflag:s1] =	ssyncadd.s32 $0xFFFFD800  }
0x23: {  	[bflag:$0x0] =	sbarrier.arrive $0xFFFF  }
0x24: {  	s26 =	rddreg [dreg:$0x9]  }
0x25: {  	s10 =	rddreg [dreg:$0xb]  }
0x26: {  	s24 =	simm.s32 $0xD;
	s16 =	rddreg [dreg:$0xc]  }
0x27: {  	[hbm:s26], [sflag:s10] =	dma.local [spmem:s16], $0x2800  }
0x28: {  	_ =	swait.ge [sflag:s24], $0x2800  }
0x29: {  	s16 =	rddreg [dreg:$0xa]  }
0x2a: {  	s26 =	rddreg [dreg:$0x8];
	s10 =	sadd.s32 $0x1, s16  }
0x2b: {  	p0 =	sne.s32 s10, s26  }
.Ltmp1:
0x2c: {  	_ = 	snop;
	(pc) =	sbr.rel @!p0 .LBB2_5-.Ltmp1, $3  }
0x2d: {  	_ =	sdelay $0x1  }
0x2e: {  	[sflag:s24] =	ssyncset.done $0x0  }
0x2f: {  	[sflag:s24] =	ssyncadd.s32 $0xFFFFD800  }
.LBB2_1:
0x30: {  	[dreg:$0xa] =	wrdreg s10  }
0x31: {  	s0 =	rddreg [dreg:$0x4]  }
0x32: {  	[tilespmem:s3], [sflag:$0x1] =	stream.linear.gather [hbm4b:s0+s3], $0x100, $0x38;
	[tilespmem:$0x1E400] =	vst v63  }
0x33: {  	s10 =	rddreg [dreg:$0x5];
	s16 =	simm.s32 $0x100  }
0x34: {  	[tilespmem:s16], [sflag:$0x2] =	stream.linear.gather [hbm4b:s10+s3], $0x100, $0x38;
	[tilespmem:$0x1E400] =	vst v63  }
0x35: {  	s26 =	rddreg [dreg:$0x6]  }
0x36: {  	[tilespmem:s17], [sflag:$0x3] =	stream.linear.gather [hbm4b:s26+s3], $0x100, $0x38;
	[tilespmem:$0x1E400] =	vst v63  }
0x37: {  	_ =	swait.ge [sflag:s18], $0x100  }
0x38: {  	[sflag:s18] =	ssyncset.done $0x0  }
0x39: {  	[sflag:s18] =	ssyncadd.s32 $0xFFFFFF00  }
0x3a: {  	[tilespmem:s20], [sflag:$0x5] =	stream.indirect.gather [hbm4b:s4+s19], $0x80, s3, s19, $0xb8;
	[tilespmem:$0x1E400] =	vst v63  }
0x3b: {  	_ =	swait.ge [sflag:s21], $0x100  }
0x3c: {  	[sflag:s21] =	ssyncset.done $0x0  }
0x3d: {  	s10 =	stileid.u32;
	s26 =	rddreg [dreg:$0x7];
	[sflag:s21] =	ssyncadd.s32 $0xFFFFFF00  }
0x3e: {  	[tilespmem:s22], [sflag:$0x6] =	stream.indirect.gather [hbm4b:s4+s19], $0x80, s16, s19, $0xb8;
	[tilespmem:$0x1E400] =	vst v63  }
0x3f: {  	s0 =	sshrl.u32 s26, $0x3;
	s26 =	rddreg [dreg:$0x3];
	s16 =	sshll.u32 s10, $0x6  }
0x40: {  	[dreg:$0xc] =	wrdreg s0;
	s16 =	sor.u32 $0x1C0D, s16  }
0x41: {  	[dreg:$0xb] =	wrdreg s16  }
0x42: {  	[spmem:s0], [sflag:s16] =	dma.local [hbm:s26], $0x2800  }
0x43: {  	_ =	swait.ge [sflag:s24], $0x2800  }
0x44: {  	[sflag:s24] =	ssyncset.done $0x0  }
0x45: {  	[sflag:s24] =	ssyncadd.s32 $0xFFFFD800  }
0x46: {  	s0 =	simm.s32 $0x3;
	s26 =	simm.s32 $0x0;
	[bflag:$0x0] =	sbarrier.arrive $0xFFFF  }
.LBB2_2:
0x47: {  	_ =	swait.ge [sflag:s25], $0x2800  }
0x48: {  	p0 =	seq.s32 s26, $0x0;
	s16 =	smov.u32 s0;
	[sflag:s25] =	ssyncset.done $0x0  }
0x49: {  	s10 =	simm.s32 $0x80;
	s16 =	simm.s32 @p0 $0x3;
	[sflag:s25] =	ssyncadd.s32 $0xFFFFD800  }
0x4a: {  	[spmem:s2] =	stream.indirect.scatter.add.f32 [tilespmem:s20], [sflag:$0x9], $0x80, s10, s19, $0xb8;
	[tilespmem:$0x1E400] =	vst v63  }
0x4b: {  	s16 =	sadd.s32 s7, s16;
	s10 =	simm.s32 @!p0 $0xC  }
0x4c: {  	s16 =	sshll.u32 s16, $0x5;
	_ =	swait.ge @!p0 [sflag:s10], $0x2800  }
0x4d: {  	s16 =	sand.u32 $0x1FFFFFE0, s16;
	[sflag:s10] =	ssyncset.done @!p0 $0x0  }
0x4e: {  	s24 =	sadd.s32 s5, s16;
	[sflag:s10] =	ssyncadd.s32 @!p0 $0xFFFFD800  }
0x4f: {  	[tilespmem:s29], [sflag:$0x4] =	stream.linear.gather [hbm4b:s24+s3], $0x100, $0x38;
	[tilespmem:$0x1E400] =	vst v63  }
0x50: {  	_ =	swait.ge [sflag:s28], $0x100  }
0x51: {  	[sflag:s28] =	ssyncset.done $0x0  }
0x52: {  	[sflag:s28] =	ssyncadd.s32 $0xFFFFFF00  }
0x53: {  	[tilespmem:s30], [sflag:$0x7] =	stream.indirect.gather [hbm4b:s4+s19], $0x80, s17, s19, $0xb8;
	[tilespmem:$0x1E400] =	vst v63  }
0x54: {  	_ =	swait.ge [sflag:s31], $0x2800  }
0x55: {  	[sflag:s31] =	ssyncset.done $0x0  }
0x56: {  	s16 =	simm.s32 $0x180;
	[sflag:s31] =	ssyncadd.s32 $0xFFFFD800  }
0x57: {  	[spmem:s2] =	stream.indirect.scatter.add.f32 [tilespmem:s22], [sflag:$0xA], $0x80, s16, s19, $0xb8;
	[tilespmem:$0x1E400] =	vst v63  }
0x58: {  	_ =	swait.ge [sflag:s1], $0x2800  }
0x59: {  	[sflag:s1] =	ssyncset.done $0x0  }
0x5a: {  	s24 =	sadd.s32 s26, s15;
	[sflag:s1] =	ssyncadd.s32 $0xFFFFD800  }
0x5b: {  	[tilespmem:s3], [sflag:$0x1] =	stream.linear.gather [hbm4b:s24+s3], $0x100, $0x38;
	[tilespmem:$0x1E400] =	vst v63  }
0x5c: {  	_ =	swait.ge [sflag:s6], $0x100  }
0x5d: {  	[sflag:s6] =	ssyncset.done $0x0  }
0x5e: {  	[sflag:s6] =	ssyncadd.s32 $0xFFFFFF00  }
0x5f: {  	[tilespmem:s8], [sflag:$0x8] =	stream.indirect.gather [hbm4b:s4+s19], $0x80, s29, s19, $0xb8;
	[tilespmem:$0x1E400] =	vst v63  }
0x60: {  	_ =	swait.ge [sflag:s9], $0x2800  }
0x61: {  	[sflag:s9] =	ssyncset.done $0x0  }
0x62: {  	s16 =	simm.s32 $0x280;
	[sflag:s9] =	ssyncadd.s32 $0xFFFFD800  }
0x63: {  	[spmem:s2] =	stream.indirect.scatter.add.f32 [tilespmem:s30], [sflag:$0xB], $0x80, s16, s19, $0xb8;
	[tilespmem:$0x1E400] =	vst v63  }
0x64: {  	p0 =	seq.s32 s26, $0xF00;
	_ =	swait.ge [sflag:s11], $0x2800  }
0x65: {  	s10 =	sadd.s32 @!p0 s26, s14;
	[sflag:s11] =	ssyncset.done $0x0  }
0x66: {  	s24 =	simm.s32 @!p0 $0x100;
	s16 =	simm.s32 @!p0 $0x0;
	[sflag:s11] =	ssyncadd.s32 $0xFFFFD800  }
0x67: {  	[tilespmem:s24], [sflag:$0x2] =	stream.linear.gather @!p0 [hbm4b:s10+s16], $0x100, $0x38;
	[tilespmem:$0x1E400] =	vst v63  }
0x68: {  	_ =	swait.ge [sflag:s18], $0x100  }
0x69: {  	[sflag:s18] =	ssyncset.done $0x0  }
0x6a: {  	[sflag:s18] =	ssyncadd.s32 $0xFFFFFF00  }
0x6b: {  	[tilespmem:s20], [sflag:$0x5] =	stream.indirect.gather [hbm4b:s4+s19], $0x80, s3, s19, $0xb8;
	[tilespmem:$0x1E400] =	vst v63  }
0x6c: {  	_ =	swait.ge [sflag:s12], $0x2800  }
0x6d: {  	[sflag:s12] =	ssyncset.done $0x0  }
.Ltmp2:
0x6e: {  	s24 =	simm.s32 $0x380;
	[sflag:s12] =	ssyncadd.s32 $0xFFFFD800;
	(pc) =	sbr.rel @p0 .LBB2_4-.Ltmp2, $4  }
0x6f: {  	[spmem:s2] =	stream.indirect.scatter.add.f32 [tilespmem:s8], [sflag:$0xC], $0x80, s24, s19, $0xb8;
	[tilespmem:$0x1E400] =	vst v63  }
0x70: {  	_ =	swait.ge [sflag:s23], $0x2800  }
0x71: {  	[sflag:s23] =	ssyncset.done $0x0  }
0x72: {  	[sflag:s23] =	ssyncadd.s32 $0xFFFFD800  }
0x73: {  	s10 =	sadd.s32 s26, s13  }
0x74: {  	[tilespmem:s17], [sflag:$0x3] =	stream.linear.gather [hbm4b:s10+s3], $0x100, $0x38;
	[tilespmem:$0x1E400] =	vst v63  }
.Ltmp3:
0x75: {  	_ = 	snop;
	(pc) =	sbr.rel .LBB2_2-.Ltmp3, $4  }
0x76: {  	_ =	swait.ge [sflag:s21], $0x100  }
0x77: {  	s24 =	simm.s32 $0x100;
	[sflag:s21] =	ssyncset.done $0x0  }
0x78: {  	s26 =	sadd.s32 $0x80, s26;
	s0 =	sadd.s32 $0x4, s0;
	[sflag:s21] =	ssyncadd.s32 $0xFFFFFF00  }
0x79: {  	[tilespmem:s22], [sflag:$0x6] =	stream.indirect.gather [hbm4b:s4+s19], $0x80, s24, s19, $0xb8;
	[tilespmem:$0x1E400] =	vst v63  }
.LBB2_5:
0x7a: {  	_ =	sfence.sel $0x180000  }
0x7b: {  	[bflag:$0x0] =	sbarrier.arrive $0xFFFF  }
0x7c: {  	_ =	strace $0x9000004D  }
0x7d: {  	s0 =	stileid.u32;
	[bflag:$0x2] =	sbarrier.arrive $0xFFFF  }
0x7e: {  	p0 =	sne.s32 s0, $0x0;
	s0 =	rddreg [dreg:$0x2]  }
0x7f: {  	s0 =	sadd.s32 @!p0 $0x100000, s0  }
0x80: {  	[sflag:s0] =	ssyncadd.tile.s32 @!p0 $0x1;
	_ =	shalt  }
.Lfunc_end2:
_tile_overlayer_lowered:
.L_overlay_start_2:
0x81: {  	(tag) =	ssettag $0x2  }
0x82: {  	s0 =	rddreg [dreg:$0x0];
	s2 =	stileid.u32  }
0x83: {  	s1 =	rddreg [dreg:$0x1];
	p0 =	sne.s32 s2, $0x0  }
0x84: {  	s3 =	rddreg [dreg:$0x2];
	[bflag:$0x3] =	sbarrier.arrive $0xFFFF;
	s2 =	simm.s32 @!p0 $0x1C0D  }
0x85: {  	[timem:s3], [sflag:s2] =	dma.local @!p0 [hbm:s0], s1  }
0x86: {  	s0 =	simm.s32 @!p0 $0xD  }
0x87: {  	_ =	swait.ge @!p0 [sflag:s0], s1  }
0x88: {  	s1 =	ssub.s32 @!p0 $0x0, s1;
	[sflag:s0] =	ssyncset.done @!p0 $0x0  }
0x89: {  	[sflag:s0] =	ssyncadd.s32 @!p0 s1  }
0x8a: {  	[bflag:$0x3] =	sbarrier.arrive $0xFFFF  }
0x8b: {  	_ =	shalt  }

// kernel: kernel.8.cloned.1.call-start
scs
__scs_entry_jumppad:
0x0: {  	(pc) =	sbr.rel $0x88, $3  }
0x1: {  	(tag) =	ssettag $0x0;
	lr =	simm.s32 $0x1  }
0x2: {  	[smem:$0x3F98] =	sst lr;
	_ =	strace $0xD0000000  }
0x3: {  	_ = 	snop  }
0x4: {  	_ = 	snop  }
0x5: {  	_ = 	snop  }
0x6: {  	_ = 	snop  }
0x7: {  	_ = 	snop  }
__scs_overlays_trampoline_lowered:
0x8: {  	[smem:$0x3FA7] =	sst s0  }
0x9: {  	[smem:$0x3FA8] =	sst s1  }
0xa: {  	[smem:$0x3FA9] =	sst s2  }
0xb: {  	[smem:$0x3FAA] =	sst s3  }
0xc: {  	[smem:$0x3FAB] =	sst s4  }
0xd: {  	[smem:$0x3FAC] =	sst s5  }
0xe: {  	[smem:$0x3FAD] =	sst s6  }
0xf: {  	[smem:$0x3FAE] =	sst s7  }
0x10: {  	[smem:$0x3FAF] =	sst s8  }
0x11: {  	[smem:$0x3FB0] =	sst s9;
	s0 =	simm.s32 @!p0 $0x0  }
0x12: {  	s1 =	sld [smem:$0x3F96];
	s0 =	simm.s32 @p0 $0x1  }
0x13: {  	[smem:$0x3FB1] =	sst s0;
	s0 =	simm.s32 @!p1 $0x0  }
0x14: {  	s2 =	sld [smem:$0x3F95];
	s0 =	simm.s32 @p1 $0x1  }
0x15: {  	[smem:$0x3FB2] =	sst s0;
	s0 =	simm.s32 @!p2 $0x0  }
0x16: {  	s3 =	sld [smem:$0x3FDB];
	s0 =	simm.s32 @p2 $0x1  }
0x17: {  	s4 =	simm.s32 $0x1BF5;
	[smem:$0x3FB4] =	sst s0  }
0x18: {  	s0 =	sld [smem:$0x3F97];
	_ =	swait.ge [sflag:s4], $0x0  }
0x19: {  	s7 =	sld [smem:$0x3F98]  }
0x1a: {  	s8 =	sadd.s32 $0xFFFFE003, lr  }
0x1b: {  	s9 =	sadd.s32 $0xFFFFFEF7, lr;
	s5 =	simm.s32 $0xFFFFFFFF;
	p2 =	slt.u32 s8, $0xFFFFF086  }
0x1c: {  	p1 =	slt.u32 s9, $0xF7A;
	s5 =	simm.s32 @!p2 $0x0  }
0x1d: {  	s5 =	simm.s32 @p1 $0x1;
	p0 =	seq.s32 s7, s2  }
0x1e: {  	s7 =	smul.u32 @!p0 $0xF7A, s2;
	p2 =	seq.s32 @!p0 s5, $0x0  }
0x1f: {  	s9 =	smul.u32 $0xF7A, s1;
	s8 =	simm.s32 @!p0 $0x1BF5;
	p2 =	por !p2, p0  }
0x20: {  	[sflag:s8] =	ssyncset.s32 @!p0 $0xFFFFF086;
	s6 =	sadd.s32 @!p0 s3, s7;
	s7 =	simm.s32 @!p0 $0x108  }
0x21: {  	s3 =	sadd.s32 s3, s9;
	s6 =	sadd.s32 @!p0 $0x88, s6;
	s7 =	simm.s32 @p2 $0x1082  }
0x22: {  	[simem:s7], [sflag:s8] =	dma.local @!p0 [hbm:s6], $0xF7A  }
0x23: {  	s9 =	sor.u32 $0xD0000000, s2;
	s6 =	simm.s32 $0x108;
	_ =	swait.ge @!p0 [sflag:s8], $0x0  }
0x24: {  	s3 =	sadd.s32 $0x88, s3;
	s6 =	simm.s32 @!p1 $0x1082;
	[sflag:s4] =	ssyncset.s32 $0xFFFFF086  }
0x25: {  	[simem:s6], [sflag:s4] =	dma.local [hbm:s3], $0xF7A  }
0x26: {  	[smem:$0x3F98] =	sst s1;
	(tag) =	ssettag s2;
	_ =	strace s9  }
0x27: {  	s1 =	sld [smem:$0x3FA8]  }
0x28: {  	s2 =	sld [smem:$0x3FA9]  }
0x29: {  	s4 =	sld [smem:$0x3FAB]  }
0x2a: {  	p0 =	seq.s32 s5, $0x0;
	s5 =	sld [smem:$0x3FAC]  }
0x2b: {  	s6 =	sld [smem:$0x3FAD]  }
0x2c: {  	s7 =	sld [smem:$0x3FAE]  }
0x2d: {  	s3 =	simm.s32 $0x108;
	s8 =	sld [smem:$0x3FAF]  }
0x2e: {  	s3 =	simm.s32 @!p0 $0x1082;
	s9 =	sld [smem:$0x3FB0]  }
0x2f: {  	lr =	sadd.s32 s0, s3;
	s0 =	sld [smem:$0x3FA7]  }
0x30: {  	s3 =	sld [smem:$0x3FAA]  }
0x31: {  	[smem:$0x3FB3] =	sst s10  }
0x32: {  	s10 =	sld [smem:$0x3FB1];
	_ =	sdelay $0x3  }
0x33: {  	p0 =	seq.s32 s10, $0x1;
	s10 =	sld [smem:$0x3FB3];
	_ =	sdelay $0x3  }
0x34: {  	[smem:$0x3FB3] =	sst s10  }
0x35: {  	s10 =	sld [smem:$0x3FB2];
	_ =	sdelay $0x3  }
0x36: {  	p1 =	seq.s32 s10, $0x1;
	s10 =	sld [smem:$0x3FB3];
	_ =	sdelay $0x3  }
0x37: {  	[smem:$0x3FB3] =	sst s10  }
0x38: {  	s10 =	sld [smem:$0x3FB4]  }
0x39: {  	_ = 	snop;
	(pc) =	sbr.ind lr, $3  }
0x3a: {  	_ = 	snop  }
0x3b: {  	_ = 	snop  }
0x3c: {  	p2 =	seq.s32 s10, $0x1;
	s10 =	sld [smem:$0x3FB3]  }
0x3d: {  	_ =	shalt  }
0x3e: {  	_ =	shalt  }
0x3f: {  	_ =	shalt  }
0x40: {  	_ =	shalt  }
0x41: {  	_ =	shalt  }
0x42: {  	_ =	shalt  }
0x43: {  	_ =	shalt  }
0x44: {  	_ =	shalt  }
0x45: {  	_ =	shalt  }
0x46: {  	_ =	shalt  }
0x47: {  	_ =	shalt  }
0x48: {  	_ =	shalt  }
0x49: {  	_ =	shalt  }
0x4a: {  	_ =	shalt  }
0x4b: {  	_ =	shalt  }
0x4c: {  	_ =	shalt  }
0x4d: {  	_ =	shalt  }
0x4e: {  	_ =	shalt  }
0x4f: {  	_ =	shalt  }
0x50: {  	_ =	shalt  }
0x51: {  	_ =	shalt  }
0x52: {  	_ =	shalt  }
0x53: {  	_ =	shalt  }
0x54: {  	_ =	shalt  }
0x55: {  	_ =	shalt  }
0x56: {  	_ =	shalt  }
0x57: {  	_ =	shalt  }
0x58: {  	_ =	shalt  }
0x59: {  	_ =	shalt  }
0x5a: {  	_ =	shalt  }
0x5b: {  	_ =	shalt  }
0x5c: {  	_ =	shalt  }
0x5d: {  	_ =	shalt  }
0x5e: {  	_ =	shalt  }
0x5f: {  	_ =	shalt  }
0x60: {  	_ =	shalt  }
0x61: {  	_ =	shalt  }
0x62: {  	_ =	shalt  }
0x63: {  	_ =	shalt  }
0x64: {  	_ =	shalt  }
0x65: {  	_ =	shalt  }
0x66: {  	_ =	shalt  }
0x67: {  	_ =	shalt  }
0x68: {  	_ =	shalt  }
0x69: {  	_ =	shalt  }
0x6a: {  	_ =	shalt  }
0x6b: {  	_ =	shalt  }
0x6c: {  	_ =	shalt  }
0x6d: {  	_ =	shalt  }
0x6e: {  	_ =	shalt  }
0x6f: {  	_ =	shalt  }
0x70: {  	_ =	shalt  }
0x71: {  	_ =	shalt  }
0x72: {  	_ =	shalt  }
0x73: {  	_ =	shalt  }
0x74: {  	_ =	shalt  }
0x75: {  	_ =	shalt  }
0x76: {  	_ =	shalt  }
0x77: {  	_ =	shalt  }
0x78: {  	_ =	shalt  }
0x79: {  	_ =	shalt  }
0x7a: {  	_ =	shalt  }
0x7b: {  	_ =	shalt  }
0x7c: {  	_ =	shalt  }
0x7d: {  	_ =	shalt  }
0x7e: {  	_ =	shalt  }
0x7f: {  	_ =	shalt  }
0x80: {  	_ =	shalt  }
0x81: {  	_ =	shalt  }
0x82: {  	_ =	shalt  }
0x83: {  	_ =	shalt  }
0x84: {  	_ =	shalt  }
0x85: {  	_ =	shalt  }
0x86: {  	_ =	shalt  }
0x87: {  	_ =	shalt  }
.Lfunc_end0:
.L_simem_size_0:
called_computation_lowered:
.L_overlay_start_0:
0x88: {  	s2 =	sld [smem:$0x3FD9]  }
0x89: {  	s3 =	sld [smem:$0x3FFE];
	_ =	sdelay $0x1  }
0x8a: {  	s1 =	srdreg.scid  }
0x8b: {  	s0 =	sand.u32 $0x1, s1  }
0x8c: {  	s17 =	sshll.u32 s0, $0xA;
	s2 =	sadd.s32 s3, s2  }
0x8d: {  	s2 =	sadd.s32 s2, s17  }
0x8e: {  	[smem:$0x3FBF] =	sst s2  }
0x8f: {  	_ = 	snop  }
0x90: {  	s2 =	sld [smem:$0x3FD0];
	(tm) =	ssettm $0x1  }
0x91: {  	s18 =	sld [smem:$0x3FFB];
	_ =	sdelay $0x3  }
0x92: {  	_ =	strace s18  }
0x93: {  	s3 =	sld [smem:$0x3FFC];
	_ =	sdelay $0x3  }
0x94: {  	_ =	strace s3  }
0x95: {  	s3 =	sld [smem:$0x3FFD];
	_ =	sdelay $0x3  }
0x96: {  	_ =	strace s3  }
0x97: {  	_ =	strace $0x8FFFFFFF  }
0x98: {  	s19 =	sld [smem:$0x3FDB];
	_ =	sdelay $0x1  }
0x99: {  	s4 =	simm.s32 $_scs_section_size  }
0x9a: {  	s5 =	simm.s32 $_size__tile_overlayer_lowered;
	s6 =	simm.s32 $_tile_overlayer_lowered  }
0x9b: {  	s22 =	simm.s32 $0x1BFF;
	s21 =	sshll.u32 s6, $0x1;
	s3 =	sadd.s32 s4, s19  }
0x9c: {  	s7 =	simm.s32 $0x0;
	s20 =	sshll.u32 s5, $0x1;
	s5 =	sadd.s32 s21, s3  }
0x9d: {  	[timem:s7], [sflag:s22] =	dma.local [hbm:s5], s20  }
0x9e: {  	_ =	swait.ge [sflag:s22], s20  }
0x9f: {  	s4 =	ssub.s32 $0x0, s20;
	[sflag:s22] =	ssyncset.done $0x0  }
0xa0: {  	[sflag:s22] =	ssyncadd.s32 s4;
	_ =	sdelay $0x1  }
0xa1: {  	s23 =	simm.s32 $0x1B8B  }
0xa2: {  	_ =	swait.ge [sflag:s23], $0x1  }
0xa3: {  	[sflag:s23] =	ssyncset.done $0x0  }
0xa4: {  	s25 =	simm.s32 $0x1B8E;
	s24 =	sld [smem:$0x3FFE];
	[sflag:s23] =	ssyncadd.s32 $0xFFFFFFFF  }
0xa5: {  	s26 =	simm.s32 $execute0_lowered;
	[smem:$0x3FD2] =	sst s25  }
0xa6: {  	s5 =	sshll.u32 s26, $0x1;
	_ =	strace $0x80000046;
	[dreg:$0x1] =	wrdreg $0xFFFFFFFF  }
0xa7: {  	s28 =	simm.s32 $_size_execute0_lowered;
	s3 =	sadd.s32 s3, s5;
	[dreg:$0x0] =	wrdreg $0x0  }
0xa8: {  	s5 =	sshll.u32 s28, $0x1;
	[dreg:$0x2] =	wrdreg s3  }
0xa9: {  	[dreg:$0x3] =	wrdreg s5  }
0xaa: {  	[dreg:$0x4] =	wrdreg $0xC0  }
0xab: {  	_ =	task [dreg:s7], $0x5FFFF  }
0xac: {  	[dreg:$0x1] =	wrdreg $0xFFFFFFFF  }
0xad: {  	[dreg:$0x0] =	wrdreg $0x60  }
0xae: {  	[dreg:$0x2] =	wrdreg s24  }
0xaf: {  	[dreg:$0x3] =	wrdreg s2  }
0xb0: {  	[dreg:$0x4] =	wrdreg $0x4800  }
0xb1: {  	[dreg:$0x5] =	wrdreg $0x9  }
0xb2: {  	_ =	task.clear_ibuf [dreg:s7], $0x6FFFF;
	_ =	strace $0x90000046  }
0xb3: {  	s29 =	simm.s32 $0x9;
	_ =	strace $0x80000048  }
0xb4: {  	_ =	swait.ge [sflag:s29], $0x1  }
0xb5: {  	[sflag:s29] =	ssyncadd.s32 $0xFFFFFFFF  }
0xb6: {  	_ =	strace $0x90000048  }
0xb7: {  	_ =	sfence  }
0xb8: {  	s30 =	sld [smem:$0x0];
	_ =	sdelay $0x2  }
0xb9: {  	s31 =	sshll.u32 s1, $0xD;
	s1 =	sshrl.u32 s1, $0x2  }
0xba: {  	s3 =	sand.u32 $0x4000, s31;
	s1 =	sadd.s32 s1, s30  }
0xbb: {  	s0 =	sor.u32 s3, s0;
	s1 =	sshll.u32 s1, $0x11  }
0xbc: {  	s0 =	sor.u32 s1, s0  }
0xbd: {  	s0 =	sadd.s32 $0x8F2B, s0  }
0xbe: {  	[sflag:s0] =	ssyncadd.remote.s32 $0x1  }
0xbf: {  	_ =	sfence.sel $0xFFFF  }
0xc0: {  	[dreg:$0x0] =	wrdreg $0xFFFFFFFF;
	(pc) =	sbr.abs _section_cstart, $3  }
0xc1: {  	[dreg:$0x1] =	wrdreg $0xFFFFFFFF  }
0xc2: {  	_ =	task.clear_ibuf [dreg:s7], $0x2FFFF;
	_ =	strace $0x9FFFFFFF  }
0xc3: {  	(tm) =	ssettm $0x7FFFFFFF  }
tec
execute0_lowered:
.L_overlay_start_1:
0x0: {  	(tag) =	ssettag $0x1  }
0x1: {  	s0 =	rddreg [dreg:$0x0]  }
0x2: {  	s3 =	rddreg [dreg:$0x2];
	s4 =	simm.s32 $0x0  }
0x3: {  	s1 =	srdreg.scid;
	s10 =	stileid.u32;
	s17 =	simm.s32 $0x80  }
0x4: {  	s18 =	simm.s32 $0x100;
	s28 =	simm.s32 $0x6;
	s29 =	simm.s32 $0x4  }
0x5: {  	s30 =	simm.s32 $0x8;
	s31 =	simm.s32 $0x5;
	s2 =	smul.u32 $0x500, s10  }
0x6: {  	[smem:$0x7FF] =	sst s4;
	s1 =	sand.u32 $0x1, s1;
	s9 =	smul.u32 $0xFA, s10  }
0x7: {  	s6 =	sshll.u32 s10, $0x1;
	s15 =	sadd.s32 $0x2C00, s0;
	s24 =	smul.u32 $0xA00, s10  }
0x8: {  	s26 =	sshll.u32 s10, $0x6;
	_ =	strace $0x80000047;
	s5 =	sshll.u32 s1, $0x7  }
0x9: {  	s19 =	sor.u32 s1, s6;
	s20 =	ssub.s32 $0x2, s1;
	s1 =	smul.u32 $0x7D, s1  }
0xa: {  	s2 =	sor.u32 s5, s2;
	s7 =	smul.u32 $0x7D00, s19;
	s8 =	sshrl.u32 s20, $0x1  }
0xb: {  	s5 =	smul.u32 $0xFA0, s19;
	s19 =	simm.s32 $0x180;
	s2 =	sshrl.u32 s2, $0x3  }
0xc: {  	s11 =	ssub.s32 s20, s8;
	s1 =	sadd.s32 s1, s9;
	s9 =	sor.u32 $0x1C0B, s26  }
0xd: {  	s26 =	simm.s32 $0x2;
	s2 =	sadd.s32 s2, s0;
	s21 =	sshrl.u32 s7, $0x3  }
0xe: {  	s0 =	sadd.s32 $0x2C10, s0;
	s1 =	sshll.u32 s1, $0x5;
	s11 =	smax.u32 s11, $0x1  }
0xf: {  	s22 =	sadd.s32 s15, s21;
	s5 =	sadd.s32 s5, s0;
	s0 =	sadd.s32 s0, s1  }
0x10: {  	s2 =	sadd.s32 $0x22000, s2;
	s1 =	sadd.s32 s1, s15;
	s21 =	simm.s32 $0xB  }
0x11: {  	[dreg:$0x4] =	wrdreg s5;
	s23 =	sadd.s32 $0x30, s22;
	s6 =	sadd.s32 $0x50, s22  }
0x12: {  	s25 =	sadd.s32 $0x70, s22;
	s5 =	sshrl.u32 s24, $0x2;
	[dreg:$0x8] =	wrdreg s2  }
0x13: {  	s12 =	sadd.s32 $0x100, s0;
	s13 =	sadd.s32 $0xE0, s0;
	s14 =	sadd.s32 $0xC0, s0  }
.Ltmp0:
0x14: {  	s15 =	sadd.s32 $0xB0, s1;
	s16 =	sadd.s32 $0x80, s0;
	(pc) =	sbr.rel .LBB2_1-.Ltmp0, $4  }
0x15: {  	s22 =	simm.s32 $0x1;
	s24 =	simm.s32 $0x400;
	[dreg:$0x5] =	wrdreg s23  }
0x16: {  	s0 =	simm.s32 $0x9;
	s2 =	simm.s32 $0xA;
	[dreg:$0x6] =	wrdreg s6  }
0x17: {  	s1 =	simm.s32 $0x0;
	[dreg:$0x7] =	wrdreg s25;
	s5 =	sadd.s32 s5, s3  }
0x18: {  	v0 =	vimm.f32 $1.000000000e+00;
	s23 =	simm.s32 $0x50;
	s25 =	simm.s32 $0x200;
	s20 =	sshrl.u32 s5, $0x3  }
.LBB2_4:
0x19: {  	_ =	swait.ge [sflag:s31], $0x80  }
0x1a: {  	[sflag:s31] =	ssyncset.done $0x0  }
0x1b: {  	[sflag:s31] =	ssyncadd.s32 $0xFFFFFF80  }
0x1c: {  	[spmem:s3] =	stream.indirect.scatter.add.f32 [tilespmem:s24], [sflag:$0xA], $0x1, s25, s23, $0xb8;
	[tilespmem:$0x700] =	vst v63  }
0x1d: {  	_ =	swait.ge [sflag:s0], $0x50  }
0x1e: {  	[sflag:s0] =	ssyncset.done $0x0  }
0x1f: {  	[sflag:s0] =	ssyncadd.s32 $0xFFFFFFB0  }
0x20: {  	_ =	swait.ge [sflag:s2], $0x50  }
0x21: {  	[sflag:s2] =	ssyncset.done $0x0  }
0x22: {  	s1 =	sadd.s32 $0x1, s1;
	[sflag:s2] =	ssyncadd.s32 $0xFFFFFFB0  }
0x23: {  	s6 =	simm.s32 $0x20;
	p0 =	sne.s32 s1, s11;
	[bflag:$0x0] =	sbarrier.arrive $0xFFFF  }
.Ltmp1:
0x24: {  	s7 =	simm.s32 $0x10;
	s5 =	rddreg [dreg:$0x8];
	(pc) =	sbr.rel @!p0 .LBB2_5-.Ltmp1, $4  }
0x25: {  	[hbm:s5@s6], [sflag:s9] =	dma.strided [spmem:s20@s7], $0x50, s22, $0x10   }
0x26: {  	_ =	swait.ge [sflag:s21], $0x50  }
0x27: {  	[sflag:s21] =	ssyncset.done $0x0  }
0x28: {  	[sflag:s21] =	ssyncadd.s32 $0xFFFFFFB0  }
.LBB2_1:
0x29: {  	[tilespmem:$0x400] =	vst v0  }
0x2a: {  	[tilespmem:$0x410] =	vst v0  }
0x2b: {  	[tilespmem:$0x420] =	vst v0  }
0x2c: {  	[tilespmem:$0x430] =	vst v0;
	s5 =	rddreg [dreg:$0x4]  }
0x2d: {  	[tilespmem:$0x440] =	vst v0;
	s6 =	rddreg [dreg:$0x5]  }
0x2e: {  	[tilespmem:s4], [sflag:$0x1] =	stream.linear.gather [hbm4b:s5+s4], $0x80, $0x38;
	[tilespmem:$0x700] =	vst v63  }
0x2f: {  	s7 =	rddreg [dreg:$0x6]  }
0x30: {  	[tilespmem:s17], [sflag:$0x2] =	stream.linear.gather [hbm4b:s6+s4], $0x80, $0x38;
	[tilespmem:$0x700] =	vst v63  }
0x31: {  	s8 =	rddreg [dreg:$0x7]  }
0x32: {  	[tilespmem:s18], [sflag:$0x3] =	stream.linear.gather [hbm4b:s7+s4], $0x80, $0x38;
	[tilespmem:$0x700] =	vst v63  }
0x33: {  	s10 =	rddreg [dreg:$0x1]  }
0x34: {  	[tilespmem:s19], [sflag:$0x4] =	stream.linear.gather [hbm4b:s8+s4], $0x80, $0x38;
	[tilespmem:$0x700] =	vst v63  }
0x35: {  	[spmem:s20], [sflag:s9] =	dma.local [hbm:s10], $0x50  }
0x36: {  	_ =	swait.ge [sflag:s21], $0x50  }
0x37: {  	[sflag:s21] =	ssyncset.done $0x0  }
0x38: {  	[sflag:s21] =	ssyncadd.s32 $0xFFFFFFB0  }
0x39: {  	s5 =	simm.s32 $0x0;
	[bflag:$0x0] =	sbarrier.arrive $0xFFFF  }
.LBB2_2:
0x3a: {  	_ =	swait.ge [sflag:s22], $0x80  }
0x3b: {  	p0 =	seq.s32 s5, $0x0;
	[sflag:s22] =	ssyncset.done $0x0  }
0x3c: {  	s6 =	simm.s32 @!p0 $0xA;
	[sflag:s22] =	ssyncadd.s32 $0xFFFFFF80  }
0x3d: {  	[spmem:s3] =	stream.indirect.scatter.add.f32 [tilespmem:s24], [sflag:$0x6], $0x1, s4, s23, $0xb8;
	[tilespmem:$0x700] =	vst v63  }
0x3e: {  	_ =	swait.ge @!p0 [sflag:s6], $0x50  }
0x3f: {  	[sflag:s6] =	ssyncset.done @!p0 $0x0  }
0x40: {  	s10 =	sadd.s32 s5, s16;
	[sflag:s6] =	ssyncadd.s32 @!p0 $0xFFFFFFB0  }
0x41: {  	[tilespmem:s25], [sflag:$0x5] =	stream.linear.gather [hbm4b:s10+s4], $0x80, $0x38;
	[tilespmem:$0x700] =	vst v63  }
0x42: {  	_ =	swait.ge [sflag:s26], $0x80  }
0x43: {  	[sflag:s26] =	ssyncset.done $0x0  }
0x44: {  	[sflag:s26] =	ssyncadd.s32 $0xFFFFFF80  }
0x45: {  	[spmem:s3] =	stream.indirect.scatter.add.f32 [tilespmem:s24], [sflag:$0x7], $0x1, s17, s23, $0xb8;
	[tilespmem:$0x700] =	vst v63  }
0x46: {  	_ =	swait.ge [sflag:s28], $0x50  }
0x47: {  	p0 =	seq.s32 s5, $0xF00;
	[sflag:s28] =	ssyncset.done $0x0  }
0x48: {  	s6 =	simm.s32 @p0 $0x3;
	[sflag:s28] =	ssyncadd.s32 $0xFFFFFFB0  }
0x49: {  	_ =	swait.ge @p0 [sflag:s6], $0x80  }
0x4a: {  	s7 =	simm.s32 @p0 $0x100;
	[sflag:s6] =	ssyncset.done @p0 $0x0  }
0x4b: {  	s8 =	simm.s32 @p0 $0x400;
	[sflag:s6] =	ssyncadd.s32 @p0 $0xFFFFFF80;
	s6 =	simm.s32 @p0 $0x50  }
0x4c: {  	[spmem:s3] =	stream.indirect.scatter.add.f32 @p0 [tilespmem:s8], [sflag:$0x8], $0x1, s7, s6, $0xb8;
	[tilespmem:$0x700] =	vst v63  }
0x4d: {  	s6 =	simm.s32 @p0 $0x7  }
0x4e: {  	_ =	swait.ge @p0 [sflag:s6], $0x50  }
0x4f: {  	[sflag:s6] =	ssyncset.done @p0 $0x0  }
0x50: {  	s7 =	simm.s32 @!p0 $0x0;
	[sflag:s6] =	ssyncadd.s32 @p0 $0xFFFFFFB0;
	s6 =	sadd.s32 @!p0 s5, s15  }
0x51: {  	[tilespmem:s7], [sflag:$0x1] =	stream.linear.gather @!p0 [hbm4b:s6+s7], $0x80, $0x38;
	[tilespmem:$0x700] =	vst v63  }
0x52: {  	s6 =	simm.s32 @!p0 $0x3  }
0x53: {  	_ =	swait.ge @!p0 [sflag:s6], $0x80  }
0x54: {  	s10 =	simm.s32 @!p0 $0x400;
	[sflag:s6] =	ssyncset.done @!p0 $0x0  }
0x55: {  	s8 =	simm.s32 @!p0 $0x100;
	[sflag:s6] =	ssyncadd.s32 @!p0 $0xFFFFFF80;
	s6 =	simm.s32 @!p0 $0x50  }
0x56: {  	[spmem:s3] =	stream.indirect.scatter.add.f32 @!p0 [tilespmem:s10], [sflag:$0x8], $0x1, s8, s6, $0xb8;
	[tilespmem:$0x700] =	vst v63  }
0x57: {  	s6 =	simm.s32 @!p0 $0x7  }
0x58: {  	_ =	swait.ge @!p0 [sflag:s6], $0x50  }
0x59: {  	[sflag:s6] =	ssyncset.done @!p0 $0x0  }
0x5a: {  	s8 =	simm.s32 @!p0 $0x80;
	[sflag:s6] =	ssyncadd.s32 @!p0 $0xFFFFFFB0;
	s6 =	sadd.s32 @!p0 s5, s14  }
0x5b: {  	[tilespmem:s8], [sflag:$0x2] =	stream.linear.gather @!p0 [hbm4b:s6+s7], $0x80, $0x38;
	[tilespmem:$0x700] =	vst v63  }
0x5c: {  	_ =	swait.ge [sflag:s29], $0x80  }
0x5d: {  	[sflag:s29] =	ssyncset.done $0x0  }
.Ltmp2:
0x5e: {  	[sflag:s29] =	ssyncadd.s32 $0xFFFFFF80;
	(pc) =	sbr.rel @p0 .LBB2_4-.Ltmp2, $4  }
0x5f: {  	[spmem:s3] =	stream.indirect.scatter.add.f32 [tilespmem:s24], [sflag:$0x9], $0x1, s19, s23, $0xb8;
	[tilespmem:$0x700] =	vst v63  }
0x60: {  	_ =	swait.ge [sflag:s30], $0x50  }
0x61: {  	[sflag:s30] =	ssyncset.done $0x0  }
0x62: {  	[sflag:s30] =	ssyncadd.s32 $0xFFFFFFB0  }
0x63: {  	s6 =	sadd.s32 s5, s13  }
0x64: {  	[tilespmem:s18], [sflag:$0x3] =	stream.linear.gather [hbm4b:s6+s4], $0x80, $0x38;
	[tilespmem:$0x700] =	vst v63  }
0x65: {  	_ =	swait.ge [sflag:s31], $0x80  }
0x66: {  	[sflag:s31] =	ssyncset.done $0x0  }
0x67: {  	[sflag:s31] =	ssyncadd.s32 $0xFFFFFF80  }
0x68: {  	[spmem:s3] =	stream.indirect.scatter.add.f32 [tilespmem:s24], [sflag:$0xA], $0x1, s25, s23, $0xb8;
	[tilespmem:$0x700] =	vst v63  }
.Ltmp3:
0x69: {  	_ = 	snop;
	(pc) =	sbr.rel .LBB2_2-.Ltmp3, $4  }
0x6a: {  	_ =	swait.ge [sflag:s0], $0x50  }
0x6b: {  	[sflag:s0] =	ssyncset.done $0x0  }
0x6c: {  	s10 =	sadd.s32 s5, s12;
	s5 =	sadd.s32 $0xA0, s5;
	[sflag:s0] =	ssyncadd.s32 $0xFFFFFFB0  }
0x6d: {  	[tilespmem:s19], [sflag:$0x4] =	stream.linear.gather [hbm4b:s10+s4], $0x80, $0x38;
	[tilespmem:$0x700] =	vst v63  }
.LBB2_5:
0x6e: {  	_ =	sfence.sel $0x180000  }
0x6f: {  	[bflag:$0x0] =	sbarrier.arrive $0xFFFF  }
0x70: {  	_ =	strace $0x90000047  }
0x71: {  	s0 =	stileid.u32;
	[bflag:$0x2] =	sbarrier.arrive $0xFFFF  }
0x72: {  	p0 =	sne.s32 s0, $0x0;
	s0 =	rddreg [dreg:$0x3]  }
0x73: {  	s0 =	sadd.s32 @!p0 $0x100000, s0  }
0x74: {  	[sflag:s0] =	ssyncadd.tile.s32 @!p0 $0x1;
	_ =	shalt  }
.Lfunc_end2:
_tile_overlayer_lowered:
.L_overlay_start_2:
0x75: {  	(tag) =	ssettag $0x2  }
0x76: {  	s0 =	rddreg [dreg:$0x0];
	s2 =	stileid.u32  }
0x77: {  	s1 =	rddreg [dreg:$0x1];
	p0 =	sne.s32 s2, $0x0  }
0x78: {  	s3 =	rddreg [dreg:$0x2];
	[bflag:$0x3] =	sbarrier.arrive $0xFFFF;
	s2 =	simm.s32 @!p0 $0x1C0B  }
0x79: {  	[timem:s3], [sflag:s2] =	dma.local @!p0 [hbm:s0], s1  }
0x7a: {  	s0 =	simm.s32 @!p0 $0xB  }
0x7b: {  	_ =	swait.ge @!p0 [sflag:s0], s1  }
0x7c: {  	s1 =	ssub.s32 @!p0 $0x0, s1;
	[sflag:s0] =	ssyncset.done @!p0 $0x0  }
0x7d: {  	[sflag:s0] =	ssyncadd.s32 @!p0 s1  }
0x7e: {  	[bflag:$0x3] =	sbarrier.arrive $0xFFFF  }
0x7f: {  	_ =	shalt  }

</sc_bundles>
